<compile_context>
chip_gen: v7x
topology: tpu7x:2x2x1
jax: 0.10.2.dev20260603
libtpu: 0.0.44.dev20260713+nightly
codegen_flags: <defaults>
</compile_context>

<pallas_src>
import functools

import jax
import jax.numpy as jnp
from jax import lax
from jax.experimental import pallas as pl
from jax.experimental.pallas import tpu as pltpu
from jax.experimental.pallas import tpu_sc as plsc

N_ROWS = 320000
D = 128
N_SEG = 10000
EPS = 0.001

BR1 = 12800
NB1 = N_ROWS // BR1


def _mm_stats_body(a_ref, w_ref, g_ref, bt_ref, y_ref, s_ref, b_ref,
                   cs_acc, ss_acc):
    i = pl.program_id(0)

    @pl.when(i == 0)
    def _():
        cs_acc[...] = jnp.zeros_like(cs_acc)
        ss_acc[...] = jnp.zeros_like(ss_acc)

    x = lax.dot_general(a_ref[...], w_ref[...], (((1,), (1,)), ((), ())),
                        preferred_element_type=jnp.float32)
    y_ref[...] = x
    cs_acc[...] += jnp.sum(x, axis=0, keepdims=True)
    ss_acc[...] += jnp.sum(x * x, axis=0, keepdims=True)

    @pl.when(i == NB1 - 1)
    def _():
        mean = cs_acc[...] / N_ROWS
        var = ss_acc[...] / N_ROWS - mean * mean
        s = g_ref[...] / jnp.sqrt(var + EPS)
        s_ref[...] = s
        b_ref[...] = bt_ref[...] - mean * s


def _mm_stats_pass(a, w, gamma_row, beta_row):
    return pl.pallas_call(
        _mm_stats_body,
        grid=(NB1,),
        in_specs=[
            pl.BlockSpec((BR1, D), lambda i: (i, 0)),
            pl.BlockSpec((D, D), lambda i: (0, 0)),
            pl.BlockSpec((1, D), lambda i: (0, 0)),
            pl.BlockSpec((1, D), lambda i: (0, 0)),
        ],
        out_specs=[
            pl.BlockSpec((BR1, D), lambda i: (i, 0)),
            pl.BlockSpec((1, D), lambda i: (0, 0)),
            pl.BlockSpec((1, D), lambda i: (0, 0)),
        ],
        out_shape=[
            jax.ShapeDtypeStruct((N_ROWS, D), jnp.float32),
            jax.ShapeDtypeStruct((1, D), jnp.float32),
            jax.ShapeDtypeStruct((1, D), jnp.float32),
        ],
        scratch_shapes=[
            pltpu.VMEM((1, D), jnp.float32),
            pltpu.VMEM((1, D), jnp.float32),
        ],
    )(a, w, gamma_row, beta_row)


_SC_INFO = plsc.get_sparse_core_info()
NC = _SC_INFO.num_cores
NS = _SC_INFO.num_subcores
NW = NC * NS
L = _SC_INFO.num_lanes
NG = D // L
ROWS_PER_W = N_ROWS // NW
WIN = 96
NWIN = ROWS_PER_W // WIN
TAIL = ROWS_PER_W - NWIN * WIN
N_SEG_PAD = 10240
SEG_PER_TILE = N_SEG_PAD // NS
NBUF = 3


def _sc_segment_sum(y, idx, zeros, s_row, b_row):
    mesh = plsc.VectorSubcoreMesh(core_axis_name="c", subcore_axis_name="s")

    scratch = (
        [pltpu.VMEM((WIN,), jnp.int32) for _ in range(NBUF)]
        + [pltpu.VMEM((WIN, D), jnp.float32) for _ in range(NBUF)]
        + [pltpu.VMEM((TAIL,), jnp.int32), pltpu.VMEM((TAIL, D), jnp.float32),
           pltpu.VMEM((D,), jnp.float32), pltpu.VMEM((D,), jnp.float32),
           pltpu.VMEM_SHARED((N_SEG_PAD, D), jnp.float32)]
        + [pltpu.SemaphoreType.DMA for _ in range(3 * NBUF + 1)]
    )

    @functools.partial(
        pl.kernel,
        out_type=jax.ShapeDtypeStruct((NC * N_SEG_PAD, D), jnp.float32),
        mesh=mesh,
        scratch_types=scratch,
    )
    def k(y_hbm, idx_hbm, zeros_hbm, s_hbm, b_hbm, out_hbm, *refs):
        idx_bufs = refs[0:NBUF]
        y_bufs = refs[NBUF:2 * NBUF]
        idx_t, y_t, s_v, b_v, acc = refs[2 * NBUF:2 * NBUF + 5]
        sems = refs[2 * NBUF + 5:]
        sem_i = sems[0:NBUF]
        sem_y = sems[NBUF:2 * NBUF]
        sem_s = sems[2 * NBUF:3 * NBUF]
        sem_misc = sems[3 * NBUF]

        c = lax.axis_index("c")
        s = lax.axis_index("s")
        wid = s * NC + c
        base0 = wid * ROWS_PER_W

        def start_gather(w, b):
            base = base0 + w * WIN
            pltpu.async_copy(idx_hbm.at[pl.ds(base, WIN)], idx_bufs[b], sem_i[b])
            pltpu.async_copy(y_hbm.at[pl.ds(base, WIN)], y_bufs[b], sem_y[b])

        def wait_gather(b):
            pltpu.make_async_copy(idx_hbm.at[pl.ds(0, WIN)], idx_bufs[b],
                                  sem_i[b]).wait()
            pltpu.make_async_copy(y_hbm.at[pl.ds(0, WIN)], y_bufs[b],
                                  sem_y[b]).wait()

        def start_scatter(b):
            pltpu.async_copy(y_bufs[b], acc.at[idx_bufs[b]], sem_s[b], add=True)

        def wait_scatter(b):
            pltpu.make_async_copy(y_bufs[b], acc.at[idx_bufs[b]],
                                  sem_s[b]).wait()

        pltpu.sync_copy(s_hbm, s_v)
        pltpu.sync_copy(b_hbm, b_v)
        s_regs = [s_v[pl.ds(j * L, L)] for j in range(NG)]
        b_regs = [b_v[pl.ds(j * L, L)] for j in range(NG)]

        def affine(b):
            yb = y_bufs[b]

            def row(r, carry):
                for j in range(NG):
                    v = yb[r, pl.ds(j * L, L)]
                    yb[r, pl.ds(j * L, L)] = jnp.maximum(
                        v * s_regs[j] + b_regs[j], 0.0)
                return carry

            lax.fori_loop(0, WIN, row, 0)

        pltpu.sync_copy(zeros_hbm.at[pl.ds(s * SEG_PER_TILE, SEG_PER_TILE)],
                        acc.at[pl.ds(s * SEG_PER_TILE, SEG_PER_TILE)])
        plsc.subcore_barrier()

        start_gather(0, 0)
        start_gather(1, 1)
        wait_gather(0)
        affine(0)
        start_scatter(0)
        start_gather(2, 2)

        def body3(i, carry):
            w0 = i * NBUF + 1
            for u in range(NBUF):
                w = w0 + u
                b = (1 + u) % NBUF
                bb = u
                wait_gather(b)
                affine(b)
                start_scatter(b)
                wait_scatter(bb)
                start_gather(w + 2, bb)
            return carry

        n_triples = (NWIN - 3) // NBUF
        lax.fori_loop(0, n_triples, body3, 0)
        for w in range(n_triples * NBUF + 1, NWIN):
            b = w % NBUF
            wait_gather(b)
            affine(b)
            start_scatter(b)
            if w + 2 < NWIN:
                bb = (w + 2) % NBUF
                wait_scatter(bb)
                start_gather(w + 2, bb)

        tbase = base0 + NWIN * WIN
        pltpu.sync_copy(idx_hbm.at[pl.ds(tbase, TAIL)], idx_t)
        pltpu.sync_copy(y_hbm.at[pl.ds(tbase, TAIL)], y_t)

        def trow(r, carry):
            for j in range(NG):
                v = y_t[r, pl.ds(j * L, L)]
                y_t[r, pl.ds(j * L, L)] = jnp.maximum(
                    v * s_regs[j] + b_regs[j], 0.0)
            return carry

        lax.fori_loop(0, TAIL, trow, 0)
        pltpu.sync_copy(y_t, acc.at[idx_t], add=True)

        for b in range(NBUF):
            wait_scatter(b)

        plsc.subcore_barrier()
        pltpu.sync_copy(
            acc.at[pl.ds(s * SEG_PER_TILE, SEG_PER_TILE)],
            out_hbm.at[pl.ds(c * N_SEG_PAD + s * SEG_PER_TILE, SEG_PER_TILE)])

    return k(y, idx, zeros, s_row, b_row)


BR3 = 1000
NB3 = N_SEG // BR3


def _combine_body(p_ref, o_ref):
    o_ref[...] = p_ref[0] + p_ref[1]


def _combine(p):
    return pl.pallas_call(
        _combine_body,
        grid=(NB3,),
        in_specs=[pl.BlockSpec((2, BR3, D), lambda i: (0, i, 0))],
        out_specs=pl.BlockSpec((BR3, D), lambda i: (i, 0)),
        out_shape=jax.ShapeDtypeStruct((N_SEG, D), jnp.float32),
    )(p)


def kernel(inputs, unq_inv, W, gamma, beta):
    idx = unq_inv.astype(jnp.int32)
    y0, s_row, b_row = _mm_stats_pass(inputs, W, gamma.reshape(1, D),
                                      beta.reshape(1, D))
    zeros = jnp.zeros((N_SEG_PAD, D), jnp.float32)
    partials = _sc_segment_sum(y0, idx, zeros, s_row.reshape(D),
                               b_row.reshape(D))
    return _combine(partials.reshape(NC, N_SEG_PAD, D))

# --- scband reference (transcript-rebuilt; emitter-appended) ---
"""Pipeline reference for scband-sum-only-75033078661464 (READ-ONLY COPY).

The authoritative reference and input builder live on the scoring server;
editing this copy changes nothing except your own understanding.
"""

import jax, jax.numpy as jnp
import numpy as np

NUM_SEGMENTS = 10000
EPS = 0.001

def setup_inputs(seed: int = 0) -> dict:
    key = jax.random.key(seed)
    k1, k2, k3 = jax.random.split(key, 3)
    inputs = jax.random.normal(k1, (320000, 128), dtype=jnp.float32)
    unq_inv = jnp.sort(jax.random.randint(k2, (320000,), 0, NUM_SEGMENTS, dtype=jnp.int64))
    # Parameters: Linear(128->128, bias=False) weight [out,in]; BatchNorm1d gamma/beta
    W = jax.random.normal(k3, (128, 128), dtype=jnp.float32) * (1.0 / np.sqrt(128.0))
    gamma = jnp.ones((128,), dtype=jnp.float32)
    beta = jnp.zeros((128,), dtype=jnp.float32)
    return {"inputs": inputs, "unq_inv": unq_inv, "W": W, "gamma": gamma, "beta": beta}

def reference(inputs, unq_inv, W, gamma, beta):
    # Linear (no bias)
    x = inputs @ W.T
    # BatchNorm1d in training mode: normalize with batch statistics (biased var), eps=0.001
    mean = jnp.mean(x, axis=0)
    var = jnp.mean((x - mean) ** 2, axis=0)
    x = (x - mean) / jnp.sqrt(var + EPS) * gamma + beta
    # ReLU
    x = jnp.maximum(x, 0.0)
    # scatter_add over dim 0 by unq_inv -> segment sum
    group_sum = jax.ops.segment_sum(x, unq_inv, num_segments=NUM_SEGMENTS)
    return group_sum

if __name__ == "__main__":
    import jax
    _d = setup_inputs()
    print(jax.jit(kernel)(*tuple(_d.values())))

</pallas_src>

<mosaic_0001>
#map = affine_map<(d0, d1) -> (0, 0)>
#map1 = affine_map<(d0, d1) -> (0)>
module attributes {stable_mosaic.version = 14 : i64} {
  func.func @k(%arg0: i32, %arg1: i32, %arg2: memref<320000x128xf32, #tpu.memory_space<hbm>>, %arg3: memref<320000xi32, #tpu.memory_space<hbm>>, %arg4: memref<10240x128xf32, #tpu.memory_space<hbm>>, %arg5: memref<128xf32, #tpu.memory_space<hbm>>, %arg6: memref<128xf32, #tpu.memory_space<hbm>>, %arg7: memref<20480x128xf32, #tpu.memory_space<hbm>>, %arg8: memref<96xi32, #tpu.memory_space<vmem>>, %arg9: memref<96xi32, #tpu.memory_space<vmem>>, %arg10: memref<96xi32, #tpu.memory_space<vmem>>, %arg11: memref<96x128xf32, #tpu.memory_space<vmem>>, %arg12: memref<96x128xf32, #tpu.memory_space<vmem>>, %arg13: memref<96x128xf32, #tpu.memory_space<vmem>>, %arg14: memref<16xi32, #tpu.memory_space<vmem>>, %arg15: memref<16x128xf32, #tpu.memory_space<vmem>>, %arg16: memref<128xf32, #tpu.memory_space<vmem>>, %arg17: memref<128xf32, #tpu.memory_space<vmem>>, %arg18: memref<10240x128xf32, #tpu.memory_space<vmem_shared>>, %arg19: memref<!tpu.dma_semaphore, #tpu.memory_space<semaphore_mem>>, %arg20: memref<!tpu.dma_semaphore, #tpu.memory_space<semaphore_mem>>, %arg21: memref<!tpu.dma_semaphore, #tpu.memory_space<semaphore_mem>>, %arg22: memref<!tpu.dma_semaphore, #tpu.memory_space<semaphore_mem>>, %arg23: memref<!tpu.dma_semaphore, #tpu.memory_space<semaphore_mem>>, %arg24: memref<!tpu.dma_semaphore, #tpu.memory_space<semaphore_mem>>, %arg25: memref<!tpu.dma_semaphore, #tpu.memory_space<semaphore_mem>>, %arg26: memref<!tpu.dma_semaphore, #tpu.memory_space<semaphore_mem>>, %arg27: memref<!tpu.dma_semaphore, #tpu.memory_space<semaphore_mem>>, %arg28: memref<!tpu.dma_semaphore, #tpu.memory_space<semaphore_mem>>) attributes {dimension_semantics = [#tpu.dimension_semantics<core_parallel>, #tpu.dimension_semantics<subcore_parallel>], iteration_bounds = array<i64: 2, 16>, scalar_prefetch = 0 : i64, scratch_operands = 21 : i64, tpu.core_type = #tpu.core_type<sc_vector_subcore>, window_params = [{transform_indices = #map}, {transform_indices = #map1}, {transform_indices = #map}, {transform_indices = #map1}, {transform_indices = #map1}, {transform_indices = #map}]} {
    %mul3A = arith.constant 2 : i32
    %mul3A_0 = arith.muli %arg1, %mul3A : i32
    %add3A = arith.addi %mul3A_0, %arg0 : i32
    %mul3A_1 = arith.constant 10000 : i32
    %mul3A_2 = arith.muli %add3A, %mul3A_1 : i32
    "tpu.region"() ({
      %run_scoped3A = tpu.sem_alloc : memref<!tpu.dma_semaphore, #tpu.memory_space<semaphore_mem>>
      tpu.enqueue_dma source(%arg5 : memref<128xf32, #tpu.memory_space<hbm>>) target(%arg16 : memref<128xf32, #tpu.memory_space<vmem>>) target_semaphore(%run_scoped3A : memref<!tpu.dma_semaphore, #tpu.memory_space<semaphore_mem>>)
      tpu.wait_dma2 semaphore(%run_scoped3A : memref<!tpu.dma_semaphore, #tpu.memory_space<semaphore_mem>>) src(%arg5 : memref<128xf32, #tpu.memory_space<hbm>>) dst(%arg16 : memref<128xf32, #tpu.memory_space<vmem>>)
      tpu.yield
    }) : () -> ()
    "tpu.region"() ({
      %run_scoped3A = tpu.sem_alloc : memref<!tpu.dma_semaphore, #tpu.memory_space<semaphore_mem>>
      tpu.enqueue_dma source(%arg6 : memref<128xf32, #tpu.memory_space<hbm>>) target(%arg17 : memref<128xf32, #tpu.memory_space<vmem>>) target_semaphore(%run_scoped3A : memref<!tpu.dma_semaphore, #tpu.memory_space<semaphore_mem>>)
      tpu.wait_dma2 semaphore(%run_scoped3A : memref<!tpu.dma_semaphore, #tpu.memory_space<semaphore_mem>>) src(%arg6 : memref<128xf32, #tpu.memory_space<hbm>>) dst(%arg17 : memref<128xf32, #tpu.memory_space<vmem>>)
      tpu.yield
    }) : () -> ()
    %get3A = arith.constant 0 : index
    %get3A_3 = tpu.vector_load %arg16[%get3A] {strides = array<i32>} : memref<128xf32, #tpu.memory_space<vmem>>, vector<16xf32>,
    %get3A_4 = vector.shape_cast %get3A_3 : vector<16xf32> to vector<16xf32>
    %get3A_5 = arith.constant 16 : index
    %get3A_6 = tpu.vector_load %arg16[%get3A_5] {strides = array<i32>} : memref<128xf32, #tpu.memory_space<vmem>>, vector<16xf32>,
    %get3A_7 = vector.shape_cast %get3A_6 : vector<16xf32> to vector<16xf32>
    %get3A_8 = arith.constant 32 : index
    %get3A_9 = tpu.vector_load %arg16[%get3A_8] {strides = array<i32>} : memref<128xf32, #tpu.memory_space<vmem>>, vector<16xf32>,
    %get3A_10 = vector.shape_cast %get3A_9 : vector<16xf32> to vector<16xf32>
    %get3A_11 = arith.constant 48 : index
    %get3A_12 = tpu.vector_load %arg16[%get3A_11] {strides = array<i32>} : memref<128xf32, #tpu.memory_space<vmem>>, vector<16xf32>,
    %get3A_13 = vector.shape_cast %get3A_12 : vector<16xf32> to vector<16xf32>
    %get3A_14 = arith.constant 64 : index
    %get3A_15 = tpu.vector_load %arg16[%get3A_14] {strides = array<i32>} : memref<128xf32, #tpu.memory_space<vmem>>, vector<16xf32>,
    %get3A_16 = vector.shape_cast %get3A_15 : vector<16xf32> to vector<16xf32>
    %get3A_17 = arith.constant 80 : index
    %get3A_18 = tpu.vector_load %arg16[%get3A_17] {strides = array<i32>} : memref<128xf32, #tpu.memory_space<vmem>>, vector<16xf32>,
    %get3A_19 = vector.shape_cast %get3A_18 : vector<16xf32> to vector<16xf32>
    %get3A_20 = arith.constant 96 : index
    %get3A_21 = tpu.vector_load %arg16[%get3A_20] {strides = array<i32>} : memref<128xf32, #tpu.memory_space<vmem>>, vector<16xf32>,
    %get3A_22 = vector.shape_cast %get3A_21 : vector<16xf32> to vector<16xf32>
    %get3A_23 = arith.constant 112 : index
    %get3A_24 = tpu.vector_load %arg16[%get3A_23] {strides = array<i32>} : memref<128xf32, #tpu.memory_space<vmem>>, vector<16xf32>,
    %get3A_25 = vector.shape_cast %get3A_24 : vector<16xf32> to vector<16xf32>
    %get3A_26 = arith.constant 0 : index
    %get3A_27 = tpu.vector_load %arg17[%get3A_26] {strides = array<i32>} : memref<128xf32, #tpu.memory_space<vmem>>, vector<16xf32>,
    %get3A_28 = vector.shape_cast %get3A_27 : vector<16xf32> to vector<16xf32>
    %get3A_29 = arith.constant 16 : index
    %get3A_30 = tpu.vector_load %arg17[%get3A_29] {strides = array<i32>} : memref<128xf32, #tpu.memory_space<vmem>>, vector<16xf32>,
    %get3A_31 = vector.shape_cast %get3A_30 : vector<16xf32> to vector<16xf32>
    %get3A_32 = arith.constant 32 : index
    %get3A_33 = tpu.vector_load %arg17[%get3A_32] {strides = array<i32>} : memref<128xf32, #tpu.memory_space<vmem>>, vector<16xf32>,
    %get3A_34 = vector.shape_cast %get3A_33 : vector<16xf32> to vector<16xf32>
    %get3A_35 = arith.constant 48 : index
    %get3A_36 = tpu.vector_load %arg17[%get3A_35] {strides = array<i32>} : memref<128xf32, #tpu.memory_space<vmem>>, vector<16xf32>,
    %get3A_37 = vector.shape_cast %get3A_36 : vector<16xf32> to vector<16xf32>
    %get3A_38 = arith.constant 64 : index
    %get3A_39 = tpu.vector_load %arg17[%get3A_38] {strides = array<i32>} : memref<128xf32, #tpu.memory_space<vmem>>, vector<16xf32>,
    %get3A_40 = vector.shape_cast %get3A_39 : vector<16xf32> to vector<16xf32>
    %get3A_41 = arith.constant 80 : index
    %get3A_42 = tpu.vector_load %arg17[%get3A_41] {strides = array<i32>} : memref<128xf32, #tpu.memory_space<vmem>>, vector<16xf32>,
    %get3A_43 = vector.shape_cast %get3A_42 : vector<16xf32> to vector<16xf32>
    %get3A_44 = arith.constant 96 : index
    %get3A_45 = tpu.vector_load %arg17[%get3A_44] {strides = array<i32>} : memref<128xf32, #tpu.memory_space<vmem>>, vector<16xf32>,
    %get3A_46 = vector.shape_cast %get3A_45 : vector<16xf32> to vector<16xf32>
    %get3A_47 = arith.constant 112 : index
    %get3A_48 = tpu.vector_load %arg17[%get3A_47] {strides = array<i32>} : memref<128xf32, #tpu.memory_space<vmem>>, vector<16xf32>,
    %get3A_49 = vector.shape_cast %get3A_48 : vector<16xf32> to vector<16xf32>
    %mul3A_50 = arith.constant 640 : i32
    %mul3A_51 = arith.muli %arg1, %mul3A_50 : i32
    %mul3A_52 = arith.constant 640 : i32
    %mul3A_53 = arith.muli %arg1, %mul3A_52 : i32
    "tpu.region"() ({
      %run_scoped3A = tpu.sem_alloc : memref<!tpu.dma_semaphore, #tpu.memory_space<semaphore_mem>>
      %dma_start3A_223 = arith.constant 0 : i32
      %dma_start3A_224 = tpu.memref_slice %arg18[%mul3A_53, %dma_start3A_223] : memref<10240x128xf32, #tpu.memory_space<vmem_shared>> -> memref<640x128xf32, #tpu.memory_space<vmem_shared>>
      %dma_start3A_225 = arith.constant 0 : i32
      %dma_start3A_226 = tpu.memref_slice %arg4[%mul3A_51, %dma_start3A_225] : memref<10240x128xf32, #tpu.memory_space<hbm>> -> memref<640x128xf32, #tpu.memory_space<hbm>>
      tpu.enqueue_dma source(%dma_start3A_226 : memref<640x128xf32, #tpu.memory_space<hbm>>) target(%dma_start3A_224 : memref<640x128xf32, #tpu.memory_space<vmem_shared>>) target_semaphore(%run_scoped3A : memref<!tpu.dma_semaphore, #tpu.memory_space<semaphore_mem>>)
      %dma_wait3A_227 = arith.constant 0 : i32
      %dma_wait3A_228 = tpu.memref_slice %arg18[%mul3A_53, %dma_wait3A_227] : memref<10240x128xf32, #tpu.memory_space<vmem_shared>> -> memref<640x128xf32, #tpu.memory_space<vmem_shared>>
      %dma_wait3A_229 = arith.constant 0 : i32
      %dma_wait3A_230 = tpu.memref_slice %arg4[%mul3A_51, %dma_wait3A_229] : memref<10240x128xf32, #tpu.memory_space<hbm>> -> memref<640x128xf32, #tpu.memory_space<hbm>>
      tpu.wait_dma2 semaphore(%run_scoped3A : memref<!tpu.dma_semaphore, #tpu.memory_space<semaphore_mem>>) src(%dma_wait3A_230 : memref<640x128xf32, #tpu.memory_space<hbm>>) dst(%dma_wait3A_228 : memref<640x128xf32, #tpu.memory_space<vmem_shared>>)
      tpu.yield
    }) : () -> ()
    %barrier3A = arith.constant 0 : index
    tpu.barrier barrier_id(%barrier3A)
    %add3A_54 = arith.constant 0 : i32
    %add3A_55 = arith.addi %mul3A_2, %add3A_54 : i32
    %dma_start3A = tpu.memref_slice %arg3[%add3A_55] : memref<320000xi32, #tpu.memory_space<hbm>> -> memref<96xi32, #tpu.memory_space<hbm>>
    %dma_start3A_56 = tpu.memref_slice %arg3[%add3A_55] : memref<320000xi32, #tpu.memory_space<hbm>> -> memref<96xi32, #tpu.memory_space<hbm>>
    tpu.enqueue_dma source(%dma_start3A_56 : memref<96xi32, #tpu.memory_space<hbm>>) target(%arg8 : memref<96xi32, #tpu.memory_space<vmem>>) target_semaphore(%arg19 : memref<!tpu.dma_semaphore, #tpu.memory_space<semaphore_mem>>)
    %dma_start3A_57 = arith.constant 0 : i32
    %dma_start3A_58 = tpu.memref_slice %arg2[%add3A_55, %dma_start3A_57] : memref<320000x128xf32, #tpu.memory_space<hbm>> -> memref<96x128xf32, #tpu.memory_space<hbm>>
    %dma_start3A_59 = arith.constant 0 : i32
    %dma_start3A_60 = tpu.memref_slice %arg2[%add3A_55, %dma_start3A_59] : memref<320000x128xf32, #tpu.memory_space<hbm>> -> memref<96x128xf32, #tpu.memory_space<hbm>>
    tpu.enqueue_dma source(%dma_start3A_60 : memref<96x128xf32, #tpu.memory_space<hbm>>) target(%arg11 : memref<96x128xf32, #tpu.memory_space<vmem>>) target_semaphore(%arg22 : memref<!tpu.dma_semaphore, #tpu.memory_space<semaphore_mem>>)
    %add3A_61 = arith.constant 96 : i32
    %add3A_62 = arith.addi %mul3A_2, %add3A_61 : i32
    %dma_start3A_63 = tpu.memref_slice %arg3[%add3A_62] : memref<320000xi32, #tpu.memory_space<hbm>> -> memref<96xi32, #tpu.memory_space<hbm>>
    %dma_start3A_64 = tpu.memref_slice %arg3[%add3A_62] : memref<320000xi32, #tpu.memory_space<hbm>> -> memref<96xi32, #tpu.memory_space<hbm>>
    tpu.enqueue_dma source(%dma_start3A_64 : memref<96xi32, #tpu.memory_space<hbm>>) target(%arg9 : memref<96xi32, #tpu.memory_space<vmem>>) target_semaphore(%arg20 : memref<!tpu.dma_semaphore, #tpu.memory_space<semaphore_mem>>)
    %dma_start3A_65 = arith.constant 0 : i32
    %dma_start3A_66 = tpu.memref_slice %arg2[%add3A_62, %dma_start3A_65] : memref<320000x128xf32, #tpu.memory_space<hbm>> -> memref<96x128xf32, #tpu.memory_space<hbm>>
    %dma_start3A_67 = arith.constant 0 : i32
    %dma_start3A_68 = tpu.memref_slice %arg2[%add3A_62, %dma_start3A_67] : memref<320000x128xf32, #tpu.memory_space<hbm>> -> memref<96x128xf32, #tpu.memory_space<hbm>>
    tpu.enqueue_dma source(%dma_start3A_68 : memref<96x128xf32, #tpu.memory_space<hbm>>) target(%arg12 : memref<96x128xf32, #tpu.memory_space<vmem>>) target_semaphore(%arg23 : memref<!tpu.dma_semaphore, #tpu.memory_space<semaphore_mem>>)
    %dma_wait3A = arith.constant 0 : i32
    %dma_wait3A_69 = tpu.memref_slice %arg3[%dma_wait3A] : memref<320000xi32, #tpu.memory_space<hbm>> -> memref<96xi32, #tpu.memory_space<hbm>>
    %dma_wait3A_70 = arith.constant 0 : i32
    %dma_wait3A_71 = tpu.memref_slice %arg3[%dma_wait3A_70] : memref<320000xi32, #tpu.memory_space<hbm>> -> memref<96xi32, #tpu.memory_space<hbm>>
    tpu.wait_dma2 semaphore(%arg19 : memref<!tpu.dma_semaphore, #tpu.memory_space<semaphore_mem>>) src(%dma_wait3A_71 : memref<96xi32, #tpu.memory_space<hbm>>) dst(%arg8 : memref<96xi32, #tpu.memory_space<vmem>>)
    %dma_wait3A_72 = arith.constant 0 : i32
    %dma_wait3A_73 = arith.constant 0 : i32
    %dma_wait3A_74 = tpu.memref_slice %arg2[%dma_wait3A_72, %dma_wait3A_73] : memref<320000x128xf32, #tpu.memory_space<hbm>> -> memref<96x128xf32, #tpu.memory_space<hbm>>
    %dma_wait3A_75 = arith.constant 0 : i32
    %dma_wait3A_76 = arith.constant 0 : i32
    %dma_wait3A_77 = tpu.memref_slice %arg2[%dma_wait3A_75, %dma_wait3A_76] : memref<320000x128xf32, #tpu.memory_space<hbm>> -> memref<96x128xf32, #tpu.memory_space<hbm>>
    tpu.wait_dma2 semaphore(%arg22 : memref<!tpu.dma_semaphore, #tpu.memory_space<semaphore_mem>>) src(%dma_wait3A_77 : memref<96x128xf32, #tpu.memory_space<hbm>>) dst(%arg11 : memref<96x128xf32, #tpu.memory_space<vmem>>)
    %scan3A = arith.constant 0 : i32
    %scan3A_78 = arith.constant 0 : i32
    %scan3A_79 = arith.constant 96 : i32
    %scan3A_80 = arith.addi %scan3A_78, %scan3A_79 : i32
    %scan3A_81 = arith.constant 1 : i32
    scf.for %scan3A_223 = %scan3A_78 to %scan3A_80 step %scan3A_81  : i32 {
      %get3A_224 = arith.index_cast %scan3A_223 : i32 to index
      %get3A_225 = arith.constant 0 : index
      %get3A_226 = tpu.vector_load %arg11[%get3A_224, %get3A_225] {strides = array<i32>} : memref<96x128xf32, #tpu.memory_space<vmem>>, vector<1x16xf32>,
      %get3A_227 = vector.shape_cast %get3A_226 : vector<1x16xf32> to vector<16xf32>
      %mul3A_228 = arith.mulf %get3A_227, %get3A_4 : vector<16xf32>
      %add3A_229 = arith.addf %mul3A_228, %get3A_28 : vector<16xf32>
      %max3A = arith.constant 0.000000e+00 : f32
      %max3A_230 = vector.broadcast %max3A : f32 to vector<16xf32>
      %max3A_231 = arith.maximumf %add3A_229, %max3A_230 : vector<16xf32>
      %swap3A = arith.index_cast %scan3A_223 : i32 to index
      %swap3A_232 = arith.constant 0 : index
      %swap3A_233 = tpu.vector_load %arg11[%swap3A, %swap3A_232] {strides = array<i32>} : memref<96x128xf32, #tpu.memory_space<vmem>>, vector<1x16xf32>,
      %swap3A_234 = vector.shape_cast %swap3A_233 : vector<1x16xf32> to vector<16xf32>
      %swap3A_235 = vector.shape_cast %max3A_231 : vector<16xf32> to vector<1x16xf32>
      tpu.vector_store %arg11[%swap3A, %swap3A_232], %swap3A_235 {strides = array<i32>} : memref<96x128xf32, #tpu.memory_space<vmem>>, vector<1x16xf32>,
      %get3A_236 = arith.index_cast %scan3A_223 : i32 to index
      %get3A_237 = arith.constant 16 : index
      %get3A_238 = tpu.vector_load %arg11[%get3A_236, %get3A_237] {strides = array<i32>} : memref<96x128xf32, #tpu.memory_space<vmem>>, vector<1x16xf32>,
      %get3A_239 = vector.shape_cast %get3A_238 : vector<1x16xf32> to vector<16xf32>
      %mul3A_240 = arith.mulf %get3A_239, %get3A_7 : vector<16xf32>
      %add3A_241 = arith.addf %mul3A_240, %get3A_31 : vector<16xf32>
      %max3A_242 = arith.constant 0.000000e+00 : f32
      %max3A_243 = vector.broadcast %max3A_242 : f32 to vector<16xf32>
      %max3A_244 = arith.maximumf %add3A_241, %max3A_243 : vector<16xf32>
      %swap3A_245 = arith.index_cast %scan3A_223 : i32 to index
      %swap3A_246 = arith.constant 16 : index
      %swap3A_247 = tpu.vector_load %arg11[%swap3A_245, %swap3A_246] {strides = array<i32>} : memref<96x128xf32, #tpu.memory_space<vmem>>, vector<1x16xf32>,
      %swap3A_248 = vector.shape_cast %swap3A_247 : vector<1x16xf32> to vector<16xf32>
      %swap3A_249 = vector.shape_cast %max3A_244 : vector<16xf32> to vector<1x16xf32>
      tpu.vector_store %arg11[%swap3A_245, %swap3A_246], %swap3A_249 {strides = array<i32>} : memref<96x128xf32, #tpu.memory_space<vmem>>, vector<1x16xf32>,
      %get3A_250 = arith.index_cast %scan3A_223 : i32 to index
      %get3A_251 = arith.constant 32 : index
      %get3A_252 = tpu.vector_load %arg11[%get3A_250, %get3A_251] {strides = array<i32>} : memref<96x128xf32, #tpu.memory_space<vmem>>, vector<1x16xf32>,
      %get3A_253 = vector.shape_cast %get3A_252 : vector<1x16xf32> to vector<16xf32>
      %mul3A_254 = arith.mulf %get3A_253, %get3A_10 : vector<16xf32>
      %add3A_255 = arith.addf %mul3A_254, %get3A_34 : vector<16xf32>
      %max3A_256 = arith.constant 0.000000e+00 : f32
      %max3A_257 = vector.broadcast %max3A_256 : f32 to vector<16xf32>
      %max3A_258 = arith.maximumf %add3A_255, %max3A_257 : vector<16xf32>
      %swap3A_259 = arith.index_cast %scan3A_223 : i32 to index
      %swap3A_260 = arith.constant 32 : index
      %swap3A_261 = tpu.vector_load %arg11[%swap3A_259, %swap3A_260] {strides = array<i32>} : memref<96x128xf32, #tpu.memory_space<vmem>>, vector<1x16xf32>,
      %swap3A_262 = vector.shape_cast %swap3A_261 : vector<1x16xf32> to vector<16xf32>
      %swap3A_263 = vector.shape_cast %max3A_258 : vector<16xf32> to vector<1x16xf32>
      tpu.vector_store %arg11[%swap3A_259, %swap3A_260], %swap3A_263 {strides = array<i32>} : memref<96x128xf32, #tpu.memory_space<vmem>>, vector<1x16xf32>,
      %get3A_264 = arith.index_cast %scan3A_223 : i32 to index
      %get3A_265 = arith.constant 48 : index
      %get3A_266 = tpu.vector_load %arg11[%get3A_264, %get3A_265] {strides = array<i32>} : memref<96x128xf32, #tpu.memory_space<vmem>>, vector<1x16xf32>,
      %get3A_267 = vector.shape_cast %get3A_266 : vector<1x16xf32> to vector<16xf32>
      %mul3A_268 = arith.mulf %get3A_267, %get3A_13 : vector<16xf32>
      %add3A_269 = arith.addf %mul3A_268, %get3A_37 : vector<16xf32>
      %max3A_270 = arith.constant 0.000000e+00 : f32
      %max3A_271 = vector.broadcast %max3A_270 : f32 to vector<16xf32>
      %max3A_272 = arith.maximumf %add3A_269, %max3A_271 : vector<16xf32>
      %swap3A_273 = arith.index_cast %scan3A_223 : i32 to index
      %swap3A_274 = arith.constant 48 : index
      %swap3A_275 = tpu.vector_load %arg11[%swap3A_273, %swap3A_274] {strides = array<i32>} : memref<96x128xf32, #tpu.memory_space<vmem>>, vector<1x16xf32>,
      %swap3A_276 = vector.shape_cast %swap3A_275 : vector<1x16xf32> to vector<16xf32>
      %swap3A_277 = vector.shape_cast %max3A_272 : vector<16xf32> to vector<1x16xf32>
      tpu.vector_store %arg11[%swap3A_273, %swap3A_274], %swap3A_277 {strides = array<i32>} : memref<96x128xf32, #tpu.memory_space<vmem>>, vector<1x16xf32>,
      %get3A_278 = arith.index_cast %scan3A_223 : i32 to index
      %get3A_279 = arith.constant 64 : index
      %get3A_280 = tpu.vector_load %arg11[%get3A_278, %get3A_279] {strides = array<i32>} : memref<96x128xf32, #tpu.memory_space<vmem>>, vector<1x16xf32>,
      %get3A_281 = vector.shape_cast %get3A_280 : vector<1x16xf32> to vector<16xf32>
      %mul3A_282 = arith.mulf %get3A_281, %get3A_16 : vector<16xf32>
      %add3A_283 = arith.addf %mul3A_282, %get3A_40 : vector<16xf32>
      %max3A_284 = arith.constant 0.000000e+00 : f32
      %max3A_285 = vector.broadcast %max3A_284 : f32 to vector<16xf32>
      %max3A_286 = arith.maximumf %add3A_283, %max3A_285 : vector<16xf32>
      %swap3A_287 = arith.index_cast %scan3A_223 : i32 to index
      %swap3A_288 = arith.constant 64 : index
      %swap3A_289 = tpu.vector_load %arg11[%swap3A_287, %swap3A_288] {strides = array<i32>} : memref<96x128xf32, #tpu.memory_space<vmem>>, vector<1x16xf32>,
      %swap3A_290 = vector.shape_cast %swap3A_289 : vector<1x16xf32> to vector<16xf32>
      %swap3A_291 = vector.shape_cast %max3A_286 : vector<16xf32> to vector<1x16xf32>
      tpu.vector_store %arg11[%swap3A_287, %swap3A_288], %swap3A_291 {strides = array<i32>} : memref<96x128xf32, #tpu.memory_space<vmem>>, vector<1x16xf32>,
      %get3A_292 = arith.index_cast %scan3A_223 : i32 to index
      %get3A_293 = arith.constant 80 : index
      %get3A_294 = tpu.vector_load %arg11[%get3A_292, %get3A_293] {strides = array<i32>} : memref<96x128xf32, #tpu.memory_space<vmem>>, vector<1x16xf32>,
      %get3A_295 = vector.shape_cast %get3A_294 : vector<1x16xf32> to vector<16xf32>
      %mul3A_296 = arith.mulf %get3A_295, %get3A_19 : vector<16xf32>
      %add3A_297 = arith.addf %mul3A_296, %get3A_43 : vector<16xf32>
      %max3A_298 = arith.constant 0.000000e+00 : f32
      %max3A_299 = vector.broadcast %max3A_298 : f32 to vector<16xf32>
      %max3A_300 = arith.maximumf %add3A_297, %max3A_299 : vector<16xf32>
      %swap3A_301 = arith.index_cast %scan3A_223 : i32 to index
      %swap3A_302 = arith.constant 80 : index
      %swap3A_303 = tpu.vector_load %arg11[%swap3A_301, %swap3A_302] {strides = array<i32>} : memref<96x128xf32, #tpu.memory_space<vmem>>, vector<1x16xf32>,
      %swap3A_304 = vector.shape_cast %swap3A_303 : vector<1x16xf32> to vector<16xf32>
      %swap3A_305 = vector.shape_cast %max3A_300 : vector<16xf32> to vector<1x16xf32>
      tpu.vector_store %arg11[%swap3A_301, %swap3A_302], %swap3A_305 {strides = array<i32>} : memref<96x128xf32, #tpu.memory_space<vmem>>, vector<1x16xf32>,
      %get3A_306 = arith.index_cast %scan3A_223 : i32 to index
      %get3A_307 = arith.constant 96 : index
      %get3A_308 = tpu.vector_load %arg11[%get3A_306, %get3A_307] {strides = array<i32>} : memref<96x128xf32, #tpu.memory_space<vmem>>, vector<1x16xf32>,
      %get3A_309 = vector.shape_cast %get3A_308 : vector<1x16xf32> to vector<16xf32>
      %mul3A_310 = arith.mulf %get3A_309, %get3A_22 : vector<16xf32>
      %add3A_311 = arith.addf %mul3A_310, %get3A_46 : vector<16xf32>
      %max3A_312 = arith.constant 0.000000e+00 : f32
      %max3A_313 = vector.broadcast %max3A_312 : f32 to vector<16xf32>
      %max3A_314 = arith.maximumf %add3A_311, %max3A_313 : vector<16xf32>
      %swap3A_315 = arith.index_cast %scan3A_223 : i32 to index
      %swap3A_316 = arith.constant 96 : index
      %swap3A_317 = tpu.vector_load %arg11[%swap3A_315, %swap3A_316] {strides = array<i32>} : memref<96x128xf32, #tpu.memory_space<vmem>>, vector<1x16xf32>,
      %swap3A_318 = vector.shape_cast %swap3A_317 : vector<1x16xf32> to vector<16xf32>
      %swap3A_319 = vector.shape_cast %max3A_314 : vector<16xf32> to vector<1x16xf32>
      tpu.vector_store %arg11[%swap3A_315, %swap3A_316], %swap3A_319 {strides = array<i32>} : memref<96x128xf32, #tpu.memory_space<vmem>>, vector<1x16xf32>,
      %get3A_320 = arith.index_cast %scan3A_223 : i32 to index
      %get3A_321 = arith.constant 112 : index
      %get3A_322 = tpu.vector_load %arg11[%get3A_320, %get3A_321] {strides = array<i32>} : memref<96x128xf32, #tpu.memory_space<vmem>>, vector<1x16xf32>,
      %get3A_323 = vector.shape_cast %get3A_322 : vector<1x16xf32> to vector<16xf32>
      %mul3A_324 = arith.mulf %get3A_323, %get3A_25 : vector<16xf32>
      %add3A_325 = arith.addf %mul3A_324, %get3A_49 : vector<16xf32>
      %max3A_326 = arith.constant 0.000000e+00 : f32
      %max3A_327 = vector.broadcast %max3A_326 : f32 to vector<16xf32>
      %max3A_328 = arith.maximumf %add3A_325, %max3A_327 : vector<16xf32>
      %swap3A_329 = arith.index_cast %scan3A_223 : i32 to index
      %swap3A_330 = arith.constant 112 : index
      %swap3A_331 = tpu.vector_load %arg11[%swap3A_329, %swap3A_330] {strides = array<i32>} : memref<96x128xf32, #tpu.memory_space<vmem>>, vector<1x16xf32>,
      %swap3A_332 = vector.shape_cast %swap3A_331 : vector<1x16xf32> to vector<16xf32>
      %swap3A_333 = vector.shape_cast %max3A_328 : vector<16xf32> to vector<1x16xf32>
      tpu.vector_store %arg11[%swap3A_329, %swap3A_330], %swap3A_333 {strides = array<i32>} : memref<96x128xf32, #tpu.memory_space<vmem>>, vector<1x16xf32>,
    }
    %scan3A_82 = arith.constant 96 : i32
    %dma_start3A_83 = arith.constant 0 : i32
    %dma_start3A_84 = arith.constant 0 : i32
    %dma_start3A_85 = tpu.memref_slice %arg18[%dma_start3A_83, %dma_start3A_84] : memref<10240x128xf32, #tpu.memory_space<vmem_shared>> -> memref<10240x128xf32, #tpu.memory_space<vmem_shared>>
    tpu.enqueue_indirect_dma source(%arg11 : memref<96x128xf32, #tpu.memory_space<vmem>>) target(%dma_start3A_85 : memref<10240x128xf32, #tpu.memory_space<vmem_shared>>) offsets(%arg8 : memref<96xi32, #tpu.memory_space<vmem>>) semaphore(%arg25 : memref<!tpu.dma_semaphore, #tpu.memory_space<semaphore_mem>>) {add = true}
    %add3A_86 = arith.constant 192 : i32
    %add3A_87 = arith.addi %mul3A_2, %add3A_86 : i32
    %dma_start3A_88 = tpu.memref_slice %arg3[%add3A_87] : memref<320000xi32, #tpu.memory_space<hbm>> -> memref<96xi32, #tpu.memory_space<hbm>>
    %dma_start3A_89 = tpu.memref_slice %arg3[%add3A_87] : memref<320000xi32, #tpu.memory_space<hbm>> -> memref<96xi32, #tpu.memory_space<hbm>>
    tpu.enqueue_dma source(%dma_start3A_89 : memref<96xi32, #tpu.memory_space<hbm>>) target(%arg10 : memref<96xi32, #tpu.memory_space<vmem>>) target_semaphore(%arg21 : memref<!tpu.dma_semaphore, #tpu.memory_space<semaphore_mem>>)
    %dma_start3A_90 = arith.constant 0 : i32
    %dma_start3A_91 = tpu.memref_slice %arg2[%add3A_87, %dma_start3A_90] : memref<320000x128xf32, #tpu.memory_space<hbm>> -> memref<96x128xf32, #tpu.memory_space<hbm>>
    %dma_start3A_92 = arith.constant 0 : i32
    %dma_start3A_93 = tpu.memref_slice %arg2[%add3A_87, %dma_start3A_92] : memref<320000x128xf32, #tpu.memory_space<hbm>> -> memref<96x128xf32, #tpu.memory_space<hbm>>
    tpu.enqueue_dma source(%dma_start3A_93 : memref<96x128xf32, #tpu.memory_space<hbm>>) target(%arg13 : memref<96x128xf32, #tpu.memory_space<vmem>>) target_semaphore(%arg24 : memref<!tpu.dma_semaphore, #tpu.memory_space<semaphore_mem>>)
    %scan3A_94 = arith.constant 0 : i32
    %scan3A_95 = arith.constant 0 : i32
    %scan3A_96 = arith.constant 33 : i32
    %scan3A_97 = arith.addi %scan3A_95, %scan3A_96 : i32
    %scan3A_98 = arith.constant 1 : i32
    scf.for %scan3A_223 = %scan3A_95 to %scan3A_97 step %scan3A_98  : i32 {
      %mul3A_224 = arith.constant 3 : i32
      %mul3A_225 = arith.muli %scan3A_223, %mul3A_224 : i32
      %add3A_226 = arith.constant 1 : i32
      %add3A_227 = arith.addi %mul3A_225, %add3A_226 : i32
      %add3A_228 = arith.constant 0 : i32
      %add3A_229 = arith.addi %add3A_227, %add3A_228 : i32
      %dma_wait3A_230 = arith.constant 0 : i32
      %dma_wait3A_231 = tpu.memref_slice %arg3[%dma_wait3A_230] : memref<320000xi32, #tpu.memory_space<hbm>> -> memref<96xi32, #tpu.memory_space<hbm>>
      %dma_wait3A_232 = arith.constant 0 : i32
      %dma_wait3A_233 = tpu.memref_slice %arg3[%dma_wait3A_232] : memref<320000xi32, #tpu.memory_space<hbm>> -> memref<96xi32, #tpu.memory_space<hbm>>
      tpu.wait_dma2 semaphore(%arg20 : memref<!tpu.dma_semaphore, #tpu.memory_space<semaphore_mem>>) src(%dma_wait3A_233 : memref<96xi32, #tpu.memory_space<hbm>>) dst(%arg9 : memref<96xi32, #tpu.memory_space<vmem>>)
      %dma_wait3A_234 = arith.constant 0 : i32
      %dma_wait3A_235 = arith.constant 0 : i32
      %dma_wait3A_236 = tpu.memref_slice %arg2[%dma_wait3A_234, %dma_wait3A_235] : memref<320000x128xf32, #tpu.memory_space<hbm>> -> memref<96x128xf32, #tpu.memory_space<hbm>>
      %dma_wait3A_237 = arith.constant 0 : i32
      %dma_wait3A_238 = arith.constant 0 : i32
      %dma_wait3A_239 = tpu.memref_slice %arg2[%dma_wait3A_237, %dma_wait3A_238] : memref<320000x128xf32, #tpu.memory_space<hbm>> -> memref<96x128xf32, #tpu.memory_space<hbm>>
      tpu.wait_dma2 semaphore(%arg23 : memref<!tpu.dma_semaphore, #tpu.memory_space<semaphore_mem>>) src(%dma_wait3A_239 : memref<96x128xf32, #tpu.memory_space<hbm>>) dst(%arg12 : memref<96x128xf32, #tpu.memory_space<vmem>>)
      %scan3A_240 = arith.constant 0 : i32
      %scan3A_241 = arith.constant 0 : i32
      %scan3A_242 = arith.constant 96 : i32
      %scan3A_243 = arith.addi %scan3A_241, %scan3A_242 : i32
      %scan3A_244 = arith.constant 1 : i32
      scf.for %scan3A_333 = %scan3A_241 to %scan3A_243 step %scan3A_244  : i32 {
        %get3A_334 = arith.index_cast %scan3A_333 : i32 to index
        %get3A_335 = arith.constant 0 : index
        %get3A_336 = tpu.vector_load %arg12[%get3A_334, %get3A_335] {strides = array<i32>} : memref<96x128xf32, #tpu.memory_space<vmem>>, vector<1x16xf32>,
        %get3A_337 = vector.shape_cast %get3A_336 : vector<1x16xf32> to vector<16xf32>
        %mul3A_338 = arith.mulf %get3A_337, %get3A_4 : vector<16xf32>
        %add3A_339 = arith.addf %mul3A_338, %get3A_28 : vector<16xf32>
        %max3A = arith.constant 0.000000e+00 : f32
        %max3A_340 = vector.broadcast %max3A : f32 to vector<16xf32>
        %max3A_341 = arith.maximumf %add3A_339, %max3A_340 : vector<16xf32>
        %swap3A = arith.index_cast %scan3A_333 : i32 to index
        %swap3A_342 = arith.constant 0 : index
        %swap3A_343 = tpu.vector_load %arg12[%swap3A, %swap3A_342] {strides = array<i32>} : memref<96x128xf32, #tpu.memory_space<vmem>>, vector<1x16xf32>,
        %swap3A_344 = vector.shape_cast %swap3A_343 : vector<1x16xf32> to vector<16xf32>
        %swap3A_345 = vector.shape_cast %max3A_341 : vector<16xf32> to vector<1x16xf32>
        tpu.vector_store %arg12[%swap3A, %swap3A_342], %swap3A_345 {strides = array<i32>} : memref<96x128xf32, #tpu.memory_space<vmem>>, vector<1x16xf32>,
        %get3A_346 = arith.index_cast %scan3A_333 : i32 to index
        %get3A_347 = arith.constant 16 : index
        %get3A_348 = tpu.vector_load %arg12[%get3A_346, %get3A_347] {strides = array<i32>} : memref<96x128xf32, #tpu.memory_space<vmem>>, vector<1x16xf32>,
        %get3A_349 = vector.shape_cast %get3A_348 : vector<1x16xf32> to vector<16xf32>
        %mul3A_350 = arith.mulf %get3A_349, %get3A_7 : vector<16xf32>
        %add3A_351 = arith.addf %mul3A_350, %get3A_31 : vector<16xf32>
        %max3A_352 = arith.constant 0.000000e+00 : f32
        %max3A_353 = vector.broadcast %max3A_352 : f32 to vector<16xf32>
        %max3A_354 = arith.maximumf %add3A_351, %max3A_353 : vector<16xf32>
        %swap3A_355 = arith.index_cast %scan3A_333 : i32 to index
        %swap3A_356 = arith.constant 16 : index
        %swap3A_357 = tpu.vector_load %arg12[%swap3A_355, %swap3A_356] {strides = array<i32>} : memref<96x128xf32, #tpu.memory_space<vmem>>, vector<1x16xf32>,
        %swap3A_358 = vector.shape_cast %swap3A_357 : vector<1x16xf32> to vector<16xf32>
        %swap3A_359 = vector.shape_cast %max3A_354 : vector<16xf32> to vector<1x16xf32>
        tpu.vector_store %arg12[%swap3A_355, %swap3A_356], %swap3A_359 {strides = array<i32>} : memref<96x128xf32, #tpu.memory_space<vmem>>, vector<1x16xf32>,
        %get3A_360 = arith.index_cast %scan3A_333 : i32 to index
        %get3A_361 = arith.constant 32 : index
        %get3A_362 = tpu.vector_load %arg12[%get3A_360, %get3A_361] {strides = array<i32>} : memref<96x128xf32, #tpu.memory_space<vmem>>, vector<1x16xf32>,
        %get3A_363 = vector.shape_cast %get3A_362 : vector<1x16xf32> to vector<16xf32>
        %mul3A_364 = arith.mulf %get3A_363, %get3A_10 : vector<16xf32>
        %add3A_365 = arith.addf %mul3A_364, %get3A_34 : vector<16xf32>
        %max3A_366 = arith.constant 0.000000e+00 : f32
        %max3A_367 = vector.broadcast %max3A_366 : f32 to vector<16xf32>
        %max3A_368 = arith.maximumf %add3A_365, %max3A_367 : vector<16xf32>
        %swap3A_369 = arith.index_cast %scan3A_333 : i32 to index
        %swap3A_370 = arith.constant 32 : index
        %swap3A_371 = tpu.vector_load %arg12[%swap3A_369, %swap3A_370] {strides = array<i32>} : memref<96x128xf32, #tpu.memory_space<vmem>>, vector<1x16xf32>,
        %swap3A_372 = vector.shape_cast %swap3A_371 : vector<1x16xf32> to vector<16xf32>
        %swap3A_373 = vector.shape_cast %max3A_368 : vector<16xf32> to vector<1x16xf32>
        tpu.vector_store %arg12[%swap3A_369, %swap3A_370], %swap3A_373 {strides = array<i32>} : memref<96x128xf32, #tpu.memory_space<vmem>>, vector<1x16xf32>,
        %get3A_374 = arith.index_cast %scan3A_333 : i32 to index
        %get3A_375 = arith.constant 48 : index
        %get3A_376 = tpu.vector_load %arg12[%get3A_374, %get3A_375] {strides = array<i32>} : memref<96x128xf32, #tpu.memory_space<vmem>>, vector<1x16xf32>,
        %get3A_377 = vector.shape_cast %get3A_376 : vector<1x16xf32> to vector<16xf32>
        %mul3A_378 = arith.mulf %get3A_377, %get3A_13 : vector<16xf32>
        %add3A_379 = arith.addf %mul3A_378, %get3A_37 : vector<16xf32>
        %max3A_380 = arith.constant 0.000000e+00 : f32
        %max3A_381 = vector.broadcast %max3A_380 : f32 to vector<16xf32>
        %max3A_382 = arith.maximumf %add3A_379, %max3A_381 : vector<16xf32>
        %swap3A_383 = arith.index_cast %scan3A_333 : i32 to index
        %swap3A_384 = arith.constant 48 : index
        %swap3A_385 = tpu.vector_load %arg12[%swap3A_383, %swap3A_384] {strides = array<i32>} : memref<96x128xf32, #tpu.memory_space<vmem>>, vector<1x16xf32>,
        %swap3A_386 = vector.shape_cast %swap3A_385 : vector<1x16xf32> to vector<16xf32>
        %swap3A_387 = vector.shape_cast %max3A_382 : vector<16xf32> to vector<1x16xf32>
        tpu.vector_store %arg12[%swap3A_383, %swap3A_384], %swap3A_387 {strides = array<i32>} : memref<96x128xf32, #tpu.memory_space<vmem>>, vector<1x16xf32>,
        %get3A_388 = arith.index_cast %scan3A_333 : i32 to index
        %get3A_389 = arith.constant 64 : index
        %get3A_390 = tpu.vector_load %arg12[%get3A_388, %get3A_389] {strides = array<i32>} : memref<96x128xf32, #tpu.memory_space<vmem>>, vector<1x16xf32>,
        %get3A_391 = vector.shape_cast %get3A_390 : vector<1x16xf32> to vector<16xf32>
        %mul3A_392 = arith.mulf %get3A_391, %get3A_16 : vector<16xf32>
        %add3A_393 = arith.addf %mul3A_392, %get3A_40 : vector<16xf32>
        %max3A_394 = arith.constant 0.000000e+00 : f32
        %max3A_395 = vector.broadcast %max3A_394 : f32 to vector<16xf32>
        %max3A_396 = arith.maximumf %add3A_393, %max3A_395 : vector<16xf32>
        %swap3A_397 = arith.index_cast %scan3A_333 : i32 to index
        %swap3A_398 = arith.constant 64 : index
        %swap3A_399 = tpu.vector_load %arg12[%swap3A_397, %swap3A_398] {strides = array<i32>} : memref<96x128xf32, #tpu.memory_space<vmem>>, vector<1x16xf32>,
        %swap3A_400 = vector.shape_cast %swap3A_399 : vector<1x16xf32> to vector<16xf32>
        %swap3A_401 = vector.shape_cast %max3A_396 : vector<16xf32> to vector<1x16xf32>
        tpu.vector_store %arg12[%swap3A_397, %swap3A_398], %swap3A_401 {strides = array<i32>} : memref<96x128xf32, #tpu.memory_space<vmem>>, vector<1x16xf32>,
        %get3A_402 = arith.index_cast %scan3A_333 : i32 to index
        %get3A_403 = arith.constant 80 : index
        %get3A_404 = tpu.vector_load %arg12[%get3A_402, %get3A_403] {strides = array<i32>} : memref<96x128xf32, #tpu.memory_space<vmem>>, vector<1x16xf32>,
        %get3A_405 = vector.shape_cast %get3A_404 : vector<1x16xf32> to vector<16xf32>
        %mul3A_406 = arith.mulf %get3A_405, %get3A_19 : vector<16xf32>
        %add3A_407 = arith.addf %mul3A_406, %get3A_43 : vector<16xf32>
        %max3A_408 = arith.constant 0.000000e+00 : f32
        %max3A_409 = vector.broadcast %max3A_408 : f32 to vector<16xf32>
        %max3A_410 = arith.maximumf %add3A_407, %max3A_409 : vector<16xf32>
        %swap3A_411 = arith.index_cast %scan3A_333 : i32 to index
        %swap3A_412 = arith.constant 80 : index
        %swap3A_413 = tpu.vector_load %arg12[%swap3A_411, %swap3A_412] {strides = array<i32>} : memref<96x128xf32, #tpu.memory_space<vmem>>, vector<1x16xf32>,
        %swap3A_414 = vector.shape_cast %swap3A_413 : vector<1x16xf32> to vector<16xf32>
        %swap3A_415 = vector.shape_cast %max3A_410 : vector<16xf32> to vector<1x16xf32>
        tpu.vector_store %arg12[%swap3A_411, %swap3A_412], %swap3A_415 {strides = array<i32>} : memref<96x128xf32, #tpu.memory_space<vmem>>, vector<1x16xf32>,
        %get3A_416 = arith.index_cast %scan3A_333 : i32 to index
        %get3A_417 = arith.constant 96 : index
        %get3A_418 = tpu.vector_load %arg12[%get3A_416, %get3A_417] {strides = array<i32>} : memref<96x128xf32, #tpu.memory_space<vmem>>, vector<1x16xf32>,
        %get3A_419 = vector.shape_cast %get3A_418 : vector<1x16xf32> to vector<16xf32>
        %mul3A_420 = arith.mulf %get3A_419, %get3A_22 : vector<16xf32>
        %add3A_421 = arith.addf %mul3A_420, %get3A_46 : vector<16xf32>
        %max3A_422 = arith.constant 0.000000e+00 : f32
        %max3A_423 = vector.broadcast %max3A_422 : f32 to vector<16xf32>
        %max3A_424 = arith.maximumf %add3A_421, %max3A_423 : vector<16xf32>
        %swap3A_425 = arith.index_cast %scan3A_333 : i32 to index
        %swap3A_426 = arith.constant 96 : index
        %swap3A_427 = tpu.vector_load %arg12[%swap3A_425, %swap3A_426] {strides = array<i32>} : memref<96x128xf32, #tpu.memory_space<vmem>>, vector<1x16xf32>,
        %swap3A_428 = vector.shape_cast %swap3A_427 : vector<1x16xf32> to vector<16xf32>
        %swap3A_429 = vector.shape_cast %max3A_424 : vector<16xf32> to vector<1x16xf32>
        tpu.vector_store %arg12[%swap3A_425, %swap3A_426], %swap3A_429 {strides = array<i32>} : memref<96x128xf32, #tpu.memory_space<vmem>>, vector<1x16xf32>,
        %get3A_430 = arith.index_cast %scan3A_333 : i32 to index
        %get3A_431 = arith.constant 112 : index
        %get3A_432 = tpu.vector_load %arg12[%get3A_430, %get3A_431] {strides = array<i32>} : memref<96x128xf32, #tpu.memory_space<vmem>>, vector<1x16xf32>,
        %get3A_433 = vector.shape_cast %get3A_432 : vector<1x16xf32> to vector<16xf32>
        %mul3A_434 = arith.mulf %get3A_433, %get3A_25 : vector<16xf32>
        %add3A_435 = arith.addf %mul3A_434, %get3A_49 : vector<16xf32>
        %max3A_436 = arith.constant 0.000000e+00 : f32
        %max3A_437 = vector.broadcast %max3A_436 : f32 to vector<16xf32>
        %max3A_438 = arith.maximumf %add3A_435, %max3A_437 : vector<16xf32>
        %swap3A_439 = arith.index_cast %scan3A_333 : i32 to index
        %swap3A_440 = arith.constant 112 : index
        %swap3A_441 = tpu.vector_load %arg12[%swap3A_439, %swap3A_440] {strides = array<i32>} : memref<96x128xf32, #tpu.memory_space<vmem>>, vector<1x16xf32>,
        %swap3A_442 = vector.shape_cast %swap3A_441 : vector<1x16xf32> to vector<16xf32>
        %swap3A_443 = vector.shape_cast %max3A_438 : vector<16xf32> to vector<1x16xf32>
        tpu.vector_store %arg12[%swap3A_439, %swap3A_440], %swap3A_443 {strides = array<i32>} : memref<96x128xf32, #tpu.memory_space<vmem>>, vector<1x16xf32>,
      }
      %scan3A_245 = arith.constant 96 : i32
      %dma_start3A_246 = arith.constant 0 : i32
      %dma_start3A_247 = arith.constant 0 : i32
      %dma_start3A_248 = tpu.memref_slice %arg18[%dma_start3A_246, %dma_start3A_247] : memref<10240x128xf32, #tpu.memory_space<vmem_shared>> -> memref<10240x128xf32, #tpu.memory_space<vmem_shared>>
      tpu.enqueue_indirect_dma source(%arg12 : memref<96x128xf32, #tpu.memory_space<vmem>>) target(%dma_start3A_248 : memref<10240x128xf32, #tpu.memory_space<vmem_shared>>) offsets(%arg9 : memref<96xi32, #tpu.memory_space<vmem>>) semaphore(%arg26 : memref<!tpu.dma_semaphore, #tpu.memory_space<semaphore_mem>>) {add = true}
      %dma_wait3A_249 = arith.constant 0 : i32
      %dma_wait3A_250 = arith.constant 0 : i32
      %dma_wait3A_251 = tpu.memref_slice %arg18[%dma_wait3A_249, %dma_wait3A_250] : memref<10240x128xf32, #tpu.memory_space<vmem_shared>> -> memref<10240x128xf32, #tpu.memory_space<vmem_shared>>
      tpu.wait_indirect_dma semaphore(%arg25 : memref<!tpu.dma_semaphore, #tpu.memory_space<semaphore_mem>>) src(%arg11 : memref<96x128xf32, #tpu.memory_space<vmem>>) dst(%dma_wait3A_251 : memref<10240x128xf32, #tpu.memory_space<vmem_shared>>)
      %add3A_252 = arith.constant 2 : i32
      %add3A_253 = arith.addi %add3A_229, %add3A_252 : i32
      %mul3A_254 = arith.constant 96 : i32
      %mul3A_255 = arith.muli %add3A_253, %mul3A_254 : i32
      %add3A_256 = arith.addi %mul3A_2, %mul3A_255 : i32
      %dma_start3A_257 = tpu.memref_slice %arg3[%add3A_256] : memref<320000xi32, #tpu.memory_space<hbm>> -> memref<96xi32, #tpu.memory_space<hbm>>
      %dma_start3A_258 = tpu.memref_slice %arg3[%add3A_256] : memref<320000xi32, #tpu.memory_space<hbm>> -> memref<96xi32, #tpu.memory_space<hbm>>
      tpu.enqueue_dma source(%dma_start3A_258 : memref<96xi32, #tpu.memory_space<hbm>>) target(%arg8 : memref<96xi32, #tpu.memory_space<vmem>>) target_semaphore(%arg19 : memref<!tpu.dma_semaphore, #tpu.memory_space<semaphore_mem>>)
      %dma_start3A_259 = arith.constant 0 : i32
      %dma_start3A_260 = tpu.memref_slice %arg2[%add3A_256, %dma_start3A_259] : memref<320000x128xf32, #tpu.memory_space<hbm>> -> memref<96x128xf32, #tpu.memory_space<hbm>>
      %dma_start3A_261 = arith.constant 0 : i32
      %dma_start3A_262 = tpu.memref_slice %arg2[%add3A_256, %dma_start3A_261] : memref<320000x128xf32, #tpu.memory_space<hbm>> -> memref<96x128xf32, #tpu.memory_space<hbm>>
      tpu.enqueue_dma source(%dma_start3A_262 : memref<96x128xf32, #tpu.memory_space<hbm>>) target(%arg11 : memref<96x128xf32, #tpu.memory_space<vmem>>) target_semaphore(%arg22 : memref<!tpu.dma_semaphore, #tpu.memory_space<semaphore_mem>>)
      %add3A_263 = arith.constant 1 : i32
      %add3A_264 = arith.addi %add3A_227, %add3A_263 : i32
      %dma_wait3A_265 = arith.constant 0 : i32
      %dma_wait3A_266 = tpu.memref_slice %arg3[%dma_wait3A_265] : memref<320000xi32, #tpu.memory_space<hbm>> -> memref<96xi32, #tpu.memory_space<hbm>>
      %dma_wait3A_267 = arith.constant 0 : i32
      %dma_wait3A_268 = tpu.memref_slice %arg3[%dma_wait3A_267] : memref<320000xi32, #tpu.memory_space<hbm>> -> memref<96xi32, #tpu.memory_space<hbm>>
      tpu.wait_dma2 semaphore(%arg21 : memref<!tpu.dma_semaphore, #tpu.memory_space<semaphore_mem>>) src(%dma_wait3A_268 : memref<96xi32, #tpu.memory_space<hbm>>) dst(%arg10 : memref<96xi32, #tpu.memory_space<vmem>>)
      %dma_wait3A_269 = arith.constant 0 : i32
      %dma_wait3A_270 = arith.constant 0 : i32
      %dma_wait3A_271 = tpu.memref_slice %arg2[%dma_wait3A_269, %dma_wait3A_270] : memref<320000x128xf32, #tpu.memory_space<hbm>> -> memref<96x128xf32, #tpu.memory_space<hbm>>
      %dma_wait3A_272 = arith.constant 0 : i32
      %dma_wait3A_273 = arith.constant 0 : i32
      %dma_wait3A_274 = tpu.memref_slice %arg2[%dma_wait3A_272, %dma_wait3A_273] : memref<320000x128xf32, #tpu.memory_space<hbm>> -> memref<96x128xf32, #tpu.memory_space<hbm>>
      tpu.wait_dma2 semaphore(%arg24 : memref<!tpu.dma_semaphore, #tpu.memory_space<semaphore_mem>>) src(%dma_wait3A_274 : memref<96x128xf32, #tpu.memory_space<hbm>>) dst(%arg13 : memref<96x128xf32, #tpu.memory_space<vmem>>)
      %scan3A_275 = arith.constant 0 : i32
      %scan3A_276 = arith.constant 0 : i32
      %scan3A_277 = arith.constant 96 : i32
      %scan3A_278 = arith.addi %scan3A_276, %scan3A_277 : i32
      %scan3A_279 = arith.constant 1 : i32
      scf.for %scan3A_333 = %scan3A_276 to %scan3A_278 step %scan3A_279  : i32 {
        %get3A_334 = arith.index_cast %scan3A_333 : i32 to index
        %get3A_335 = arith.constant 0 : index
        %get3A_336 = tpu.vector_load %arg13[%get3A_334, %get3A_335] {strides = array<i32>} : memref<96x128xf32, #tpu.memory_space<vmem>>, vector<1x16xf32>,
        %get3A_337 = vector.shape_cast %get3A_336 : vector<1x16xf32> to vector<16xf32>
        %mul3A_338 = arith.mulf %get3A_337, %get3A_4 : vector<16xf32>
        %add3A_339 = arith.addf %mul3A_338, %get3A_28 : vector<16xf32>
        %max3A = arith.constant 0.000000e+00 : f32
        %max3A_340 = vector.broadcast %max3A : f32 to vector<16xf32>
        %max3A_341 = arith.maximumf %add3A_339, %max3A_340 : vector<16xf32>
        %swap3A = arith.index_cast %scan3A_333 : i32 to index
        %swap3A_342 = arith.constant 0 : index
        %swap3A_343 = tpu.vector_load %arg13[%swap3A, %swap3A_342] {strides = array<i32>} : memref<96x128xf32, #tpu.memory_space<vmem>>, vector<1x16xf32>,
        %swap3A_344 = vector.shape_cast %swap3A_343 : vector<1x16xf32> to vector<16xf32>
        %swap3A_345 = vector.shape_cast %max3A_341 : vector<16xf32> to vector<1x16xf32>
        tpu.vector_store %arg13[%swap3A, %swap3A_342], %swap3A_345 {strides = array<i32>} : memref<96x128xf32, #tpu.memory_space<vmem>>, vector<1x16xf32>,
        %get3A_346 = arith.index_cast %scan3A_333 : i32 to index
        %get3A_347 = arith.constant 16 : index
        %get3A_348 = tpu.vector_load %arg13[%get3A_346, %get3A_347] {strides = array<i32>} : memref<96x128xf32, #tpu.memory_space<vmem>>, vector<1x16xf32>,
        %get3A_349 = vector.shape_cast %get3A_348 : vector<1x16xf32> to vector<16xf32>
        %mul3A_350 = arith.mulf %get3A_349, %get3A_7 : vector<16xf32>
        %add3A_351 = arith.addf %mul3A_350, %get3A_31 : vector<16xf32>
        %max3A_352 = arith.constant 0.000000e+00 : f32
        %max3A_353 = vector.broadcast %max3A_352 : f32 to vector<16xf32>
        %max3A_354 = arith.maximumf %add3A_351, %max3A_353 : vector<16xf32>
        %swap3A_355 = arith.index_cast %scan3A_333 : i32 to index
        %swap3A_356 = arith.constant 16 : index
        %swap3A_357 = tpu.vector_load %arg13[%swap3A_355, %swap3A_356] {strides = array<i32>} : memref<96x128xf32, #tpu.memory_space<vmem>>, vector<1x16xf32>,
        %swap3A_358 = vector.shape_cast %swap3A_357 : vector<1x16xf32> to vector<16xf32>
        %swap3A_359 = vector.shape_cast %max3A_354 : vector<16xf32> to vector<1x16xf32>
        tpu.vector_store %arg13[%swap3A_355, %swap3A_356], %swap3A_359 {strides = array<i32>} : memref<96x128xf32, #tpu.memory_space<vmem>>, vector<1x16xf32>,
        %get3A_360 = arith.index_cast %scan3A_333 : i32 to index
        %get3A_361 = arith.constant 32 : index
        %get3A_362 = tpu.vector_load %arg13[%get3A_360, %get3A_361] {strides = array<i32>} : memref<96x128xf32, #tpu.memory_space<vmem>>, vector<1x16xf32>,
        %get3A_363 = vector.shape_cast %get3A_362 : vector<1x16xf32> to vector<16xf32>
        %mul3A_364 = arith.mulf %get3A_363, %get3A_10 : vector<16xf32>
        %add3A_365 = arith.addf %mul3A_364, %get3A_34 : vector<16xf32>
        %max3A_366 = arith.constant 0.000000e+00 : f32
        %max3A_367 = vector.broadcast %max3A_366 : f32 to vector<16xf32>
        %max3A_368 = arith.maximumf %add3A_365, %max3A_367 : vector<16xf32>
        %swap3A_369 = arith.index_cast %scan3A_333 : i32 to index
        %swap3A_370 = arith.constant 32 : index
        %swap3A_371 = tpu.vector_load %arg13[%swap3A_369, %swap3A_370] {strides = array<i32>} : memref<96x128xf32, #tpu.memory_space<vmem>>, vector<1x16xf32>,
        %swap3A_372 = vector.shape_cast %swap3A_371 : vector<1x16xf32> to vector<16xf32>
        %swap3A_373 = vector.shape_cast %max3A_368 : vector<16xf32> to vector<1x16xf32>
        tpu.vector_store %arg13[%swap3A_369, %swap3A_370], %swap3A_373 {strides = array<i32>} : memref<96x128xf32, #tpu.memory_space<vmem>>, vector<1x16xf32>,
        %get3A_374 = arith.index_cast %scan3A_333 : i32 to index
        %get3A_375 = arith.constant 48 : index
        %get3A_376 = tpu.vector_load %arg13[%get3A_374, %get3A_375] {strides = array<i32>} : memref<96x128xf32, #tpu.memory_space<vmem>>, vector<1x16xf32>,
        %get3A_377 = vector.shape_cast %get3A_376 : vector<1x16xf32> to vector<16xf32>
        %mul3A_378 = arith.mulf %get3A_377, %get3A_13 : vector<16xf32>
        %add3A_379 = arith.addf %mul3A_378, %get3A_37 : vector<16xf32>
        %max3A_380 = arith.constant 0.000000e+00 : f32
        %max3A_381 = vector.broadcast %max3A_380 : f32 to vector<16xf32>
        %max3A_382 = arith.maximumf %add3A_379, %max3A_381 : vector<16xf32>
        %swap3A_383 = arith.index_cast %scan3A_333 : i32 to index
        %swap3A_384 = arith.constant 48 : index
        %swap3A_385 = tpu.vector_load %arg13[%swap3A_383, %swap3A_384] {strides = array<i32>} : memref<96x128xf32, #tpu.memory_space<vmem>>, vector<1x16xf32>,
        %swap3A_386 = vector.shape_cast %swap3A_385 : vector<1x16xf32> to vector<16xf32>
        %swap3A_387 = vector.shape_cast %max3A_382 : vector<16xf32> to vector<1x16xf32>
        tpu.vector_store %arg13[%swap3A_383, %swap3A_384], %swap3A_387 {strides = array<i32>} : memref<96x128xf32, #tpu.memory_space<vmem>>, vector<1x16xf32>,
        %get3A_388 = arith.index_cast %scan3A_333 : i32 to index
        %get3A_389 = arith.constant 64 : index
        %get3A_390 = tpu.vector_load %arg13[%get3A_388, %get3A_389] {strides = array<i32>} : memref<96x128xf32, #tpu.memory_space<vmem>>, vector<1x16xf32>,
        %get3A_391 = vector.shape_cast %get3A_390 : vector<1x16xf32> to vector<16xf32>
        %mul3A_392 = arith.mulf %get3A_391, %get3A_16 : vector<16xf32>
        %add3A_393 = arith.addf %mul3A_392, %get3A_40 : vector<16xf32>
        %max3A_394 = arith.constant 0.000000e+00 : f32
        %max3A_395 = vector.broadcast %max3A_394 : f32 to vector<16xf32>
        %max3A_396 = arith.maximumf %add3A_393, %max3A_395 : vector<16xf32>
        %swap3A_397 = arith.index_cast %scan3A_333 : i32 to index
        %swap3A_398 = arith.constant 64 : index
        %swap3A_399 = tpu.vector_load %arg13[%swap3A_397, %swap3A_398] {strides = array<i32>} : memref<96x128xf32, #tpu.memory_space<vmem>>, vector<1x16xf32>,
        %swap3A_400 = vector.shape_cast %swap3A_399 : vector<1x16xf32> to vector<16xf32>
        %swap3A_401 = vector.shape_cast %max3A_396 : vector<16xf32> to vector<1x16xf32>
        tpu.vector_store %arg13[%swap3A_397, %swap3A_398], %swap3A_401 {strides = array<i32>} : memref<96x128xf32, #tpu.memory_space<vmem>>, vector<1x16xf32>,
        %get3A_402 = arith.index_cast %scan3A_333 : i32 to index
        %get3A_403 = arith.constant 80 : index
        %get3A_404 = tpu.vector_load %arg13[%get3A_402, %get3A_403] {strides = array<i32>} : memref<96x128xf32, #tpu.memory_space<vmem>>, vector<1x16xf32>,
        %get3A_405 = vector.shape_cast %get3A_404 : vector<1x16xf32> to vector<16xf32>
        %mul3A_406 = arith.mulf %get3A_405, %get3A_19 : vector<16xf32>
        %add3A_407 = arith.addf %mul3A_406, %get3A_43 : vector<16xf32>
        %max3A_408 = arith.constant 0.000000e+00 : f32
        %max3A_409 = vector.broadcast %max3A_408 : f32 to vector<16xf32>
        %max3A_410 = arith.maximumf %add3A_407, %max3A_409 : vector<16xf32>
        %swap3A_411 = arith.index_cast %scan3A_333 : i32 to index
        %swap3A_412 = arith.constant 80 : index
        %swap3A_413 = tpu.vector_load %arg13[%swap3A_411, %swap3A_412] {strides = array<i32>} : memref<96x128xf32, #tpu.memory_space<vmem>>, vector<1x16xf32>,
        %swap3A_414 = vector.shape_cast %swap3A_413 : vector<1x16xf32> to vector<16xf32>
        %swap3A_415 = vector.shape_cast %max3A_410 : vector<16xf32> to vector<1x16xf32>
        tpu.vector_store %arg13[%swap3A_411, %swap3A_412], %swap3A_415 {strides = array<i32>} : memref<96x128xf32, #tpu.memory_space<vmem>>, vector<1x16xf32>,
        %get3A_416 = arith.index_cast %scan3A_333 : i32 to index
        %get3A_417 = arith.constant 96 : index
        %get3A_418 = tpu.vector_load %arg13[%get3A_416, %get3A_417] {strides = array<i32>} : memref<96x128xf32, #tpu.memory_space<vmem>>, vector<1x16xf32>,
        %get3A_419 = vector.shape_cast %get3A_418 : vector<1x16xf32> to vector<16xf32>
        %mul3A_420 = arith.mulf %get3A_419, %get3A_22 : vector<16xf32>
        %add3A_421 = arith.addf %mul3A_420, %get3A_46 : vector<16xf32>
        %max3A_422 = arith.constant 0.000000e+00 : f32
        %max3A_423 = vector.broadcast %max3A_422 : f32 to vector<16xf32>
        %max3A_424 = arith.maximumf %add3A_421, %max3A_423 : vector<16xf32>
        %swap3A_425 = arith.index_cast %scan3A_333 : i32 to index
        %swap3A_426 = arith.constant 96 : index
        %swap3A_427 = tpu.vector_load %arg13[%swap3A_425, %swap3A_426] {strides = array<i32>} : memref<96x128xf32, #tpu.memory_space<vmem>>, vector<1x16xf32>,
        %swap3A_428 = vector.shape_cast %swap3A_427 : vector<1x16xf32> to vector<16xf32>
        %swap3A_429 = vector.shape_cast %max3A_424 : vector<16xf32> to vector<1x16xf32>
        tpu.vector_store %arg13[%swap3A_425, %swap3A_426], %swap3A_429 {strides = array<i32>} : memref<96x128xf32, #tpu.memory_space<vmem>>, vector<1x16xf32>,
        %get3A_430 = arith.index_cast %scan3A_333 : i32 to index
        %get3A_431 = arith.constant 112 : index
        %get3A_432 = tpu.vector_load %arg13[%get3A_430, %get3A_431] {strides = array<i32>} : memref<96x128xf32, #tpu.memory_space<vmem>>, vector<1x16xf32>,
        %get3A_433 = vector.shape_cast %get3A_432 : vector<1x16xf32> to vector<16xf32>
        %mul3A_434 = arith.mulf %get3A_433, %get3A_25 : vector<16xf32>
        %add3A_435 = arith.addf %mul3A_434, %get3A_49 : vector<16xf32>
        %max3A_436 = arith.constant 0.000000e+00 : f32
        %max3A_437 = vector.broadcast %max3A_436 : f32 to vector<16xf32>
        %max3A_438 = arith.maximumf %add3A_435, %max3A_437 : vector<16xf32>
        %swap3A_439 = arith.index_cast %scan3A_333 : i32 to index
        %swap3A_440 = arith.constant 112 : index
        %swap3A_441 = tpu.vector_load %arg13[%swap3A_439, %swap3A_440] {strides = array<i32>} : memref<96x128xf32, #tpu.memory_space<vmem>>, vector<1x16xf32>,
        %swap3A_442 = vector.shape_cast %swap3A_441 : vector<1x16xf32> to vector<16xf32>
        %swap3A_443 = vector.shape_cast %max3A_438 : vector<16xf32> to vector<1x16xf32>
        tpu.vector_store %arg13[%swap3A_439, %swap3A_440], %swap3A_443 {strides = array<i32>} : memref<96x128xf32, #tpu.memory_space<vmem>>, vector<1x16xf32>,
      }
      %scan3A_280 = arith.constant 96 : i32
      %dma_start3A_281 = arith.constant 0 : i32
      %dma_start3A_282 = arith.constant 0 : i32
      %dma_start3A_283 = tpu.memref_slice %arg18[%dma_start3A_281, %dma_start3A_282] : memref<10240x128xf32, #tpu.memory_space<vmem_shared>> -> memref<10240x128xf32, #tpu.memory_space<vmem_shared>>
      tpu.enqueue_indirect_dma source(%arg13 : memref<96x128xf32, #tpu.memory_space<vmem>>) target(%dma_start3A_283 : memref<10240x128xf32, #tpu.memory_space<vmem_shared>>) offsets(%arg10 : memref<96xi32, #tpu.memory_space<vmem>>) semaphore(%arg27 : memref<!tpu.dma_semaphore, #tpu.memory_space<semaphore_mem>>) {add = true}
      %dma_wait3A_284 = arith.constant 0 : i32
      %dma_wait3A_285 = arith.constant 0 : i32
      %dma_wait3A_286 = tpu.memref_slice %arg18[%dma_wait3A_284, %dma_wait3A_285] : memref<10240x128xf32, #tpu.memory_space<vmem_shared>> -> memref<10240x128xf32, #tpu.memory_space<vmem_shared>>
      tpu.wait_indirect_dma semaphore(%arg26 : memref<!tpu.dma_semaphore, #tpu.memory_space<semaphore_mem>>) src(%arg12 : memref<96x128xf32, #tpu.memory_space<vmem>>) dst(%dma_wait3A_286 : memref<10240x128xf32, #tpu.memory_space<vmem_shared>>)
      %add3A_287 = arith.constant 2 : i32
      %add3A_288 = arith.addi %add3A_264, %add3A_287 : i32
      %mul3A_289 = arith.constant 96 : i32
      %mul3A_290 = arith.muli %add3A_288, %mul3A_289 : i32
      %add3A_291 = arith.addi %mul3A_2, %mul3A_290 : i32
      %dma_start3A_292 = tpu.memref_slice %arg3[%add3A_291] : memref<320000xi32, #tpu.memory_space<hbm>> -> memref<96xi32, #tpu.memory_space<hbm>>
      %dma_start3A_293 = tpu.memref_slice %arg3[%add3A_291] : memref<320000xi32, #tpu.memory_space<hbm>> -> memref<96xi32, #tpu.memory_space<hbm>>
      tpu.enqueue_dma source(%dma_start3A_293 : memref<96xi32, #tpu.memory_space<hbm>>) target(%arg9 : memref<96xi32, #tpu.memory_space<vmem>>) target_semaphore(%arg20 : memref<!tpu.dma_semaphore, #tpu.memory_space<semaphore_mem>>)
      %dma_start3A_294 = arith.constant 0 : i32
      %dma_start3A_295 = tpu.memref_slice %arg2[%add3A_291, %dma_start3A_294] : memref<320000x128xf32, #tpu.memory_space<hbm>> -> memref<96x128xf32, #tpu.memory_space<hbm>>
      %dma_start3A_296 = arith.constant 0 : i32
      %dma_start3A_297 = tpu.memref_slice %arg2[%add3A_291, %dma_start3A_296] : memref<320000x128xf32, #tpu.memory_space<hbm>> -> memref<96x128xf32, #tpu.memory_space<hbm>>
      tpu.enqueue_dma source(%dma_start3A_297 : memref<96x128xf32, #tpu.memory_space<hbm>>) target(%arg12 : memref<96x128xf32, #tpu.memory_space<vmem>>) target_semaphore(%arg23 : memref<!tpu.dma_semaphore, #tpu.memory_space<semaphore_mem>>)
      %add3A_298 = arith.constant 2 : i32
      %add3A_299 = arith.addi %add3A_227, %add3A_298 : i32
      %dma_wait3A_300 = arith.constant 0 : i32
      %dma_wait3A_301 = tpu.memref_slice %arg3[%dma_wait3A_300] : memref<320000xi32, #tpu.memory_space<hbm>> -> memref<96xi32, #tpu.memory_space<hbm>>
      %dma_wait3A_302 = arith.constant 0 : i32
      %dma_wait3A_303 = tpu.memref_slice %arg3[%dma_wait3A_302] : memref<320000xi32, #tpu.memory_space<hbm>> -> memref<96xi32, #tpu.memory_space<hbm>>
      tpu.wait_dma2 semaphore(%arg19 : memref<!tpu.dma_semaphore, #tpu.memory_space<semaphore_mem>>) src(%dma_wait3A_303 : memref<96xi32, #tpu.memory_space<hbm>>) dst(%arg8 : memref<96xi32, #tpu.memory_space<vmem>>)
      %dma_wait3A_304 = arith.constant 0 : i32
      %dma_wait3A_305 = arith.constant 0 : i32
      %dma_wait3A_306 = tpu.memref_slice %arg2[%dma_wait3A_304, %dma_wait3A_305] : memref<320000x128xf32, #tpu.memory_space<hbm>> -> memref<96x128xf32, #tpu.memory_space<hbm>>
      %dma_wait3A_307 = arith.constant 0 : i32
      %dma_wait3A_308 = arith.constant 0 : i32
      %dma_wait3A_309 = tpu.memref_slice %arg2[%dma_wait3A_307, %dma_wait3A_308] : memref<320000x128xf32, #tpu.memory_space<hbm>> -> memref<96x128xf32, #tpu.memory_space<hbm>>
      tpu.wait_dma2 semaphore(%arg22 : memref<!tpu.dma_semaphore, #tpu.memory_space<semaphore_mem>>) src(%dma_wait3A_309 : memref<96x128xf32, #tpu.memory_space<hbm>>) dst(%arg11 : memref<96x128xf32, #tpu.memory_space<vmem>>)
      %scan3A_310 = arith.constant 0 : i32
      %scan3A_311 = arith.constant 0 : i32
      %scan3A_312 = arith.constant 96 : i32
      %scan3A_313 = arith.addi %scan3A_311, %scan3A_312 : i32
      %scan3A_314 = arith.constant 1 : i32
      scf.for %scan3A_333 = %scan3A_311 to %scan3A_313 step %scan3A_314  : i32 {
        %get3A_334 = arith.index_cast %scan3A_333 : i32 to index
        %get3A_335 = arith.constant 0 : index
        %get3A_336 = tpu.vector_load %arg11[%get3A_334, %get3A_335] {strides = array<i32>} : memref<96x128xf32, #tpu.memory_space<vmem>>, vector<1x16xf32>,
        %get3A_337 = vector.shape_cast %get3A_336 : vector<1x16xf32> to vector<16xf32>
        %mul3A_338 = arith.mulf %get3A_337, %get3A_4 : vector<16xf32>
        %add3A_339 = arith.addf %mul3A_338, %get3A_28 : vector<16xf32>
        %max3A = arith.constant 0.000000e+00 : f32
        %max3A_340 = vector.broadcast %max3A : f32 to vector<16xf32>
        %max3A_341 = arith.maximumf %add3A_339, %max3A_340 : vector<16xf32>
        %swap3A = arith.index_cast %scan3A_333 : i32 to index
        %swap3A_342 = arith.constant 0 : index
        %swap3A_343 = tpu.vector_load %arg11[%swap3A, %swap3A_342] {strides = array<i32>} : memref<96x128xf32, #tpu.memory_space<vmem>>, vector<1x16xf32>,
        %swap3A_344 = vector.shape_cast %swap3A_343 : vector<1x16xf32> to vector<16xf32>
        %swap3A_345 = vector.shape_cast %max3A_341 : vector<16xf32> to vector<1x16xf32>
        tpu.vector_store %arg11[%swap3A, %swap3A_342], %swap3A_345 {strides = array<i32>} : memref<96x128xf32, #tpu.memory_space<vmem>>, vector<1x16xf32>,
        %get3A_346 = arith.index_cast %scan3A_333 : i32 to index
        %get3A_347 = arith.constant 16 : index
        %get3A_348 = tpu.vector_load %arg11[%get3A_346, %get3A_347] {strides = array<i32>} : memref<96x128xf32, #tpu.memory_space<vmem>>, vector<1x16xf32>,
        %get3A_349 = vector.shape_cast %get3A_348 : vector<1x16xf32> to vector<16xf32>
        %mul3A_350 = arith.mulf %get3A_349, %get3A_7 : vector<16xf32>
        %add3A_351 = arith.addf %mul3A_350, %get3A_31 : vector<16xf32>
        %max3A_352 = arith.constant 0.000000e+00 : f32
        %max3A_353 = vector.broadcast %max3A_352 : f32 to vector<16xf32>
        %max3A_354 = arith.maximumf %add3A_351, %max3A_353 : vector<16xf32>
        %swap3A_355 = arith.index_cast %scan3A_333 : i32 to index
        %swap3A_356 = arith.constant 16 : index
        %swap3A_357 = tpu.vector_load %arg11[%swap3A_355, %swap3A_356] {strides = array<i32>} : memref<96x128xf32, #tpu.memory_space<vmem>>, vector<1x16xf32>,
        %swap3A_358 = vector.shape_cast %swap3A_357 : vector<1x16xf32> to vector<16xf32>
        %swap3A_359 = vector.shape_cast %max3A_354 : vector<16xf32> to vector<1x16xf32>
        tpu.vector_store %arg11[%swap3A_355, %swap3A_356], %swap3A_359 {strides = array<i32>} : memref<96x128xf32, #tpu.memory_space<vmem>>, vector<1x16xf32>,
        %get3A_360 = arith.index_cast %scan3A_333 : i32 to index
        %get3A_361 = arith.constant 32 : index
        %get3A_362 = tpu.vector_load %arg11[%get3A_360, %get3A_361] {strides = array<i32>} : memref<96x128xf32, #tpu.memory_space<vmem>>, vector<1x16xf32>,
        %get3A_363 = vector.shape_cast %get3A_362 : vector<1x16xf32> to vector<16xf32>
        %mul3A_364 = arith.mulf %get3A_363, %get3A_10 : vector<16xf32>
        %add3A_365 = arith.addf %mul3A_364, %get3A_34 : vector<16xf32>
        %max3A_366 = arith.constant 0.000000e+00 : f32
        %max3A_367 = vector.broadcast %max3A_366 : f32 to vector<16xf32>
        %max3A_368 = arith.maximumf %add3A_365, %max3A_367 : vector<16xf32>
        %swap3A_369 = arith.index_cast %scan3A_333 : i32 to index
        %swap3A_370 = arith.constant 32 : index
        %swap3A_371 = tpu.vector_load %arg11[%swap3A_369, %swap3A_370] {strides = array<i32>} : memref<96x128xf32, #tpu.memory_space<vmem>>, vector<1x16xf32>,
        %swap3A_372 = vector.shape_cast %swap3A_371 : vector<1x16xf32> to vector<16xf32>
        %swap3A_373 = vector.shape_cast %max3A_368 : vector<16xf32> to vector<1x16xf32>
        tpu.vector_store %arg11[%swap3A_369, %swap3A_370], %swap3A_373 {strides = array<i32>} : memref<96x128xf32, #tpu.memory_space<vmem>>, vector<1x16xf32>,
        %get3A_374 = arith.index_cast %scan3A_333 : i32 to index
        %get3A_375 = arith.constant 48 : index
        %get3A_376 = tpu.vector_load %arg11[%get3A_374, %get3A_375] {strides = array<i32>} : memref<96x128xf32, #tpu.memory_space<vmem>>, vector<1x16xf32>,
        %get3A_377 = vector.shape_cast %get3A_376 : vector<1x16xf32> to vector<16xf32>
        %mul3A_378 = arith.mulf %get3A_377, %get3A_13 : vector<16xf32>
        %add3A_379 = arith.addf %mul3A_378, %get3A_37 : vector<16xf32>
        %max3A_380 = arith.constant 0.000000e+00 : f32
        %max3A_381 = vector.broadcast %max3A_380 : f32 to vector<16xf32>
        %max3A_382 = arith.maximumf %add3A_379, %max3A_381 : vector<16xf32>
        %swap3A_383 = arith.index_cast %scan3A_333 : i32 to index
        %swap3A_384 = arith.constant 48 : index
        %swap3A_385 = tpu.vector_load %arg11[%swap3A_383, %swap3A_384] {strides = array<i32>} : memref<96x128xf32, #tpu.memory_space<vmem>>, vector<1x16xf32>,
        %swap3A_386 = vector.shape_cast %swap3A_385 : vector<1x16xf32> to vector<16xf32>
        %swap3A_387 = vector.shape_cast %max3A_382 : vector<16xf32> to vector<1x16xf32>
        tpu.vector_store %arg11[%swap3A_383, %swap3A_384], %swap3A_387 {strides = array<i32>} : memref<96x128xf32, #tpu.memory_space<vmem>>, vector<1x16xf32>,
        %get3A_388 = arith.index_cast %scan3A_333 : i32 to index
        %get3A_389 = arith.constant 64 : index
        %get3A_390 = tpu.vector_load %arg11[%get3A_388, %get3A_389] {strides = array<i32>} : memref<96x128xf32, #tpu.memory_space<vmem>>, vector<1x16xf32>,
        %get3A_391 = vector.shape_cast %get3A_390 : vector<1x16xf32> to vector<16xf32>
        %mul3A_392 = arith.mulf %get3A_391, %get3A_16 : vector<16xf32>
        %add3A_393 = arith.addf %mul3A_392, %get3A_40 : vector<16xf32>
        %max3A_394 = arith.constant 0.000000e+00 : f32
        %max3A_395 = vector.broadcast %max3A_394 : f32 to vector<16xf32>
        %max3A_396 = arith.maximumf %add3A_393, %max3A_395 : vector<16xf32>
        %swap3A_397 = arith.index_cast %scan3A_333 : i32 to index
        %swap3A_398 = arith.constant 64 : index
        %swap3A_399 = tpu.vector_load %arg11[%swap3A_397, %swap3A_398] {strides = array<i32>} : memref<96x128xf32, #tpu.memory_space<vmem>>, vector<1x16xf32>,
        %swap3A_400 = vector.shape_cast %swap3A_399 : vector<1x16xf32> to vector<16xf32>
        %swap3A_401 = vector.shape_cast %max3A_396 : vector<16xf32> to vector<1x16xf32>
        tpu.vector_store %arg11[%swap3A_397, %swap3A_398], %swap3A_401 {strides = array<i32>} : memref<96x128xf32, #tpu.memory_space<vmem>>, vector<1x16xf32>,
        %get3A_402 = arith.index_cast %scan3A_333 : i32 to index
        %get3A_403 = arith.constant 80 : index
        %get3A_404 = tpu.vector_load %arg11[%get3A_402, %get3A_403] {strides = array<i32>} : memref<96x128xf32, #tpu.memory_space<vmem>>, vector<1x16xf32>,
        %get3A_405 = vector.shape_cast %get3A_404 : vector<1x16xf32> to vector<16xf32>
        %mul3A_406 = arith.mulf %get3A_405, %get3A_19 : vector<16xf32>
        %add3A_407 = arith.addf %mul3A_406, %get3A_43 : vector<16xf32>
        %max3A_408 = arith.constant 0.000000e+00 : f32
        %max3A_409 = vector.broadcast %max3A_408 : f32 to vector<16xf32>
        %max3A_410 = arith.maximumf %add3A_407, %max3A_409 : vector<16xf32>
        %swap3A_411 = arith.index_cast %scan3A_333 : i32 to index
        %swap3A_412 = arith.constant 80 : index
        %swap3A_413 = tpu.vector_load %arg11[%swap3A_411, %swap3A_412] {strides = array<i32>} : memref<96x128xf32, #tpu.memory_space<vmem>>, vector<1x16xf32>,
        %swap3A_414 = vector.shape_cast %swap3A_413 : vector<1x16xf32> to vector<16xf32>
        %swap3A_415 = vector.shape_cast %max3A_410 : vector<16xf32> to vector<1x16xf32>
        tpu.vector_store %arg11[%swap3A_411, %swap3A_412], %swap3A_415 {strides = array<i32>} : memref<96x128xf32, #tpu.memory_space<vmem>>, vector<1x16xf32>,
        %get3A_416 = arith.index_cast %scan3A_333 : i32 to index
        %get3A_417 = arith.constant 96 : index
        %get3A_418 = tpu.vector_load %arg11[%get3A_416, %get3A_417] {strides = array<i32>} : memref<96x128xf32, #tpu.memory_space<vmem>>, vector<1x16xf32>,
        %get3A_419 = vector.shape_cast %get3A_418 : vector<1x16xf32> to vector<16xf32>
        %mul3A_420 = arith.mulf %get3A_419, %get3A_22 : vector<16xf32>
        %add3A_421 = arith.addf %mul3A_420, %get3A_46 : vector<16xf32>
        %max3A_422 = arith.constant 0.000000e+00 : f32
        %max3A_423 = vector.broadcast %max3A_422 : f32 to vector<16xf32>
        %max3A_424 = arith.maximumf %add3A_421, %max3A_423 : vector<16xf32>
        %swap3A_425 = arith.index_cast %scan3A_333 : i32 to index
        %swap3A_426 = arith.constant 96 : index
        %swap3A_427 = tpu.vector_load %arg11[%swap3A_425, %swap3A_426] {strides = array<i32>} : memref<96x128xf32, #tpu.memory_space<vmem>>, vector<1x16xf32>,
        %swap3A_428 = vector.shape_cast %swap3A_427 : vector<1x16xf32> to vector<16xf32>
        %swap3A_429 = vector.shape_cast %max3A_424 : vector<16xf32> to vector<1x16xf32>
        tpu.vector_store %arg11[%swap3A_425, %swap3A_426], %swap3A_429 {strides = array<i32>} : memref<96x128xf32, #tpu.memory_space<vmem>>, vector<1x16xf32>,
        %get3A_430 = arith.index_cast %scan3A_333 : i32 to index
        %get3A_431 = arith.constant 112 : index
        %get3A_432 = tpu.vector_load %arg11[%get3A_430, %get3A_431] {strides = array<i32>} : memref<96x128xf32, #tpu.memory_space<vmem>>, vector<1x16xf32>,
        %get3A_433 = vector.shape_cast %get3A_432 : vector<1x16xf32> to vector<16xf32>
        %mul3A_434 = arith.mulf %get3A_433, %get3A_25 : vector<16xf32>
        %add3A_435 = arith.addf %mul3A_434, %get3A_49 : vector<16xf32>
        %max3A_436 = arith.constant 0.000000e+00 : f32
        %max3A_437 = vector.broadcast %max3A_436 : f32 to vector<16xf32>
        %max3A_438 = arith.maximumf %add3A_435, %max3A_437 : vector<16xf32>
        %swap3A_439 = arith.index_cast %scan3A_333 : i32 to index
        %swap3A_440 = arith.constant 112 : index
        %swap3A_441 = tpu.vector_load %arg11[%swap3A_439, %swap3A_440] {strides = array<i32>} : memref<96x128xf32, #tpu.memory_space<vmem>>, vector<1x16xf32>,
        %swap3A_442 = vector.shape_cast %swap3A_441 : vector<1x16xf32> to vector<16xf32>
        %swap3A_443 = vector.shape_cast %max3A_438 : vector<16xf32> to vector<1x16xf32>
        tpu.vector_store %arg11[%swap3A_439, %swap3A_440], %swap3A_443 {strides = array<i32>} : memref<96x128xf32, #tpu.memory_space<vmem>>, vector<1x16xf32>,
      }
      %scan3A_315 = arith.constant 96 : i32
      %dma_start3A_316 = arith.constant 0 : i32
      %dma_start3A_317 = arith.constant 0 : i32
      %dma_start3A_318 = tpu.memref_slice %arg18[%dma_start3A_316, %dma_start3A_317] : memref<10240x128xf32, #tpu.memory_space<vmem_shared>> -> memref<10240x128xf32, #tpu.memory_space<vmem_shared>>
      tpu.enqueue_indirect_dma source(%arg11 : memref<96x128xf32, #tpu.memory_space<vmem>>) target(%dma_start3A_318 : memref<10240x128xf32, #tpu.memory_space<vmem_shared>>) offsets(%arg8 : memref<96xi32, #tpu.memory_space<vmem>>) semaphore(%arg25 : memref<!tpu.dma_semaphore, #tpu.memory_space<semaphore_mem>>) {add = true}
      %dma_wait3A_319 = arith.constant 0 : i32
      %dma_wait3A_320 = arith.constant 0 : i32
      %dma_wait3A_321 = tpu.memref_slice %arg18[%dma_wait3A_319, %dma_wait3A_320] : memref<10240x128xf32, #tpu.memory_space<vmem_shared>> -> memref<10240x128xf32, #tpu.memory_space<vmem_shared>>
      tpu.wait_indirect_dma semaphore(%arg27 : memref<!tpu.dma_semaphore, #tpu.memory_space<semaphore_mem>>) src(%arg13 : memref<96x128xf32, #tpu.memory_space<vmem>>) dst(%dma_wait3A_321 : memref<10240x128xf32, #tpu.memory_space<vmem_shared>>)
      %add3A_322 = arith.constant 2 : i32
      %add3A_323 = arith.addi %add3A_299, %add3A_322 : i32
      %mul3A_324 = arith.constant 96 : i32
      %mul3A_325 = arith.muli %add3A_323, %mul3A_324 : i32
      %add3A_326 = arith.addi %mul3A_2, %mul3A_325 : i32
      %dma_start3A_327 = tpu.memref_slice %arg3[%add3A_326] : memref<320000xi32, #tpu.memory_space<hbm>> -> memref<96xi32, #tpu.memory_space<hbm>>
      %dma_start3A_328 = tpu.memref_slice %arg3[%add3A_326] : memref<320000xi32, #tpu.memory_space<hbm>> -> memref<96xi32, #tpu.memory_space<hbm>>
      tpu.enqueue_dma source(%dma_start3A_328 : memref<96xi32, #tpu.memory_space<hbm>>) target(%arg10 : memref<96xi32, #tpu.memory_space<vmem>>) target_semaphore(%arg21 : memref<!tpu.dma_semaphore, #tpu.memory_space<semaphore_mem>>)
      %dma_start3A_329 = arith.constant 0 : i32
      %dma_start3A_330 = tpu.memref_slice %arg2[%add3A_326, %dma_start3A_329] : memref<320000x128xf32, #tpu.memory_space<hbm>> -> memref<96x128xf32, #tpu.memory_space<hbm>>
      %dma_start3A_331 = arith.constant 0 : i32
      %dma_start3A_332 = tpu.memref_slice %arg2[%add3A_326, %dma_start3A_331] : memref<320000x128xf32, #tpu.memory_space<hbm>> -> memref<96x128xf32, #tpu.memory_space<hbm>>
      tpu.enqueue_dma source(%dma_start3A_332 : memref<96x128xf32, #tpu.memory_space<hbm>>) target(%arg13 : memref<96x128xf32, #tpu.memory_space<vmem>>) target_semaphore(%arg24 : memref<!tpu.dma_semaphore, #tpu.memory_space<semaphore_mem>>)
    }
    %scan3A_99 = arith.constant 33 : i32
    %dma_wait3A_100 = arith.constant 0 : i32
    %dma_wait3A_101 = tpu.memref_slice %arg3[%dma_wait3A_100] : memref<320000xi32, #tpu.memory_space<hbm>> -> memref<96xi32, #tpu.memory_space<hbm>>
    %dma_wait3A_102 = arith.constant 0 : i32
    %dma_wait3A_103 = tpu.memref_slice %arg3[%dma_wait3A_102] : memref<320000xi32, #tpu.memory_space<hbm>> -> memref<96xi32, #tpu.memory_space<hbm>>
    tpu.wait_dma2 semaphore(%arg20 : memref<!tpu.dma_semaphore, #tpu.memory_space<semaphore_mem>>) src(%dma_wait3A_103 : memref<96xi32, #tpu.memory_space<hbm>>) dst(%arg9 : memref<96xi32, #tpu.memory_space<vmem>>)
    %dma_wait3A_104 = arith.constant 0 : i32
    %dma_wait3A_105 = arith.constant 0 : i32
    %dma_wait3A_106 = tpu.memref_slice %arg2[%dma_wait3A_104, %dma_wait3A_105] : memref<320000x128xf32, #tpu.memory_space<hbm>> -> memref<96x128xf32, #tpu.memory_space<hbm>>
    %dma_wait3A_107 = arith.constant 0 : i32
    %dma_wait3A_108 = arith.constant 0 : i32
    %dma_wait3A_109 = tpu.memref_slice %arg2[%dma_wait3A_107, %dma_wait3A_108] : memref<320000x128xf32, #tpu.memory_space<hbm>> -> memref<96x128xf32, #tpu.memory_space<hbm>>
    tpu.wait_dma2 semaphore(%arg23 : memref<!tpu.dma_semaphore, #tpu.memory_space<semaphore_mem>>) src(%dma_wait3A_109 : memref<96x128xf32, #tpu.memory_space<hbm>>) dst(%arg12 : memref<96x128xf32, #tpu.memory_space<vmem>>)
    %scan3A_110 = arith.constant 0 : i32
    %scan3A_111 = arith.constant 0 : i32
    %scan3A_112 = arith.constant 96 : i32
    %scan3A_113 = arith.addi %scan3A_111, %scan3A_112 : i32
    %scan3A_114 = arith.constant 1 : i32
    scf.for %scan3A_223 = %scan3A_111 to %scan3A_113 step %scan3A_114  : i32 {
      %get3A_224 = arith.index_cast %scan3A_223 : i32 to index
      %get3A_225 = arith.constant 0 : index
      %get3A_226 = tpu.vector_load %arg12[%get3A_224, %get3A_225] {strides = array<i32>} : memref<96x128xf32, #tpu.memory_space<vmem>>, vector<1x16xf32>,
      %get3A_227 = vector.shape_cast %get3A_226 : vector<1x16xf32> to vector<16xf32>
      %mul3A_228 = arith.mulf %get3A_227, %get3A_4 : vector<16xf32>
      %add3A_229 = arith.addf %mul3A_228, %get3A_28 : vector<16xf32>
      %max3A = arith.constant 0.000000e+00 : f32
      %max3A_230 = vector.broadcast %max3A : f32 to vector<16xf32>
      %max3A_231 = arith.maximumf %add3A_229, %max3A_230 : vector<16xf32>
      %swap3A = arith.index_cast %scan3A_223 : i32 to index
      %swap3A_232 = arith.constant 0 : index
      %swap3A_233 = tpu.vector_load %arg12[%swap3A, %swap3A_232] {strides = array<i32>} : memref<96x128xf32, #tpu.memory_space<vmem>>, vector<1x16xf32>,
      %swap3A_234 = vector.shape_cast %swap3A_233 : vector<1x16xf32> to vector<16xf32>
      %swap3A_235 = vector.shape_cast %max3A_231 : vector<16xf32> to vector<1x16xf32>
      tpu.vector_store %arg12[%swap3A, %swap3A_232], %swap3A_235 {strides = array<i32>} : memref<96x128xf32, #tpu.memory_space<vmem>>, vector<1x16xf32>,
      %get3A_236 = arith.index_cast %scan3A_223 : i32 to index
      %get3A_237 = arith.constant 16 : index
      %get3A_238 = tpu.vector_load %arg12[%get3A_236, %get3A_237] {strides = array<i32>} : memref<96x128xf32, #tpu.memory_space<vmem>>, vector<1x16xf32>,
      %get3A_239 = vector.shape_cast %get3A_238 : vector<1x16xf32> to vector<16xf32>
      %mul3A_240 = arith.mulf %get3A_239, %get3A_7 : vector<16xf32>
      %add3A_241 = arith.addf %mul3A_240, %get3A_31 : vector<16xf32>
      %max3A_242 = arith.constant 0.000000e+00 : f32
      %max3A_243 = vector.broadcast %max3A_242 : f32 to vector<16xf32>
      %max3A_244 = arith.maximumf %add3A_241, %max3A_243 : vector<16xf32>
      %swap3A_245 = arith.index_cast %scan3A_223 : i32 to index
      %swap3A_246 = arith.constant 16 : index
      %swap3A_247 = tpu.vector_load %arg12[%swap3A_245, %swap3A_246] {strides = array<i32>} : memref<96x128xf32, #tpu.memory_space<vmem>>, vector<1x16xf32>,
      %swap3A_248 = vector.shape_cast %swap3A_247 : vector<1x16xf32> to vector<16xf32>
      %swap3A_249 = vector.shape_cast %max3A_244 : vector<16xf32> to vector<1x16xf32>
      tpu.vector_store %arg12[%swap3A_245, %swap3A_246], %swap3A_249 {strides = array<i32>} : memref<96x128xf32, #tpu.memory_space<vmem>>, vector<1x16xf32>,
      %get3A_250 = arith.index_cast %scan3A_223 : i32 to index
      %get3A_251 = arith.constant 32 : index
      %get3A_252 = tpu.vector_load %arg12[%get3A_250, %get3A_251] {strides = array<i32>} : memref<96x128xf32, #tpu.memory_space<vmem>>, vector<1x16xf32>,
      %get3A_253 = vector.shape_cast %get3A_252 : vector<1x16xf32> to vector<16xf32>
      %mul3A_254 = arith.mulf %get3A_253, %get3A_10 : vector<16xf32>
      %add3A_255 = arith.addf %mul3A_254, %get3A_34 : vector<16xf32>
      %max3A_256 = arith.constant 0.000000e+00 : f32
      %max3A_257 = vector.broadcast %max3A_256 : f32 to vector<16xf32>
      %max3A_258 = arith.maximumf %add3A_255, %max3A_257 : vector<16xf32>
      %swap3A_259 = arith.index_cast %scan3A_223 : i32 to index
      %swap3A_260 = arith.constant 32 : index
      %swap3A_261 = tpu.vector_load %arg12[%swap3A_259, %swap3A_260] {strides = array<i32>} : memref<96x128xf32, #tpu.memory_space<vmem>>, vector<1x16xf32>,
      %swap3A_262 = vector.shape_cast %swap3A_261 : vector<1x16xf32> to vector<16xf32>
      %swap3A_263 = vector.shape_cast %max3A_258 : vector<16xf32> to vector<1x16xf32>
      tpu.vector_store %arg12[%swap3A_259, %swap3A_260], %swap3A_263 {strides = array<i32>} : memref<96x128xf32, #tpu.memory_space<vmem>>, vector<1x16xf32>,
      %get3A_264 = arith.index_cast %scan3A_223 : i32 to index
      %get3A_265 = arith.constant 48 : index
      %get3A_266 = tpu.vector_load %arg12[%get3A_264, %get3A_265] {strides = array<i32>} : memref<96x128xf32, #tpu.memory_space<vmem>>, vector<1x16xf32>,
      %get3A_267 = vector.shape_cast %get3A_266 : vector<1x16xf32> to vector<16xf32>
      %mul3A_268 = arith.mulf %get3A_267, %get3A_13 : vector<16xf32>
      %add3A_269 = arith.addf %mul3A_268, %get3A_37 : vector<16xf32>
      %max3A_270 = arith.constant 0.000000e+00 : f32
      %max3A_271 = vector.broadcast %max3A_270 : f32 to vector<16xf32>
      %max3A_272 = arith.maximumf %add3A_269, %max3A_271 : vector<16xf32>
      %swap3A_273 = arith.index_cast %scan3A_223 : i32 to index
      %swap3A_274 = arith.constant 48 : index
      %swap3A_275 = tpu.vector_load %arg12[%swap3A_273, %swap3A_274] {strides = array<i32>} : memref<96x128xf32, #tpu.memory_space<vmem>>, vector<1x16xf32>,
      %swap3A_276 = vector.shape_cast %swap3A_275 : vector<1x16xf32> to vector<16xf32>
      %swap3A_277 = vector.shape_cast %max3A_272 : vector<16xf32> to vector<1x16xf32>
      tpu.vector_store %arg12[%swap3A_273, %swap3A_274], %swap3A_277 {strides = array<i32>} : memref<96x128xf32, #tpu.memory_space<vmem>>, vector<1x16xf32>,
      %get3A_278 = arith.index_cast %scan3A_223 : i32 to index
      %get3A_279 = arith.constant 64 : index
      %get3A_280 = tpu.vector_load %arg12[%get3A_278, %get3A_279] {strides = array<i32>} : memref<96x128xf32, #tpu.memory_space<vmem>>, vector<1x16xf32>,
      %get3A_281 = vector.shape_cast %get3A_280 : vector<1x16xf32> to vector<16xf32>
      %mul3A_282 = arith.mulf %get3A_281, %get3A_16 : vector<16xf32>
      %add3A_283 = arith.addf %mul3A_282, %get3A_40 : vector<16xf32>
      %max3A_284 = arith.constant 0.000000e+00 : f32
      %max3A_285 = vector.broadcast %max3A_284 : f32 to vector<16xf32>
      %max3A_286 = arith.maximumf %add3A_283, %max3A_285 : vector<16xf32>
      %swap3A_287 = arith.index_cast %scan3A_223 : i32 to index
      %swap3A_288 = arith.constant 64 : index
      %swap3A_289 = tpu.vector_load %arg12[%swap3A_287, %swap3A_288] {strides = array<i32>} : memref<96x128xf32, #tpu.memory_space<vmem>>, vector<1x16xf32>,
      %swap3A_290 = vector.shape_cast %swap3A_289 : vector<1x16xf32> to vector<16xf32>
      %swap3A_291 = vector.shape_cast %max3A_286 : vector<16xf32> to vector<1x16xf32>
      tpu.vector_store %arg12[%swap3A_287, %swap3A_288], %swap3A_291 {strides = array<i32>} : memref<96x128xf32, #tpu.memory_space<vmem>>, vector<1x16xf32>,
      %get3A_292 = arith.index_cast %scan3A_223 : i32 to index
      %get3A_293 = arith.constant 80 : index
      %get3A_294 = tpu.vector_load %arg12[%get3A_292, %get3A_293] {strides = array<i32>} : memref<96x128xf32, #tpu.memory_space<vmem>>, vector<1x16xf32>,
      %get3A_295 = vector.shape_cast %get3A_294 : vector<1x16xf32> to vector<16xf32>
      %mul3A_296 = arith.mulf %get3A_295, %get3A_19 : vector<16xf32>
      %add3A_297 = arith.addf %mul3A_296, %get3A_43 : vector<16xf32>
      %max3A_298 = arith.constant 0.000000e+00 : f32
      %max3A_299 = vector.broadcast %max3A_298 : f32 to vector<16xf32>
      %max3A_300 = arith.maximumf %add3A_297, %max3A_299 : vector<16xf32>
      %swap3A_301 = arith.index_cast %scan3A_223 : i32 to index
      %swap3A_302 = arith.constant 80 : index
      %swap3A_303 = tpu.vector_load %arg12[%swap3A_301, %swap3A_302] {strides = array<i32>} : memref<96x128xf32, #tpu.memory_space<vmem>>, vector<1x16xf32>,
      %swap3A_304 = vector.shape_cast %swap3A_303 : vector<1x16xf32> to vector<16xf32>
      %swap3A_305 = vector.shape_cast %max3A_300 : vector<16xf32> to vector<1x16xf32>
      tpu.vector_store %arg12[%swap3A_301, %swap3A_302], %swap3A_305 {strides = array<i32>} : memref<96x128xf32, #tpu.memory_space<vmem>>, vector<1x16xf32>,
      %get3A_306 = arith.index_cast %scan3A_223 : i32 to index
      %get3A_307 = arith.constant 96 : index
      %get3A_308 = tpu.vector_load %arg12[%get3A_306, %get3A_307] {strides = array<i32>} : memref<96x128xf32, #tpu.memory_space<vmem>>, vector<1x16xf32>,
      %get3A_309 = vector.shape_cast %get3A_308 : vector<1x16xf32> to vector<16xf32>
      %mul3A_310 = arith.mulf %get3A_309, %get3A_22 : vector<16xf32>
      %add3A_311 = arith.addf %mul3A_310, %get3A_46 : vector<16xf32>
      %max3A_312 = arith.constant 0.000000e+00 : f32
      %max3A_313 = vector.broadcast %max3A_312 : f32 to vector<16xf32>
      %max3A_314 = arith.maximumf %add3A_311, %max3A_313 : vector<16xf32>
      %swap3A_315 = arith.index_cast %scan3A_223 : i32 to index
      %swap3A_316 = arith.constant 96 : index
      %swap3A_317 = tpu.vector_load %arg12[%swap3A_315, %swap3A_316] {strides = array<i32>} : memref<96x128xf32, #tpu.memory_space<vmem>>, vector<1x16xf32>,
      %swap3A_318 = vector.shape_cast %swap3A_317 : vector<1x16xf32> to vector<16xf32>
      %swap3A_319 = vector.shape_cast %max3A_314 : vector<16xf32> to vector<1x16xf32>
      tpu.vector_store %arg12[%swap3A_315, %swap3A_316], %swap3A_319 {strides = array<i32>} : memref<96x128xf32, #tpu.memory_space<vmem>>, vector<1x16xf32>,
      %get3A_320 = arith.index_cast %scan3A_223 : i32 to index
      %get3A_321 = arith.constant 112 : index
      %get3A_322 = tpu.vector_load %arg12[%get3A_320, %get3A_321] {strides = array<i32>} : memref<96x128xf32, #tpu.memory_space<vmem>>, vector<1x16xf32>,
      %get3A_323 = vector.shape_cast %get3A_322 : vector<1x16xf32> to vector<16xf32>
      %mul3A_324 = arith.mulf %get3A_323, %get3A_25 : vector<16xf32>
      %add3A_325 = arith.addf %mul3A_324, %get3A_49 : vector<16xf32>
      %max3A_326 = arith.constant 0.000000e+00 : f32
      %max3A_327 = vector.broadcast %max3A_326 : f32 to vector<16xf32>
      %max3A_328 = arith.maximumf %add3A_325, %max3A_327 : vector<16xf32>
      %swap3A_329 = arith.index_cast %scan3A_223 : i32 to index
      %swap3A_330 = arith.constant 112 : index
      %swap3A_331 = tpu.vector_load %arg12[%swap3A_329, %swap3A_330] {strides = array<i32>} : memref<96x128xf32, #tpu.memory_space<vmem>>, vector<1x16xf32>,
      %swap3A_332 = vector.shape_cast %swap3A_331 : vector<1x16xf32> to vector<16xf32>
      %swap3A_333 = vector.shape_cast %max3A_328 : vector<16xf32> to vector<1x16xf32>
      tpu.vector_store %arg12[%swap3A_329, %swap3A_330], %swap3A_333 {strides = array<i32>} : memref<96x128xf32, #tpu.memory_space<vmem>>, vector<1x16xf32>,
    }
    %scan3A_115 = arith.constant 96 : i32
    %dma_start3A_116 = arith.constant 0 : i32
    %dma_start3A_117 = arith.constant 0 : i32
    %dma_start3A_118 = tpu.memref_slice %arg18[%dma_start3A_116, %dma_start3A_117] : memref<10240x128xf32, #tpu.memory_space<vmem_shared>> -> memref<10240x128xf32, #tpu.memory_space<vmem_shared>>
    tpu.enqueue_indirect_dma source(%arg12 : memref<96x128xf32, #tpu.memory_space<vmem>>) target(%dma_start3A_118 : memref<10240x128xf32, #tpu.memory_space<vmem_shared>>) offsets(%arg9 : memref<96xi32, #tpu.memory_space<vmem>>) semaphore(%arg26 : memref<!tpu.dma_semaphore, #tpu.memory_space<semaphore_mem>>) {add = true}
    %dma_wait3A_119 = arith.constant 0 : i32
    %dma_wait3A_120 = arith.constant 0 : i32
    %dma_wait3A_121 = tpu.memref_slice %arg18[%dma_wait3A_119, %dma_wait3A_120] : memref<10240x128xf32, #tpu.memory_space<vmem_shared>> -> memref<10240x128xf32, #tpu.memory_space<vmem_shared>>
    tpu.wait_indirect_dma semaphore(%arg25 : memref<!tpu.dma_semaphore, #tpu.memory_space<semaphore_mem>>) src(%arg11 : memref<96x128xf32, #tpu.memory_space<vmem>>) dst(%dma_wait3A_121 : memref<10240x128xf32, #tpu.memory_space<vmem_shared>>)
    %add3A_122 = arith.constant 9792 : i32
    %add3A_123 = arith.addi %mul3A_2, %add3A_122 : i32
    %dma_start3A_124 = tpu.memref_slice %arg3[%add3A_123] : memref<320000xi32, #tpu.memory_space<hbm>> -> memref<96xi32, #tpu.memory_space<hbm>>
    %dma_start3A_125 = tpu.memref_slice %arg3[%add3A_123] : memref<320000xi32, #tpu.memory_space<hbm>> -> memref<96xi32, #tpu.memory_space<hbm>>
    tpu.enqueue_dma source(%dma_start3A_125 : memref<96xi32, #tpu.memory_space<hbm>>) target(%arg8 : memref<96xi32, #tpu.memory_space<vmem>>) target_semaphore(%arg19 : memref<!tpu.dma_semaphore, #tpu.memory_space<semaphore_mem>>)
    %dma_start3A_126 = arith.constant 0 : i32
    %dma_start3A_127 = tpu.memref_slice %arg2[%add3A_123, %dma_start3A_126] : memref<320000x128xf32, #tpu.memory_space<hbm>> -> memref<96x128xf32, #tpu.memory_space<hbm>>
    %dma_start3A_128 = arith.constant 0 : i32
    %dma_start3A_129 = tpu.memref_slice %arg2[%add3A_123, %dma_start3A_128] : memref<320000x128xf32, #tpu.memory_space<hbm>> -> memref<96x128xf32, #tpu.memory_space<hbm>>
    tpu.enqueue_dma source(%dma_start3A_129 : memref<96x128xf32, #tpu.memory_space<hbm>>) target(%arg11 : memref<96x128xf32, #tpu.memory_space<vmem>>) target_semaphore(%arg22 : memref<!tpu.dma_semaphore, #tpu.memory_space<semaphore_mem>>)
    %dma_wait3A_130 = arith.constant 0 : i32
    %dma_wait3A_131 = tpu.memref_slice %arg3[%dma_wait3A_130] : memref<320000xi32, #tpu.memory_space<hbm>> -> memref<96xi32, #tpu.memory_space<hbm>>
    %dma_wait3A_132 = arith.constant 0 : i32
    %dma_wait3A_133 = tpu.memref_slice %arg3[%dma_wait3A_132] : memref<320000xi32, #tpu.memory_space<hbm>> -> memref<96xi32, #tpu.memory_space<hbm>>
    tpu.wait_dma2 semaphore(%arg21 : memref<!tpu.dma_semaphore, #tpu.memory_space<semaphore_mem>>) src(%dma_wait3A_133 : memref<96xi32, #tpu.memory_space<hbm>>) dst(%arg10 : memref<96xi32, #tpu.memory_space<vmem>>)
    %dma_wait3A_134 = arith.constant 0 : i32
    %dma_wait3A_135 = arith.constant 0 : i32
    %dma_wait3A_136 = tpu.memref_slice %arg2[%dma_wait3A_134, %dma_wait3A_135] : memref<320000x128xf32, #tpu.memory_space<hbm>> -> memref<96x128xf32, #tpu.memory_space<hbm>>
    %dma_wait3A_137 = arith.constant 0 : i32
    %dma_wait3A_138 = arith.constant 0 : i32
    %dma_wait3A_139 = tpu.memref_slice %arg2[%dma_wait3A_137, %dma_wait3A_138] : memref<320000x128xf32, #tpu.memory_space<hbm>> -> memref<96x128xf32, #tpu.memory_space<hbm>>
    tpu.wait_dma2 semaphore(%arg24 : memref<!tpu.dma_semaphore, #tpu.memory_space<semaphore_mem>>) src(%dma_wait3A_139 : memref<96x128xf32, #tpu.memory_space<hbm>>) dst(%arg13 : memref<96x128xf32, #tpu.memory_space<vmem>>)
    %scan3A_140 = arith.constant 0 : i32
    %scan3A_141 = arith.constant 0 : i32
    %scan3A_142 = arith.constant 96 : i32
    %scan3A_143 = arith.addi %scan3A_141, %scan3A_142 : i32
    %scan3A_144 = arith.constant 1 : i32
    scf.for %scan3A_223 = %scan3A_141 to %scan3A_143 step %scan3A_144  : i32 {
      %get3A_224 = arith.index_cast %scan3A_223 : i32 to index
      %get3A_225 = arith.constant 0 : index
      %get3A_226 = tpu.vector_load %arg13[%get3A_224, %get3A_225] {strides = array<i32>} : memref<96x128xf32, #tpu.memory_space<vmem>>, vector<1x16xf32>,
      %get3A_227 = vector.shape_cast %get3A_226 : vector<1x16xf32> to vector<16xf32>
      %mul3A_228 = arith.mulf %get3A_227, %get3A_4 : vector<16xf32>
      %add3A_229 = arith.addf %mul3A_228, %get3A_28 : vector<16xf32>
      %max3A = arith.constant 0.000000e+00 : f32
      %max3A_230 = vector.broadcast %max3A : f32 to vector<16xf32>
      %max3A_231 = arith.maximumf %add3A_229, %max3A_230 : vector<16xf32>
      %swap3A = arith.index_cast %scan3A_223 : i32 to index
      %swap3A_232 = arith.constant 0 : index
      %swap3A_233 = tpu.vector_load %arg13[%swap3A, %swap3A_232] {strides = array<i32>} : memref<96x128xf32, #tpu.memory_space<vmem>>, vector<1x16xf32>,
      %swap3A_234 = vector.shape_cast %swap3A_233 : vector<1x16xf32> to vector<16xf32>
      %swap3A_235 = vector.shape_cast %max3A_231 : vector<16xf32> to vector<1x16xf32>
      tpu.vector_store %arg13[%swap3A, %swap3A_232], %swap3A_235 {strides = array<i32>} : memref<96x128xf32, #tpu.memory_space<vmem>>, vector<1x16xf32>,
      %get3A_236 = arith.index_cast %scan3A_223 : i32 to index
      %get3A_237 = arith.constant 16 : index
      %get3A_238 = tpu.vector_load %arg13[%get3A_236, %get3A_237] {strides = array<i32>} : memref<96x128xf32, #tpu.memory_space<vmem>>, vector<1x16xf32>,
      %get3A_239 = vector.shape_cast %get3A_238 : vector<1x16xf32> to vector<16xf32>
      %mul3A_240 = arith.mulf %get3A_239, %get3A_7 : vector<16xf32>
      %add3A_241 = arith.addf %mul3A_240, %get3A_31 : vector<16xf32>
      %max3A_242 = arith.constant 0.000000e+00 : f32
      %max3A_243 = vector.broadcast %max3A_242 : f32 to vector<16xf32>
      %max3A_244 = arith.maximumf %add3A_241, %max3A_243 : vector<16xf32>
      %swap3A_245 = arith.index_cast %scan3A_223 : i32 to index
      %swap3A_246 = arith.constant 16 : index
      %swap3A_247 = tpu.vector_load %arg13[%swap3A_245, %swap3A_246] {strides = array<i32>} : memref<96x128xf32, #tpu.memory_space<vmem>>, vector<1x16xf32>,
      %swap3A_248 = vector.shape_cast %swap3A_247 : vector<1x16xf32> to vector<16xf32>
      %swap3A_249 = vector.shape_cast %max3A_244 : vector<16xf32> to vector<1x16xf32>
      tpu.vector_store %arg13[%swap3A_245, %swap3A_246], %swap3A_249 {strides = array<i32>} : memref<96x128xf32, #tpu.memory_space<vmem>>, vector<1x16xf32>,
      %get3A_250 = arith.index_cast %scan3A_223 : i32 to index
      %get3A_251 = arith.constant 32 : index
      %get3A_252 = tpu.vector_load %arg13[%get3A_250, %get3A_251] {strides = array<i32>} : memref<96x128xf32, #tpu.memory_space<vmem>>, vector<1x16xf32>,
      %get3A_253 = vector.shape_cast %get3A_252 : vector<1x16xf32> to vector<16xf32>
      %mul3A_254 = arith.mulf %get3A_253, %get3A_10 : vector<16xf32>
      %add3A_255 = arith.addf %mul3A_254, %get3A_34 : vector<16xf32>
      %max3A_256 = arith.constant 0.000000e+00 : f32
      %max3A_257 = vector.broadcast %max3A_256 : f32 to vector<16xf32>
      %max3A_258 = arith.maximumf %add3A_255, %max3A_257 : vector<16xf32>
      %swap3A_259 = arith.index_cast %scan3A_223 : i32 to index
      %swap3A_260 = arith.constant 32 : index
      %swap3A_261 = tpu.vector_load %arg13[%swap3A_259, %swap3A_260] {strides = array<i32>} : memref<96x128xf32, #tpu.memory_space<vmem>>, vector<1x16xf32>,
      %swap3A_262 = vector.shape_cast %swap3A_261 : vector<1x16xf32> to vector<16xf32>
      %swap3A_263 = vector.shape_cast %max3A_258 : vector<16xf32> to vector<1x16xf32>
      tpu.vector_store %arg13[%swap3A_259, %swap3A_260], %swap3A_263 {strides = array<i32>} : memref<96x128xf32, #tpu.memory_space<vmem>>, vector<1x16xf32>,
      %get3A_264 = arith.index_cast %scan3A_223 : i32 to index
      %get3A_265 = arith.constant 48 : index
      %get3A_266 = tpu.vector_load %arg13[%get3A_264, %get3A_265] {strides = array<i32>} : memref<96x128xf32, #tpu.memory_space<vmem>>, vector<1x16xf32>,
      %get3A_267 = vector.shape_cast %get3A_266 : vector<1x16xf32> to vector<16xf32>
      %mul3A_268 = arith.mulf %get3A_267, %get3A_13 : vector<16xf32>
      %add3A_269 = arith.addf %mul3A_268, %get3A_37 : vector<16xf32>
      %max3A_270 = arith.constant 0.000000e+00 : f32
      %max3A_271 = vector.broadcast %max3A_270 : f32 to vector<16xf32>
      %max3A_272 = arith.maximumf %add3A_269, %max3A_271 : vector<16xf32>
      %swap3A_273 = arith.index_cast %scan3A_223 : i32 to index
      %swap3A_274 = arith.constant 48 : index
      %swap3A_275 = tpu.vector_load %arg13[%swap3A_273, %swap3A_274] {strides = array<i32>} : memref<96x128xf32, #tpu.memory_space<vmem>>, vector<1x16xf32>,
      %swap3A_276 = vector.shape_cast %swap3A_275 : vector<1x16xf32> to vector<16xf32>
      %swap3A_277 = vector.shape_cast %max3A_272 : vector<16xf32> to vector<1x16xf32>
      tpu.vector_store %arg13[%swap3A_273, %swap3A_274], %swap3A_277 {strides = array<i32>} : memref<96x128xf32, #tpu.memory_space<vmem>>, vector<1x16xf32>,
      %get3A_278 = arith.index_cast %scan3A_223 : i32 to index
      %get3A_279 = arith.constant 64 : index
      %get3A_280 = tpu.vector_load %arg13[%get3A_278, %get3A_279] {strides = array<i32>} : memref<96x128xf32, #tpu.memory_space<vmem>>, vector<1x16xf32>,
      %get3A_281 = vector.shape_cast %get3A_280 : vector<1x16xf32> to vector<16xf32>
      %mul3A_282 = arith.mulf %get3A_281, %get3A_16 : vector<16xf32>
      %add3A_283 = arith.addf %mul3A_282, %get3A_40 : vector<16xf32>
      %max3A_284 = arith.constant 0.000000e+00 : f32
      %max3A_285 = vector.broadcast %max3A_284 : f32 to vector<16xf32>
      %max3A_286 = arith.maximumf %add3A_283, %max3A_285 : vector<16xf32>
      %swap3A_287 = arith.index_cast %scan3A_223 : i32 to index
      %swap3A_288 = arith.constant 64 : index
      %swap3A_289 = tpu.vector_load %arg13[%swap3A_287, %swap3A_288] {strides = array<i32>} : memref<96x128xf32, #tpu.memory_space<vmem>>, vector<1x16xf32>,
      %swap3A_290 = vector.shape_cast %swap3A_289 : vector<1x16xf32> to vector<16xf32>
      %swap3A_291 = vector.shape_cast %max3A_286 : vector<16xf32> to vector<1x16xf32>
      tpu.vector_store %arg13[%swap3A_287, %swap3A_288], %swap3A_291 {strides = array<i32>} : memref<96x128xf32, #tpu.memory_space<vmem>>, vector<1x16xf32>,
      %get3A_292 = arith.index_cast %scan3A_223 : i32 to index
      %get3A_293 = arith.constant 80 : index
      %get3A_294 = tpu.vector_load %arg13[%get3A_292, %get3A_293] {strides = array<i32>} : memref<96x128xf32, #tpu.memory_space<vmem>>, vector<1x16xf32>,
      %get3A_295 = vector.shape_cast %get3A_294 : vector<1x16xf32> to vector<16xf32>
      %mul3A_296 = arith.mulf %get3A_295, %get3A_19 : vector<16xf32>
      %add3A_297 = arith.addf %mul3A_296, %get3A_43 : vector<16xf32>
      %max3A_298 = arith.constant 0.000000e+00 : f32
      %max3A_299 = vector.broadcast %max3A_298 : f32 to vector<16xf32>
      %max3A_300 = arith.maximumf %add3A_297, %max3A_299 : vector<16xf32>
      %swap3A_301 = arith.index_cast %scan3A_223 : i32 to index
      %swap3A_302 = arith.constant 80 : index
      %swap3A_303 = tpu.vector_load %arg13[%swap3A_301, %swap3A_302] {strides = array<i32>} : memref<96x128xf32, #tpu.memory_space<vmem>>, vector<1x16xf32>,
      %swap3A_304 = vector.shape_cast %swap3A_303 : vector<1x16xf32> to vector<16xf32>
      %swap3A_305 = vector.shape_cast %max3A_300 : vector<16xf32> to vector<1x16xf32>
      tpu.vector_store %arg13[%swap3A_301, %swap3A_302], %swap3A_305 {strides = array<i32>} : memref<96x128xf32, #tpu.memory_space<vmem>>, vector<1x16xf32>,
      %get3A_306 = arith.index_cast %scan3A_223 : i32 to index
      %get3A_307 = arith.constant 96 : index
      %get3A_308 = tpu.vector_load %arg13[%get3A_306, %get3A_307] {strides = array<i32>} : memref<96x128xf32, #tpu.memory_space<vmem>>, vector<1x16xf32>,
      %get3A_309 = vector.shape_cast %get3A_308 : vector<1x16xf32> to vector<16xf32>
      %mul3A_310 = arith.mulf %get3A_309, %get3A_22 : vector<16xf32>
      %add3A_311 = arith.addf %mul3A_310, %get3A_46 : vector<16xf32>
      %max3A_312 = arith.constant 0.000000e+00 : f32
      %max3A_313 = vector.broadcast %max3A_312 : f32 to vector<16xf32>
      %max3A_314 = arith.maximumf %add3A_311, %max3A_313 : vector<16xf32>
      %swap3A_315 = arith.index_cast %scan3A_223 : i32 to index
      %swap3A_316 = arith.constant 96 : index
      %swap3A_317 = tpu.vector_load %arg13[%swap3A_315, %swap3A_316] {strides = array<i32>} : memref<96x128xf32, #tpu.memory_space<vmem>>, vector<1x16xf32>,
      %swap3A_318 = vector.shape_cast %swap3A_317 : vector<1x16xf32> to vector<16xf32>
      %swap3A_319 = vector.shape_cast %max3A_314 : vector<16xf32> to vector<1x16xf32>
      tpu.vector_store %arg13[%swap3A_315, %swap3A_316], %swap3A_319 {strides = array<i32>} : memref<96x128xf32, #tpu.memory_space<vmem>>, vector<1x16xf32>,
      %get3A_320 = arith.index_cast %scan3A_223 : i32 to index
      %get3A_321 = arith.constant 112 : index
      %get3A_322 = tpu.vector_load %arg13[%get3A_320, %get3A_321] {strides = array<i32>} : memref<96x128xf32, #tpu.memory_space<vmem>>, vector<1x16xf32>,
      %get3A_323 = vector.shape_cast %get3A_322 : vector<1x16xf32> to vector<16xf32>
      %mul3A_324 = arith.mulf %get3A_323, %get3A_25 : vector<16xf32>
      %add3A_325 = arith.addf %mul3A_324, %get3A_49 : vector<16xf32>
      %max3A_326 = arith.constant 0.000000e+00 : f32
      %max3A_327 = vector.broadcast %max3A_326 : f32 to vector<16xf32>
      %max3A_328 = arith.maximumf %add3A_325, %max3A_327 : vector<16xf32>
      %swap3A_329 = arith.index_cast %scan3A_223 : i32 to index
      %swap3A_330 = arith.constant 112 : index
      %swap3A_331 = tpu.vector_load %arg13[%swap3A_329, %swap3A_330] {strides = array<i32>} : memref<96x128xf32, #tpu.memory_space<vmem>>, vector<1x16xf32>,
      %swap3A_332 = vector.shape_cast %swap3A_331 : vector<1x16xf32> to vector<16xf32>
      %swap3A_333 = vector.shape_cast %max3A_328 : vector<16xf32> to vector<1x16xf32>
      tpu.vector_store %arg13[%swap3A_329, %swap3A_330], %swap3A_333 {strides = array<i32>} : memref<96x128xf32, #tpu.memory_space<vmem>>, vector<1x16xf32>,
    }
    %scan3A_145 = arith.constant 96 : i32
    %dma_start3A_146 = arith.constant 0 : i32
    %dma_start3A_147 = arith.constant 0 : i32
    %dma_start3A_148 = tpu.memref_slice %arg18[%dma_start3A_146, %dma_start3A_147] : memref<10240x128xf32, #tpu.memory_space<vmem_shared>> -> memref<10240x128xf32, #tpu.memory_space<vmem_shared>>
    tpu.enqueue_indirect_dma source(%arg13 : memref<96x128xf32, #tpu.memory_space<vmem>>) target(%dma_start3A_148 : memref<10240x128xf32, #tpu.memory_space<vmem_shared>>) offsets(%arg10 : memref<96xi32, #tpu.memory_space<vmem>>) semaphore(%arg27 : memref<!tpu.dma_semaphore, #tpu.memory_space<semaphore_mem>>) {add = true}
    %dma_wait3A_149 = arith.constant 0 : i32
    %dma_wait3A_150 = arith.constant 0 : i32
    %dma_wait3A_151 = tpu.memref_slice %arg18[%dma_wait3A_149, %dma_wait3A_150] : memref<10240x128xf32, #tpu.memory_space<vmem_shared>> -> memref<10240x128xf32, #tpu.memory_space<vmem_shared>>
    tpu.wait_indirect_dma semaphore(%arg26 : memref<!tpu.dma_semaphore, #tpu.memory_space<semaphore_mem>>) src(%arg12 : memref<96x128xf32, #tpu.memory_space<vmem>>) dst(%dma_wait3A_151 : memref<10240x128xf32, #tpu.memory_space<vmem_shared>>)
    %add3A_152 = arith.constant 9888 : i32
    %add3A_153 = arith.addi %mul3A_2, %add3A_152 : i32
    %dma_start3A_154 = tpu.memref_slice %arg3[%add3A_153] : memref<320000xi32, #tpu.memory_space<hbm>> -> memref<96xi32, #tpu.memory_space<hbm>>
    %dma_start3A_155 = tpu.memref_slice %arg3[%add3A_153] : memref<320000xi32, #tpu.memory_space<hbm>> -> memref<96xi32, #tpu.memory_space<hbm>>
    tpu.enqueue_dma source(%dma_start3A_155 : memref<96xi32, #tpu.memory_space<hbm>>) target(%arg9 : memref<96xi32, #tpu.memory_space<vmem>>) target_semaphore(%arg20 : memref<!tpu.dma_semaphore, #tpu.memory_space<semaphore_mem>>)
    %dma_start3A_156 = arith.constant 0 : i32
    %dma_start3A_157 = tpu.memref_slice %arg2[%add3A_153, %dma_start3A_156] : memref<320000x128xf32, #tpu.memory_space<hbm>> -> memref<96x128xf32, #tpu.memory_space<hbm>>
    %dma_start3A_158 = arith.constant 0 : i32
    %dma_start3A_159 = tpu.memref_slice %arg2[%add3A_153, %dma_start3A_158] : memref<320000x128xf32, #tpu.memory_space<hbm>> -> memref<96x128xf32, #tpu.memory_space<hbm>>
    tpu.enqueue_dma source(%dma_start3A_159 : memref<96x128xf32, #tpu.memory_space<hbm>>) target(%arg12 : memref<96x128xf32, #tpu.memory_space<vmem>>) target_semaphore(%arg23 : memref<!tpu.dma_semaphore, #tpu.memory_space<semaphore_mem>>)
    %dma_wait3A_160 = arith.constant 0 : i32
    %dma_wait3A_161 = tpu.memref_slice %arg3[%dma_wait3A_160] : memref<320000xi32, #tpu.memory_space<hbm>> -> memref<96xi32, #tpu.memory_space<hbm>>
    %dma_wait3A_162 = arith.constant 0 : i32
    %dma_wait3A_163 = tpu.memref_slice %arg3[%dma_wait3A_162] : memref<320000xi32, #tpu.memory_space<hbm>> -> memref<96xi32, #tpu.memory_space<hbm>>
    tpu.wait_dma2 semaphore(%arg19 : memref<!tpu.dma_semaphore, #tpu.memory_space<semaphore_mem>>) src(%dma_wait3A_163 : memref<96xi32, #tpu.memory_space<hbm>>) dst(%arg8 : memref<96xi32, #tpu.memory_space<vmem>>)
    %dma_wait3A_164 = arith.constant 0 : i32
    %dma_wait3A_165 = arith.constant 0 : i32
    %dma_wait3A_166 = tpu.memref_slice %arg2[%dma_wait3A_164, %dma_wait3A_165] : memref<320000x128xf32, #tpu.memory_space<hbm>> -> memref<96x128xf32, #tpu.memory_space<hbm>>
    %dma_wait3A_167 = arith.constant 0 : i32
    %dma_wait3A_168 = arith.constant 0 : i32
    %dma_wait3A_169 = tpu.memref_slice %arg2[%dma_wait3A_167, %dma_wait3A_168] : memref<320000x128xf32, #tpu.memory_space<hbm>> -> memref<96x128xf32, #tpu.memory_space<hbm>>
    tpu.wait_dma2 semaphore(%arg22 : memref<!tpu.dma_semaphore, #tpu.memory_space<semaphore_mem>>) src(%dma_wait3A_169 : memref<96x128xf32, #tpu.memory_space<hbm>>) dst(%arg11 : memref<96x128xf32, #tpu.memory_space<vmem>>)
    %scan3A_170 = arith.constant 0 : i32
    %scan3A_171 = arith.constant 0 : i32
    %scan3A_172 = arith.constant 96 : i32
    %scan3A_173 = arith.addi %scan3A_171, %scan3A_172 : i32
    %scan3A_174 = arith.constant 1 : i32
    scf.for %scan3A_223 = %scan3A_171 to %scan3A_173 step %scan3A_174  : i32 {
      %get3A_224 = arith.index_cast %scan3A_223 : i32 to index
      %get3A_225 = arith.constant 0 : index
      %get3A_226 = tpu.vector_load %arg11[%get3A_224, %get3A_225] {strides = array<i32>} : memref<96x128xf32, #tpu.memory_space<vmem>>, vector<1x16xf32>,
      %get3A_227 = vector.shape_cast %get3A_226 : vector<1x16xf32> to vector<16xf32>
      %mul3A_228 = arith.mulf %get3A_227, %get3A_4 : vector<16xf32>
      %add3A_229 = arith.addf %mul3A_228, %get3A_28 : vector<16xf32>
      %max3A = arith.constant 0.000000e+00 : f32
      %max3A_230 = vector.broadcast %max3A : f32 to vector<16xf32>
      %max3A_231 = arith.maximumf %add3A_229, %max3A_230 : vector<16xf32>
      %swap3A = arith.index_cast %scan3A_223 : i32 to index
      %swap3A_232 = arith.constant 0 : index
      %swap3A_233 = tpu.vector_load %arg11[%swap3A, %swap3A_232] {strides = array<i32>} : memref<96x128xf32, #tpu.memory_space<vmem>>, vector<1x16xf32>,
      %swap3A_234 = vector.shape_cast %swap3A_233 : vector<1x16xf32> to vector<16xf32>
      %swap3A_235 = vector.shape_cast %max3A_231 : vector<16xf32> to vector<1x16xf32>
      tpu.vector_store %arg11[%swap3A, %swap3A_232], %swap3A_235 {strides = array<i32>} : memref<96x128xf32, #tpu.memory_space<vmem>>, vector<1x16xf32>,
      %get3A_236 = arith.index_cast %scan3A_223 : i32 to index
      %get3A_237 = arith.constant 16 : index
      %get3A_238 = tpu.vector_load %arg11[%get3A_236, %get3A_237] {strides = array<i32>} : memref<96x128xf32, #tpu.memory_space<vmem>>, vector<1x16xf32>,
      %get3A_239 = vector.shape_cast %get3A_238 : vector<1x16xf32> to vector<16xf32>
      %mul3A_240 = arith.mulf %get3A_239, %get3A_7 : vector<16xf32>
      %add3A_241 = arith.addf %mul3A_240, %get3A_31 : vector<16xf32>
      %max3A_242 = arith.constant 0.000000e+00 : f32
      %max3A_243 = vector.broadcast %max3A_242 : f32 to vector<16xf32>
      %max3A_244 = arith.maximumf %add3A_241, %max3A_243 : vector<16xf32>
      %swap3A_245 = arith.index_cast %scan3A_223 : i32 to index
      %swap3A_246 = arith.constant 16 : index
      %swap3A_247 = tpu.vector_load %arg11[%swap3A_245, %swap3A_246] {strides = array<i32>} : memref<96x128xf32, #tpu.memory_space<vmem>>, vector<1x16xf32>,
      %swap3A_248 = vector.shape_cast %swap3A_247 : vector<1x16xf32> to vector<16xf32>
      %swap3A_249 = vector.shape_cast %max3A_244 : vector<16xf32> to vector<1x16xf32>
      tpu.vector_store %arg11[%swap3A_245, %swap3A_246], %swap3A_249 {strides = array<i32>} : memref<96x128xf32, #tpu.memory_space<vmem>>, vector<1x16xf32>,
      %get3A_250 = arith.index_cast %scan3A_223 : i32 to index
      %get3A_251 = arith.constant 32 : index
      %get3A_252 = tpu.vector_load %arg11[%get3A_250, %get3A_251] {strides = array<i32>} : memref<96x128xf32, #tpu.memory_space<vmem>>, vector<1x16xf32>,
      %get3A_253 = vector.shape_cast %get3A_252 : vector<1x16xf32> to vector<16xf32>
      %mul3A_254 = arith.mulf %get3A_253, %get3A_10 : vector<16xf32>
      %add3A_255 = arith.addf %mul3A_254, %get3A_34 : vector<16xf32>
      %max3A_256 = arith.constant 0.000000e+00 : f32
      %max3A_257 = vector.broadcast %max3A_256 : f32 to vector<16xf32>
      %max3A_258 = arith.maximumf %add3A_255, %max3A_257 : vector<16xf32>
      %swap3A_259 = arith.index_cast %scan3A_223 : i32 to index
      %swap3A_260 = arith.constant 32 : index
      %swap3A_261 = tpu.vector_load %arg11[%swap3A_259, %swap3A_260] {strides = array<i32>} : memref<96x128xf32, #tpu.memory_space<vmem>>, vector<1x16xf32>,
      %swap3A_262 = vector.shape_cast %swap3A_261 : vector<1x16xf32> to vector<16xf32>
      %swap3A_263 = vector.shape_cast %max3A_258 : vector<16xf32> to vector<1x16xf32>
      tpu.vector_store %arg11[%swap3A_259, %swap3A_260], %swap3A_263 {strides = array<i32>} : memref<96x128xf32, #tpu.memory_space<vmem>>, vector<1x16xf32>,
      %get3A_264 = arith.index_cast %scan3A_223 : i32 to index
      %get3A_265 = arith.constant 48 : index
      %get3A_266 = tpu.vector_load %arg11[%get3A_264, %get3A_265] {strides = array<i32>} : memref<96x128xf32, #tpu.memory_space<vmem>>, vector<1x16xf32>,
      %get3A_267 = vector.shape_cast %get3A_266 : vector<1x16xf32> to vector<16xf32>
      %mul3A_268 = arith.mulf %get3A_267, %get3A_13 : vector<16xf32>
      %add3A_269 = arith.addf %mul3A_268, %get3A_37 : vector<16xf32>
      %max3A_270 = arith.constant 0.000000e+00 : f32
      %max3A_271 = vector.broadcast %max3A_270 : f32 to vector<16xf32>
      %max3A_272 = arith.maximumf %add3A_269, %max3A_271 : vector<16xf32>
      %swap3A_273 = arith.index_cast %scan3A_223 : i32 to index
      %swap3A_274 = arith.constant 48 : index
      %swap3A_275 = tpu.vector_load %arg11[%swap3A_273, %swap3A_274] {strides = array<i32>} : memref<96x128xf32, #tpu.memory_space<vmem>>, vector<1x16xf32>,
      %swap3A_276 = vector.shape_cast %swap3A_275 : vector<1x16xf32> to vector<16xf32>
      %swap3A_277 = vector.shape_cast %max3A_272 : vector<16xf32> to vector<1x16xf32>
      tpu.vector_store %arg11[%swap3A_273, %swap3A_274], %swap3A_277 {strides = array<i32>} : memref<96x128xf32, #tpu.memory_space<vmem>>, vector<1x16xf32>,
      %get3A_278 = arith.index_cast %scan3A_223 : i32 to index
      %get3A_279 = arith.constant 64 : index
      %get3A_280 = tpu.vector_load %arg11[%get3A_278, %get3A_279] {strides = array<i32>} : memref<96x128xf32, #tpu.memory_space<vmem>>, vector<1x16xf32>,
      %get3A_281 = vector.shape_cast %get3A_280 : vector<1x16xf32> to vector<16xf32>
      %mul3A_282 = arith.mulf %get3A_281, %get3A_16 : vector<16xf32>
      %add3A_283 = arith.addf %mul3A_282, %get3A_40 : vector<16xf32>
      %max3A_284 = arith.constant 0.000000e+00 : f32
      %max3A_285 = vector.broadcast %max3A_284 : f32 to vector<16xf32>
      %max3A_286 = arith.maximumf %add3A_283, %max3A_285 : vector<16xf32>
      %swap3A_287 = arith.index_cast %scan3A_223 : i32 to index
      %swap3A_288 = arith.constant 64 : index
      %swap3A_289 = tpu.vector_load %arg11[%swap3A_287, %swap3A_288] {strides = array<i32>} : memref<96x128xf32, #tpu.memory_space<vmem>>, vector<1x16xf32>,
      %swap3A_290 = vector.shape_cast %swap3A_289 : vector<1x16xf32> to vector<16xf32>
      %swap3A_291 = vector.shape_cast %max3A_286 : vector<16xf32> to vector<1x16xf32>
      tpu.vector_store %arg11[%swap3A_287, %swap3A_288], %swap3A_291 {strides = array<i32>} : memref<96x128xf32, #tpu.memory_space<vmem>>, vector<1x16xf32>,
      %get3A_292 = arith.index_cast %scan3A_223 : i32 to index
      %get3A_293 = arith.constant 80 : index
      %get3A_294 = tpu.vector_load %arg11[%get3A_292, %get3A_293] {strides = array<i32>} : memref<96x128xf32, #tpu.memory_space<vmem>>, vector<1x16xf32>,
      %get3A_295 = vector.shape_cast %get3A_294 : vector<1x16xf32> to vector<16xf32>
      %mul3A_296 = arith.mulf %get3A_295, %get3A_19 : vector<16xf32>
      %add3A_297 = arith.addf %mul3A_296, %get3A_43 : vector<16xf32>
      %max3A_298 = arith.constant 0.000000e+00 : f32
      %max3A_299 = vector.broadcast %max3A_298 : f32 to vector<16xf32>
      %max3A_300 = arith.maximumf %add3A_297, %max3A_299 : vector<16xf32>
      %swap3A_301 = arith.index_cast %scan3A_223 : i32 to index
      %swap3A_302 = arith.constant 80 : index
      %swap3A_303 = tpu.vector_load %arg11[%swap3A_301, %swap3A_302] {strides = array<i32>} : memref<96x128xf32, #tpu.memory_space<vmem>>, vector<1x16xf32>,
      %swap3A_304 = vector.shape_cast %swap3A_303 : vector<1x16xf32> to vector<16xf32>
      %swap3A_305 = vector.shape_cast %max3A_300 : vector<16xf32> to vector<1x16xf32>
      tpu.vector_store %arg11[%swap3A_301, %swap3A_302], %swap3A_305 {strides = array<i32>} : memref<96x128xf32, #tpu.memory_space<vmem>>, vector<1x16xf32>,
      %get3A_306 = arith.index_cast %scan3A_223 : i32 to index
      %get3A_307 = arith.constant 96 : index
      %get3A_308 = tpu.vector_load %arg11[%get3A_306, %get3A_307] {strides = array<i32>} : memref<96x128xf32, #tpu.memory_space<vmem>>, vector<1x16xf32>,
      %get3A_309 = vector.shape_cast %get3A_308 : vector<1x16xf32> to vector<16xf32>
      %mul3A_310 = arith.mulf %get3A_309, %get3A_22 : vector<16xf32>
      %add3A_311 = arith.addf %mul3A_310, %get3A_46 : vector<16xf32>
      %max3A_312 = arith.constant 0.000000e+00 : f32
      %max3A_313 = vector.broadcast %max3A_312 : f32 to vector<16xf32>
      %max3A_314 = arith.maximumf %add3A_311, %max3A_313 : vector<16xf32>
      %swap3A_315 = arith.index_cast %scan3A_223 : i32 to index
      %swap3A_316 = arith.constant 96 : index
      %swap3A_317 = tpu.vector_load %arg11[%swap3A_315, %swap3A_316] {strides = array<i32>} : memref<96x128xf32, #tpu.memory_space<vmem>>, vector<1x16xf32>,
      %swap3A_318 = vector.shape_cast %swap3A_317 : vector<1x16xf32> to vector<16xf32>
      %swap3A_319 = vector.shape_cast %max3A_314 : vector<16xf32> to vector<1x16xf32>
      tpu.vector_store %arg11[%swap3A_315, %swap3A_316], %swap3A_319 {strides = array<i32>} : memref<96x128xf32, #tpu.memory_space<vmem>>, vector<1x16xf32>,
      %get3A_320 = arith.index_cast %scan3A_223 : i32 to index
      %get3A_321 = arith.constant 112 : index
      %get3A_322 = tpu.vector_load %arg11[%get3A_320, %get3A_321] {strides = array<i32>} : memref<96x128xf32, #tpu.memory_space<vmem>>, vector<1x16xf32>,
      %get3A_323 = vector.shape_cast %get3A_322 : vector<1x16xf32> to vector<16xf32>
      %mul3A_324 = arith.mulf %get3A_323, %get3A_25 : vector<16xf32>
      %add3A_325 = arith.addf %mul3A_324, %get3A_49 : vector<16xf32>
      %max3A_326 = arith.constant 0.000000e+00 : f32
      %max3A_327 = vector.broadcast %max3A_326 : f32 to vector<16xf32>
      %max3A_328 = arith.maximumf %add3A_325, %max3A_327 : vector<16xf32>
      %swap3A_329 = arith.index_cast %scan3A_223 : i32 to index
      %swap3A_330 = arith.constant 112 : index
      %swap3A_331 = tpu.vector_load %arg11[%swap3A_329, %swap3A_330] {strides = array<i32>} : memref<96x128xf32, #tpu.memory_space<vmem>>, vector<1x16xf32>,
      %swap3A_332 = vector.shape_cast %swap3A_331 : vector<1x16xf32> to vector<16xf32>
      %swap3A_333 = vector.shape_cast %max3A_328 : vector<16xf32> to vector<1x16xf32>
      tpu.vector_store %arg11[%swap3A_329, %swap3A_330], %swap3A_333 {strides = array<i32>} : memref<96x128xf32, #tpu.memory_space<vmem>>, vector<1x16xf32>,
    }
    %scan3A_175 = arith.constant 96 : i32
    %dma_start3A_176 = arith.constant 0 : i32
    %dma_start3A_177 = arith.constant 0 : i32
    %dma_start3A_178 = tpu.memref_slice %arg18[%dma_start3A_176, %dma_start3A_177] : memref<10240x128xf32, #tpu.memory_space<vmem_shared>> -> memref<10240x128xf32, #tpu.memory_space<vmem_shared>>
    tpu.enqueue_indirect_dma source(%arg11 : memref<96x128xf32, #tpu.memory_space<vmem>>) target(%dma_start3A_178 : memref<10240x128xf32, #tpu.memory_space<vmem_shared>>) offsets(%arg8 : memref<96xi32, #tpu.memory_space<vmem>>) semaphore(%arg25 : memref<!tpu.dma_semaphore, #tpu.memory_space<semaphore_mem>>) {add = true}
    %dma_wait3A_179 = arith.constant 0 : i32
    %dma_wait3A_180 = tpu.memref_slice %arg3[%dma_wait3A_179] : memref<320000xi32, #tpu.memory_space<hbm>> -> memref<96xi32, #tpu.memory_space<hbm>>
    %dma_wait3A_181 = arith.constant 0 : i32
    %dma_wait3A_182 = tpu.memref_slice %arg3[%dma_wait3A_181] : memref<320000xi32, #tpu.memory_space<hbm>> -> memref<96xi32, #tpu.memory_space<hbm>>
    tpu.wait_dma2 semaphore(%arg20 : memref<!tpu.dma_semaphore, #tpu.memory_space<semaphore_mem>>) src(%dma_wait3A_182 : memref<96xi32, #tpu.memory_space<hbm>>) dst(%arg9 : memref<96xi32, #tpu.memory_space<vmem>>)
    %dma_wait3A_183 = arith.constant 0 : i32
    %dma_wait3A_184 = arith.constant 0 : i32
    %dma_wait3A_185 = tpu.memref_slice %arg2[%dma_wait3A_183, %dma_wait3A_184] : memref<320000x128xf32, #tpu.memory_space<hbm>> -> memref<96x128xf32, #tpu.memory_space<hbm>>
    %dma_wait3A_186 = arith.constant 0 : i32
    %dma_wait3A_187 = arith.constant 0 : i32
    %dma_wait3A_188 = tpu.memref_slice %arg2[%dma_wait3A_186, %dma_wait3A_187] : memref<320000x128xf32, #tpu.memory_space<hbm>> -> memref<96x128xf32, #tpu.memory_space<hbm>>
    tpu.wait_dma2 semaphore(%arg23 : memref<!tpu.dma_semaphore, #tpu.memory_space<semaphore_mem>>) src(%dma_wait3A_188 : memref<96x128xf32, #tpu.memory_space<hbm>>) dst(%arg12 : memref<96x128xf32, #tpu.memory_space<vmem>>)
    %scan3A_189 = arith.constant 0 : i32
    %scan3A_190 = arith.constant 0 : i32
    %scan3A_191 = arith.constant 96 : i32
    %scan3A_192 = arith.addi %scan3A_190, %scan3A_191 : i32
    %scan3A_193 = arith.constant 1 : i32
    scf.for %scan3A_223 = %scan3A_190 to %scan3A_192 step %scan3A_193  : i32 {
      %get3A_224 = arith.index_cast %scan3A_223 : i32 to index
      %get3A_225 = arith.constant 0 : index
      %get3A_226 = tpu.vector_load %arg12[%get3A_224, %get3A_225] {strides = array<i32>} : memref<96x128xf32, #tpu.memory_space<vmem>>, vector<1x16xf32>,
      %get3A_227 = vector.shape_cast %get3A_226 : vector<1x16xf32> to vector<16xf32>
      %mul3A_228 = arith.mulf %get3A_227, %get3A_4 : vector<16xf32>
      %add3A_229 = arith.addf %mul3A_228, %get3A_28 : vector<16xf32>
      %max3A = arith.constant 0.000000e+00 : f32
      %max3A_230 = vector.broadcast %max3A : f32 to vector<16xf32>
      %max3A_231 = arith.maximumf %add3A_229, %max3A_230 : vector<16xf32>
      %swap3A = arith.index_cast %scan3A_223 : i32 to index
      %swap3A_232 = arith.constant 0 : index
      %swap3A_233 = tpu.vector_load %arg12[%swap3A, %swap3A_232] {strides = array<i32>} : memref<96x128xf32, #tpu.memory_space<vmem>>, vector<1x16xf32>,
      %swap3A_234 = vector.shape_cast %swap3A_233 : vector<1x16xf32> to vector<16xf32>
      %swap3A_235 = vector.shape_cast %max3A_231 : vector<16xf32> to vector<1x16xf32>
      tpu.vector_store %arg12[%swap3A, %swap3A_232], %swap3A_235 {strides = array<i32>} : memref<96x128xf32, #tpu.memory_space<vmem>>, vector<1x16xf32>,
      %get3A_236 = arith.index_cast %scan3A_223 : i32 to index
      %get3A_237 = arith.constant 16 : index
      %get3A_238 = tpu.vector_load %arg12[%get3A_236, %get3A_237] {strides = array<i32>} : memref<96x128xf32, #tpu.memory_space<vmem>>, vector<1x16xf32>,
      %get3A_239 = vector.shape_cast %get3A_238 : vector<1x16xf32> to vector<16xf32>
      %mul3A_240 = arith.mulf %get3A_239, %get3A_7 : vector<16xf32>
      %add3A_241 = arith.addf %mul3A_240, %get3A_31 : vector<16xf32>
      %max3A_242 = arith.constant 0.000000e+00 : f32
      %max3A_243 = vector.broadcast %max3A_242 : f32 to vector<16xf32>
      %max3A_244 = arith.maximumf %add3A_241, %max3A_243 : vector<16xf32>
      %swap3A_245 = arith.index_cast %scan3A_223 : i32 to index
      %swap3A_246 = arith.constant 16 : index
      %swap3A_247 = tpu.vector_load %arg12[%swap3A_245, %swap3A_246] {strides = array<i32>} : memref<96x128xf32, #tpu.memory_space<vmem>>, vector<1x16xf32>,
      %swap3A_248 = vector.shape_cast %swap3A_247 : vector<1x16xf32> to vector<16xf32>
      %swap3A_249 = vector.shape_cast %max3A_244 : vector<16xf32> to vector<1x16xf32>
      tpu.vector_store %arg12[%swap3A_245, %swap3A_246], %swap3A_249 {strides = array<i32>} : memref<96x128xf32, #tpu.memory_space<vmem>>, vector<1x16xf32>,
      %get3A_250 = arith.index_cast %scan3A_223 : i32 to index
      %get3A_251 = arith.constant 32 : index
      %get3A_252 = tpu.vector_load %arg12[%get3A_250, %get3A_251] {strides = array<i32>} : memref<96x128xf32, #tpu.memory_space<vmem>>, vector<1x16xf32>,
      %get3A_253 = vector.shape_cast %get3A_252 : vector<1x16xf32> to vector<16xf32>
      %mul3A_254 = arith.mulf %get3A_253, %get3A_10 : vector<16xf32>
      %add3A_255 = arith.addf %mul3A_254, %get3A_34 : vector<16xf32>
      %max3A_256 = arith.constant 0.000000e+00 : f32
      %max3A_257 = vector.broadcast %max3A_256 : f32 to vector<16xf32>
      %max3A_258 = arith.maximumf %add3A_255, %max3A_257 : vector<16xf32>
      %swap3A_259 = arith.index_cast %scan3A_223 : i32 to index
      %swap3A_260 = arith.constant 32 : index
      %swap3A_261 = tpu.vector_load %arg12[%swap3A_259, %swap3A_260] {strides = array<i32>} : memref<96x128xf32, #tpu.memory_space<vmem>>, vector<1x16xf32>,
      %swap3A_262 = vector.shape_cast %swap3A_261 : vector<1x16xf32> to vector<16xf32>
      %swap3A_263 = vector.shape_cast %max3A_258 : vector<16xf32> to vector<1x16xf32>
      tpu.vector_store %arg12[%swap3A_259, %swap3A_260], %swap3A_263 {strides = array<i32>} : memref<96x128xf32, #tpu.memory_space<vmem>>, vector<1x16xf32>,
      %get3A_264 = arith.index_cast %scan3A_223 : i32 to index
      %get3A_265 = arith.constant 48 : index
      %get3A_266 = tpu.vector_load %arg12[%get3A_264, %get3A_265] {strides = array<i32>} : memref<96x128xf32, #tpu.memory_space<vmem>>, vector<1x16xf32>,
      %get3A_267 = vector.shape_cast %get3A_266 : vector<1x16xf32> to vector<16xf32>
      %mul3A_268 = arith.mulf %get3A_267, %get3A_13 : vector<16xf32>
      %add3A_269 = arith.addf %mul3A_268, %get3A_37 : vector<16xf32>
      %max3A_270 = arith.constant 0.000000e+00 : f32
      %max3A_271 = vector.broadcast %max3A_270 : f32 to vector<16xf32>
      %max3A_272 = arith.maximumf %add3A_269, %max3A_271 : vector<16xf32>
      %swap3A_273 = arith.index_cast %scan3A_223 : i32 to index
      %swap3A_274 = arith.constant 48 : index
      %swap3A_275 = tpu.vector_load %arg12[%swap3A_273, %swap3A_274] {strides = array<i32>} : memref<96x128xf32, #tpu.memory_space<vmem>>, vector<1x16xf32>,
      %swap3A_276 = vector.shape_cast %swap3A_275 : vector<1x16xf32> to vector<16xf32>
      %swap3A_277 = vector.shape_cast %max3A_272 : vector<16xf32> to vector<1x16xf32>
      tpu.vector_store %arg12[%swap3A_273, %swap3A_274], %swap3A_277 {strides = array<i32>} : memref<96x128xf32, #tpu.memory_space<vmem>>, vector<1x16xf32>,
      %get3A_278 = arith.index_cast %scan3A_223 : i32 to index
      %get3A_279 = arith.constant 64 : index
      %get3A_280 = tpu.vector_load %arg12[%get3A_278, %get3A_279] {strides = array<i32>} : memref<96x128xf32, #tpu.memory_space<vmem>>, vector<1x16xf32>,
      %get3A_281 = vector.shape_cast %get3A_280 : vector<1x16xf32> to vector<16xf32>
      %mul3A_282 = arith.mulf %get3A_281, %get3A_16 : vector<16xf32>
      %add3A_283 = arith.addf %mul3A_282, %get3A_40 : vector<16xf32>
      %max3A_284 = arith.constant 0.000000e+00 : f32
      %max3A_285 = vector.broadcast %max3A_284 : f32 to vector<16xf32>
      %max3A_286 = arith.maximumf %add3A_283, %max3A_285 : vector<16xf32>
      %swap3A_287 = arith.index_cast %scan3A_223 : i32 to index
      %swap3A_288 = arith.constant 64 : index
      %swap3A_289 = tpu.vector_load %arg12[%swap3A_287, %swap3A_288] {strides = array<i32>} : memref<96x128xf32, #tpu.memory_space<vmem>>, vector<1x16xf32>,
      %swap3A_290 = vector.shape_cast %swap3A_289 : vector<1x16xf32> to vector<16xf32>
      %swap3A_291 = vector.shape_cast %max3A_286 : vector<16xf32> to vector<1x16xf32>
      tpu.vector_store %arg12[%swap3A_287, %swap3A_288], %swap3A_291 {strides = array<i32>} : memref<96x128xf32, #tpu.memory_space<vmem>>, vector<1x16xf32>,
      %get3A_292 = arith.index_cast %scan3A_223 : i32 to index
      %get3A_293 = arith.constant 80 : index
      %get3A_294 = tpu.vector_load %arg12[%get3A_292, %get3A_293] {strides = array<i32>} : memref<96x128xf32, #tpu.memory_space<vmem>>, vector<1x16xf32>,
      %get3A_295 = vector.shape_cast %get3A_294 : vector<1x16xf32> to vector<16xf32>
      %mul3A_296 = arith.mulf %get3A_295, %get3A_19 : vector<16xf32>
      %add3A_297 = arith.addf %mul3A_296, %get3A_43 : vector<16xf32>
      %max3A_298 = arith.constant 0.000000e+00 : f32
      %max3A_299 = vector.broadcast %max3A_298 : f32 to vector<16xf32>
      %max3A_300 = arith.maximumf %add3A_297, %max3A_299 : vector<16xf32>
      %swap3A_301 = arith.index_cast %scan3A_223 : i32 to index
      %swap3A_302 = arith.constant 80 : index
      %swap3A_303 = tpu.vector_load %arg12[%swap3A_301, %swap3A_302] {strides = array<i32>} : memref<96x128xf32, #tpu.memory_space<vmem>>, vector<1x16xf32>,
      %swap3A_304 = vector.shape_cast %swap3A_303 : vector<1x16xf32> to vector<16xf32>
      %swap3A_305 = vector.shape_cast %max3A_300 : vector<16xf32> to vector<1x16xf32>
      tpu.vector_store %arg12[%swap3A_301, %swap3A_302], %swap3A_305 {strides = array<i32>} : memref<96x128xf32, #tpu.memory_space<vmem>>, vector<1x16xf32>,
      %get3A_306 = arith.index_cast %scan3A_223 : i32 to index
      %get3A_307 = arith.constant 96 : index
      %get3A_308 = tpu.vector_load %arg12[%get3A_306, %get3A_307] {strides = array<i32>} : memref<96x128xf32, #tpu.memory_space<vmem>>, vector<1x16xf32>,
      %get3A_309 = vector.shape_cast %get3A_308 : vector<1x16xf32> to vector<16xf32>
      %mul3A_310 = arith.mulf %get3A_309, %get3A_22 : vector<16xf32>
      %add3A_311 = arith.addf %mul3A_310, %get3A_46 : vector<16xf32>
      %max3A_312 = arith.constant 0.000000e+00 : f32
      %max3A_313 = vector.broadcast %max3A_312 : f32 to vector<16xf32>
      %max3A_314 = arith.maximumf %add3A_311, %max3A_313 : vector<16xf32>
      %swap3A_315 = arith.index_cast %scan3A_223 : i32 to index
      %swap3A_316 = arith.constant 96 : index
      %swap3A_317 = tpu.vector_load %arg12[%swap3A_315, %swap3A_316] {strides = array<i32>} : memref<96x128xf32, #tpu.memory_space<vmem>>, vector<1x16xf32>,
      %swap3A_318 = vector.shape_cast %swap3A_317 : vector<1x16xf32> to vector<16xf32>
      %swap3A_319 = vector.shape_cast %max3A_314 : vector<16xf32> to vector<1x16xf32>
      tpu.vector_store %arg12[%swap3A_315, %swap3A_316], %swap3A_319 {strides = array<i32>} : memref<96x128xf32, #tpu.memory_space<vmem>>, vector<1x16xf32>,
      %get3A_320 = arith.index_cast %scan3A_223 : i32 to index
      %get3A_321 = arith.constant 112 : index
      %get3A_322 = tpu.vector_load %arg12[%get3A_320, %get3A_321] {strides = array<i32>} : memref<96x128xf32, #tpu.memory_space<vmem>>, vector<1x16xf32>,
      %get3A_323 = vector.shape_cast %get3A_322 : vector<1x16xf32> to vector<16xf32>
      %mul3A_324 = arith.mulf %get3A_323, %get3A_25 : vector<16xf32>
      %add3A_325 = arith.addf %mul3A_324, %get3A_49 : vector<16xf32>
      %max3A_326 = arith.constant 0.000000e+00 : f32
      %max3A_327 = vector.broadcast %max3A_326 : f32 to vector<16xf32>
      %max3A_328 = arith.maximumf %add3A_325, %max3A_327 : vector<16xf32>
      %swap3A_329 = arith.index_cast %scan3A_223 : i32 to index
      %swap3A_330 = arith.constant 112 : index
      %swap3A_331 = tpu.vector_load %arg12[%swap3A_329, %swap3A_330] {strides = array<i32>} : memref<96x128xf32, #tpu.memory_space<vmem>>, vector<1x16xf32>,
      %swap3A_332 = vector.shape_cast %swap3A_331 : vector<1x16xf32> to vector<16xf32>
      %swap3A_333 = vector.shape_cast %max3A_328 : vector<16xf32> to vector<1x16xf32>
      tpu.vector_store %arg12[%swap3A_329, %swap3A_330], %swap3A_333 {strides = array<i32>} : memref<96x128xf32, #tpu.memory_space<vmem>>, vector<1x16xf32>,
    }
    %scan3A_194 = arith.constant 96 : i32
    %dma_start3A_195 = arith.constant 0 : i32
    %dma_start3A_196 = arith.constant 0 : i32
    %dma_start3A_197 = tpu.memref_slice %arg18[%dma_start3A_195, %dma_start3A_196] : memref<10240x128xf32, #tpu.memory_space<vmem_shared>> -> memref<10240x128xf32, #tpu.memory_space<vmem_shared>>
    tpu.enqueue_indirect_dma source(%arg12 : memref<96x128xf32, #tpu.memory_space<vmem>>) target(%dma_start3A_197 : memref<10240x128xf32, #tpu.memory_space<vmem_shared>>) offsets(%arg9 : memref<96xi32, #tpu.memory_space<vmem>>) semaphore(%arg26 : memref<!tpu.dma_semaphore, #tpu.memory_space<semaphore_mem>>) {add = true}
    %add3A_198 = arith.constant 9984 : i32
    %add3A_199 = arith.addi %mul3A_2, %add3A_198 : i32
    "tpu.region"() ({
      %run_scoped3A = tpu.sem_alloc : memref<!tpu.dma_semaphore, #tpu.memory_space<semaphore_mem>>
      %dma_start3A_223 = tpu.memref_slice %arg3[%add3A_199] : memref<320000xi32, #tpu.memory_space<hbm>> -> memref<16xi32, #tpu.memory_space<hbm>>
      %dma_start3A_224 = tpu.memref_slice %arg3[%add3A_199] : memref<320000xi32, #tpu.memory_space<hbm>> -> memref<16xi32, #tpu.memory_space<hbm>>
      tpu.enqueue_dma source(%dma_start3A_224 : memref<16xi32, #tpu.memory_space<hbm>>) target(%arg14 : memref<16xi32, #tpu.memory_space<vmem>>) target_semaphore(%run_scoped3A : memref<!tpu.dma_semaphore, #tpu.memory_space<semaphore_mem>>)
      %dma_wait3A_225 = tpu.memref_slice %arg3[%add3A_199] : memref<320000xi32, #tpu.memory_space<hbm>> -> memref<16xi32, #tpu.memory_space<hbm>>
      %dma_wait3A_226 = tpu.memref_slice %arg3[%add3A_199] : memref<320000xi32, #tpu.memory_space<hbm>> -> memref<16xi32, #tpu.memory_space<hbm>>
      tpu.wait_dma2 semaphore(%run_scoped3A : memref<!tpu.dma_semaphore, #tpu.memory_space<semaphore_mem>>) src(%dma_wait3A_226 : memref<16xi32, #tpu.memory_space<hbm>>) dst(%arg14 : memref<16xi32, #tpu.memory_space<vmem>>)
      tpu.yield
    }) : () -> ()
    "tpu.region"() ({
      %run_scoped3A = tpu.sem_alloc : memref<!tpu.dma_semaphore, #tpu.memory_space<semaphore_mem>>
      %dma_start3A_223 = arith.constant 0 : i32
      %dma_start3A_224 = tpu.memref_slice %arg2[%add3A_199, %dma_start3A_223] : memref<320000x128xf32, #tpu.memory_space<hbm>> -> memref<16x128xf32, #tpu.memory_space<hbm>>
      %dma_start3A_225 = arith.constant 0 : i32
      %dma_start3A_226 = tpu.memref_slice %arg2[%add3A_199, %dma_start3A_225] : memref<320000x128xf32, #tpu.memory_space<hbm>> -> memref<16x128xf32, #tpu.memory_space<hbm>>
      tpu.enqueue_dma source(%dma_start3A_226 : memref<16x128xf32, #tpu.memory_space<hbm>>) target(%arg15 : memref<16x128xf32, #tpu.memory_space<vmem>>) target_semaphore(%run_scoped3A : memref<!tpu.dma_semaphore, #tpu.memory_space<semaphore_mem>>)
      %dma_wait3A_227 = arith.constant 0 : i32
      %dma_wait3A_228 = tpu.memref_slice %arg2[%add3A_199, %dma_wait3A_227] : memref<320000x128xf32, #tpu.memory_space<hbm>> -> memref<16x128xf32, #tpu.memory_space<hbm>>
      %dma_wait3A_229 = arith.constant 0 : i32
      %dma_wait3A_230 = tpu.memref_slice %arg2[%add3A_199, %dma_wait3A_229] : memref<320000x128xf32, #tpu.memory_space<hbm>> -> memref<16x128xf32, #tpu.memory_space<hbm>>
      tpu.wait_dma2 semaphore(%run_scoped3A : memref<!tpu.dma_semaphore, #tpu.memory_space<semaphore_mem>>) src(%dma_wait3A_230 : memref<16x128xf32, #tpu.memory_space<hbm>>) dst(%arg15 : memref<16x128xf32, #tpu.memory_space<vmem>>)
      tpu.yield
    }) : () -> ()
    %scan3A_200 = arith.constant 0 : i32
    %scan3A_201 = arith.constant 0 : i32
    %scan3A_202 = arith.constant 16 : i32
    %scan3A_203 = arith.addi %scan3A_201, %scan3A_202 : i32
    %scan3A_204 = arith.constant 1 : i32
    scf.for %scan3A_223 = %scan3A_201 to %scan3A_203 step %scan3A_204  : i32 {
      %get3A_224 = arith.index_cast %scan3A_223 : i32 to index
      %get3A_225 = arith.constant 0 : index
      %get3A_226 = tpu.vector_load %arg15[%get3A_224, %get3A_225] {strides = array<i32>} : memref<16x128xf32, #tpu.memory_space<vmem>>, vector<1x16xf32>,
      %get3A_227 = vector.shape_cast %get3A_226 : vector<1x16xf32> to vector<16xf32>
      %mul3A_228 = arith.mulf %get3A_227, %get3A_4 : vector<16xf32>
      %add3A_229 = arith.addf %mul3A_228, %get3A_28 : vector<16xf32>
      %max3A = arith.constant 0.000000e+00 : f32
      %max3A_230 = vector.broadcast %max3A : f32 to vector<16xf32>
      %max3A_231 = arith.maximumf %add3A_229, %max3A_230 : vector<16xf32>
      %swap3A = arith.index_cast %scan3A_223 : i32 to index
      %swap3A_232 = arith.constant 0 : index
      %swap3A_233 = tpu.vector_load %arg15[%swap3A, %swap3A_232] {strides = array<i32>} : memref<16x128xf32, #tpu.memory_space<vmem>>, vector<1x16xf32>,
      %swap3A_234 = vector.shape_cast %swap3A_233 : vector<1x16xf32> to vector<16xf32>
      %swap3A_235 = vector.shape_cast %max3A_231 : vector<16xf32> to vector<1x16xf32>
      tpu.vector_store %arg15[%swap3A, %swap3A_232], %swap3A_235 {strides = array<i32>} : memref<16x128xf32, #tpu.memory_space<vmem>>, vector<1x16xf32>,
      %get3A_236 = arith.index_cast %scan3A_223 : i32 to index
      %get3A_237 = arith.constant 16 : index
      %get3A_238 = tpu.vector_load %arg15[%get3A_236, %get3A_237] {strides = array<i32>} : memref<16x128xf32, #tpu.memory_space<vmem>>, vector<1x16xf32>,
      %get3A_239 = vector.shape_cast %get3A_238 : vector<1x16xf32> to vector<16xf32>
      %mul3A_240 = arith.mulf %get3A_239, %get3A_7 : vector<16xf32>
      %add3A_241 = arith.addf %mul3A_240, %get3A_31 : vector<16xf32>
      %max3A_242 = arith.constant 0.000000e+00 : f32
      %max3A_243 = vector.broadcast %max3A_242 : f32 to vector<16xf32>
      %max3A_244 = arith.maximumf %add3A_241, %max3A_243 : vector<16xf32>
      %swap3A_245 = arith.index_cast %scan3A_223 : i32 to index
      %swap3A_246 = arith.constant 16 : index
      %swap3A_247 = tpu.vector_load %arg15[%swap3A_245, %swap3A_246] {strides = array<i32>} : memref<16x128xf32, #tpu.memory_space<vmem>>, vector<1x16xf32>,
      %swap3A_248 = vector.shape_cast %swap3A_247 : vector<1x16xf32> to vector<16xf32>
      %swap3A_249 = vector.shape_cast %max3A_244 : vector<16xf32> to vector<1x16xf32>
      tpu.vector_store %arg15[%swap3A_245, %swap3A_246], %swap3A_249 {strides = array<i32>} : memref<16x128xf32, #tpu.memory_space<vmem>>, vector<1x16xf32>,
      %get3A_250 = arith.index_cast %scan3A_223 : i32 to index
      %get3A_251 = arith.constant 32 : index
      %get3A_252 = tpu.vector_load %arg15[%get3A_250, %get3A_251] {strides = array<i32>} : memref<16x128xf32, #tpu.memory_space<vmem>>, vector<1x16xf32>,
      %get3A_253 = vector.shape_cast %get3A_252 : vector<1x16xf32> to vector<16xf32>
      %mul3A_254 = arith.mulf %get3A_253, %get3A_10 : vector<16xf32>
      %add3A_255 = arith.addf %mul3A_254, %get3A_34 : vector<16xf32>
      %max3A_256 = arith.constant 0.000000e+00 : f32
      %max3A_257 = vector.broadcast %max3A_256 : f32 to vector<16xf32>
      %max3A_258 = arith.maximumf %add3A_255, %max3A_257 : vector<16xf32>
      %swap3A_259 = arith.index_cast %scan3A_223 : i32 to index
      %swap3A_260 = arith.constant 32 : index
      %swap3A_261 = tpu.vector_load %arg15[%swap3A_259, %swap3A_260] {strides = array<i32>} : memref<16x128xf32, #tpu.memory_space<vmem>>, vector<1x16xf32>,
      %swap3A_262 = vector.shape_cast %swap3A_261 : vector<1x16xf32> to vector<16xf32>
      %swap3A_263 = vector.shape_cast %max3A_258 : vector<16xf32> to vector<1x16xf32>
      tpu.vector_store %arg15[%swap3A_259, %swap3A_260], %swap3A_263 {strides = array<i32>} : memref<16x128xf32, #tpu.memory_space<vmem>>, vector<1x16xf32>,
      %get3A_264 = arith.index_cast %scan3A_223 : i32 to index
      %get3A_265 = arith.constant 48 : index
      %get3A_266 = tpu.vector_load %arg15[%get3A_264, %get3A_265] {strides = array<i32>} : memref<16x128xf32, #tpu.memory_space<vmem>>, vector<1x16xf32>,
      %get3A_267 = vector.shape_cast %get3A_266 : vector<1x16xf32> to vector<16xf32>
      %mul3A_268 = arith.mulf %get3A_267, %get3A_13 : vector<16xf32>
      %add3A_269 = arith.addf %mul3A_268, %get3A_37 : vector<16xf32>
      %max3A_270 = arith.constant 0.000000e+00 : f32
      %max3A_271 = vector.broadcast %max3A_270 : f32 to vector<16xf32>
      %max3A_272 = arith.maximumf %add3A_269, %max3A_271 : vector<16xf32>
      %swap3A_273 = arith.index_cast %scan3A_223 : i32 to index
      %swap3A_274 = arith.constant 48 : index
      %swap3A_275 = tpu.vector_load %arg15[%swap3A_273, %swap3A_274] {strides = array<i32>} : memref<16x128xf32, #tpu.memory_space<vmem>>, vector<1x16xf32>,
      %swap3A_276 = vector.shape_cast %swap3A_275 : vector<1x16xf32> to vector<16xf32>
      %swap3A_277 = vector.shape_cast %max3A_272 : vector<16xf32> to vector<1x16xf32>
      tpu.vector_store %arg15[%swap3A_273, %swap3A_274], %swap3A_277 {strides = array<i32>} : memref<16x128xf32, #tpu.memory_space<vmem>>, vector<1x16xf32>,
      %get3A_278 = arith.index_cast %scan3A_223 : i32 to index
      %get3A_279 = arith.constant 64 : index
      %get3A_280 = tpu.vector_load %arg15[%get3A_278, %get3A_279] {strides = array<i32>} : memref<16x128xf32, #tpu.memory_space<vmem>>, vector<1x16xf32>,
      %get3A_281 = vector.shape_cast %get3A_280 : vector<1x16xf32> to vector<16xf32>
      %mul3A_282 = arith.mulf %get3A_281, %get3A_16 : vector<16xf32>
      %add3A_283 = arith.addf %mul3A_282, %get3A_40 : vector<16xf32>
      %max3A_284 = arith.constant 0.000000e+00 : f32
      %max3A_285 = vector.broadcast %max3A_284 : f32 to vector<16xf32>
      %max3A_286 = arith.maximumf %add3A_283, %max3A_285 : vector<16xf32>
      %swap3A_287 = arith.index_cast %scan3A_223 : i32 to index
      %swap3A_288 = arith.constant 64 : index
      %swap3A_289 = tpu.vector_load %arg15[%swap3A_287, %swap3A_288] {strides = array<i32>} : memref<16x128xf32, #tpu.memory_space<vmem>>, vector<1x16xf32>,
      %swap3A_290 = vector.shape_cast %swap3A_289 : vector<1x16xf32> to vector<16xf32>
      %swap3A_291 = vector.shape_cast %max3A_286 : vector<16xf32> to vector<1x16xf32>
      tpu.vector_store %arg15[%swap3A_287, %swap3A_288], %swap3A_291 {strides = array<i32>} : memref<16x128xf32, #tpu.memory_space<vmem>>, vector<1x16xf32>,
      %get3A_292 = arith.index_cast %scan3A_223 : i32 to index
      %get3A_293 = arith.constant 80 : index
      %get3A_294 = tpu.vector_load %arg15[%get3A_292, %get3A_293] {strides = array<i32>} : memref<16x128xf32, #tpu.memory_space<vmem>>, vector<1x16xf32>,
      %get3A_295 = vector.shape_cast %get3A_294 : vector<1x16xf32> to vector<16xf32>
      %mul3A_296 = arith.mulf %get3A_295, %get3A_19 : vector<16xf32>
      %add3A_297 = arith.addf %mul3A_296, %get3A_43 : vector<16xf32>
      %max3A_298 = arith.constant 0.000000e+00 : f32
      %max3A_299 = vector.broadcast %max3A_298 : f32 to vector<16xf32>
      %max3A_300 = arith.maximumf %add3A_297, %max3A_299 : vector<16xf32>
      %swap3A_301 = arith.index_cast %scan3A_223 : i32 to index
      %swap3A_302 = arith.constant 80 : index
      %swap3A_303 = tpu.vector_load %arg15[%swap3A_301, %swap3A_302] {strides = array<i32>} : memref<16x128xf32, #tpu.memory_space<vmem>>, vector<1x16xf32>,
      %swap3A_304 = vector.shape_cast %swap3A_303 : vector<1x16xf32> to vector<16xf32>
      %swap3A_305 = vector.shape_cast %max3A_300 : vector<16xf32> to vector<1x16xf32>
      tpu.vector_store %arg15[%swap3A_301, %swap3A_302], %swap3A_305 {strides = array<i32>} : memref<16x128xf32, #tpu.memory_space<vmem>>, vector<1x16xf32>,
      %get3A_306 = arith.index_cast %scan3A_223 : i32 to index
      %get3A_307 = arith.constant 96 : index
      %get3A_308 = tpu.vector_load %arg15[%get3A_306, %get3A_307] {strides = array<i32>} : memref<16x128xf32, #tpu.memory_space<vmem>>, vector<1x16xf32>,
      %get3A_309 = vector.shape_cast %get3A_308 : vector<1x16xf32> to vector<16xf32>
      %mul3A_310 = arith.mulf %get3A_309, %get3A_22 : vector<16xf32>
      %add3A_311 = arith.addf %mul3A_310, %get3A_46 : vector<16xf32>
      %max3A_312 = arith.constant 0.000000e+00 : f32
      %max3A_313 = vector.broadcast %max3A_312 : f32 to vector<16xf32>
      %max3A_314 = arith.maximumf %add3A_311, %max3A_313 : vector<16xf32>
      %swap3A_315 = arith.index_cast %scan3A_223 : i32 to index
      %swap3A_316 = arith.constant 96 : index
      %swap3A_317 = tpu.vector_load %arg15[%swap3A_315, %swap3A_316] {strides = array<i32>} : memref<16x128xf32, #tpu.memory_space<vmem>>, vector<1x16xf32>,
      %swap3A_318 = vector.shape_cast %swap3A_317 : vector<1x16xf32> to vector<16xf32>
      %swap3A_319 = vector.shape_cast %max3A_314 : vector<16xf32> to vector<1x16xf32>
      tpu.vector_store %arg15[%swap3A_315, %swap3A_316], %swap3A_319 {strides = array<i32>} : memref<16x128xf32, #tpu.memory_space<vmem>>, vector<1x16xf32>,
      %get3A_320 = arith.index_cast %scan3A_223 : i32 to index
      %get3A_321 = arith.constant 112 : index
      %get3A_322 = tpu.vector_load %arg15[%get3A_320, %get3A_321] {strides = array<i32>} : memref<16x128xf32, #tpu.memory_space<vmem>>, vector<1x16xf32>,
      %get3A_323 = vector.shape_cast %get3A_322 : vector<1x16xf32> to vector<16xf32>
      %mul3A_324 = arith.mulf %get3A_323, %get3A_25 : vector<16xf32>
      %add3A_325 = arith.addf %mul3A_324, %get3A_49 : vector<16xf32>
      %max3A_326 = arith.constant 0.000000e+00 : f32
      %max3A_327 = vector.broadcast %max3A_326 : f32 to vector<16xf32>
      %max3A_328 = arith.maximumf %add3A_325, %max3A_327 : vector<16xf32>
      %swap3A_329 = arith.index_cast %scan3A_223 : i32 to index
      %swap3A_330 = arith.constant 112 : index
      %swap3A_331 = tpu.vector_load %arg15[%swap3A_329, %swap3A_330] {strides = array<i32>} : memref<16x128xf32, #tpu.memory_space<vmem>>, vector<1x16xf32>,
      %swap3A_332 = vector.shape_cast %swap3A_331 : vector<1x16xf32> to vector<16xf32>
      %swap3A_333 = vector.shape_cast %max3A_328 : vector<16xf32> to vector<1x16xf32>
      tpu.vector_store %arg15[%swap3A_329, %swap3A_330], %swap3A_333 {strides = array<i32>} : memref<16x128xf32, #tpu.memory_space<vmem>>, vector<1x16xf32>,
    }
    %scan3A_205 = arith.constant 16 : i32
    "tpu.region"() ({
      %run_scoped3A = tpu.sem_alloc : memref<!tpu.dma_semaphore, #tpu.memory_space<semaphore_mem>>
      %dma_start3A_223 = arith.constant 0 : i32
      %dma_start3A_224 = arith.constant 0 : i32
      %dma_start3A_225 = tpu.memref_slice %arg18[%dma_start3A_223, %dma_start3A_224] : memref<10240x128xf32, #tpu.memory_space<vmem_shared>> -> memref<10240x128xf32, #tpu.memory_space<vmem_shared>>
      tpu.enqueue_indirect_dma source(%arg15 : memref<16x128xf32, #tpu.memory_space<vmem>>) target(%dma_start3A_225 : memref<10240x128xf32, #tpu.memory_space<vmem_shared>>) offsets(%arg14 : memref<16xi32, #tpu.memory_space<vmem>>) semaphore(%run_scoped3A : memref<!tpu.dma_semaphore, #tpu.memory_space<semaphore_mem>>) {add = true}
      %dma_wait3A_226 = arith.constant 0 : i32
      %dma_wait3A_227 = arith.constant 0 : i32
      %dma_wait3A_228 = tpu.memref_slice %arg18[%dma_wait3A_226, %dma_wait3A_227] : memref<10240x128xf32, #tpu.memory_space<vmem_shared>> -> memref<10240x128xf32, #tpu.memory_space<vmem_shared>>
      tpu.wait_indirect_dma semaphore(%run_scoped3A : memref<!tpu.dma_semaphore, #tpu.memory_space<semaphore_mem>>) src(%arg15 : memref<16x128xf32, #tpu.memory_space<vmem>>) dst(%dma_wait3A_228 : memref<10240x128xf32, #tpu.memory_space<vmem_shared>>)
      tpu.yield
    }) : () -> ()
    %dma_wait3A_206 = arith.constant 0 : i32
    %dma_wait3A_207 = arith.constant 0 : i32
    %dma_wait3A_208 = tpu.memref_slice %arg18[%dma_wait3A_206, %dma_wait3A_207] : memref<10240x128xf32, #tpu.memory_space<vmem_shared>> -> memref<10240x128xf32, #tpu.memory_space<vmem_shared>>
    tpu.wait_indirect_dma semaphore(%arg25 : memref<!tpu.dma_semaphore, #tpu.memory_space<semaphore_mem>>) src(%arg11 : memref<96x128xf32, #tpu.memory_space<vmem>>) dst(%dma_wait3A_208 : memref<10240x128xf32, #tpu.memory_space<vmem_shared>>)
    %dma_wait3A_209 = arith.constant 0 : i32
    %dma_wait3A_210 = arith.constant 0 : i32
    %dma_wait3A_211 = tpu.memref_slice %arg18[%dma_wait3A_209, %dma_wait3A_210] : memref<10240x128xf32, #tpu.memory_space<vmem_shared>> -> memref<10240x128xf32, #tpu.memory_space<vmem_shared>>
    tpu.wait_indirect_dma semaphore(%arg26 : memref<!tpu.dma_semaphore, #tpu.memory_space<semaphore_mem>>) src(%arg12 : memref<96x128xf32, #tpu.memory_space<vmem>>) dst(%dma_wait3A_211 : memref<10240x128xf32, #tpu.memory_space<vmem_shared>>)
    %dma_wait3A_212 = arith.constant 0 : i32
    %dma_wait3A_213 = arith.constant 0 : i32
    %dma_wait3A_214 = tpu.memref_slice %arg18[%dma_wait3A_212, %dma_wait3A_213] : memref<10240x128xf32, #tpu.memory_space<vmem_shared>> -> memref<10240x128xf32, #tpu.memory_space<vmem_shared>>
    tpu.wait_indirect_dma semaphore(%arg27 : memref<!tpu.dma_semaphore, #tpu.memory_space<semaphore_mem>>) src(%arg13 : memref<96x128xf32, #tpu.memory_space<vmem>>) dst(%dma_wait3A_214 : memref<10240x128xf32, #tpu.memory_space<vmem_shared>>)
    %barrier3A_215 = arith.constant 0 : index
    tpu.barrier barrier_id(%barrier3A_215)
    %mul3A_216 = arith.constant 640 : i32
    %mul3A_217 = arith.muli %arg1, %mul3A_216 : i32
    %mul3A_218 = arith.constant 10240 : i32
    %mul3A_219 = arith.muli %arg0, %mul3A_218 : i32
    %mul3A_220 = arith.constant 640 : i32
    %mul3A_221 = arith.muli %arg1, %mul3A_220 : i32
    %add3A_222 = arith.addi %mul3A_219, %mul3A_221 : i32
    "tpu.region"() ({
      %run_scoped3A = tpu.sem_alloc : memref<!tpu.dma_semaphore, #tpu.memory_space<semaphore_mem>>
      %dma_start3A_223 = arith.constant 0 : i32
      %dma_start3A_224 = tpu.memref_slice %arg7[%add3A_222, %dma_start3A_223] : memref<20480x128xf32, #tpu.memory_space<hbm>> -> memref<640x128xf32, #tpu.memory_space<hbm>>
      %dma_start3A_225 = arith.constant 0 : i32
      %dma_start3A_226 = tpu.memref_slice %arg18[%mul3A_217, %dma_start3A_225] : memref<10240x128xf32, #tpu.memory_space<vmem_shared>> -> memref<640x128xf32, #tpu.memory_space<vmem_shared>>
      tpu.enqueue_dma source(%dma_start3A_226 : memref<640x128xf32, #tpu.memory_space<vmem_shared>>) target(%dma_start3A_224 : memref<640x128xf32, #tpu.memory_space<hbm>>) target_semaphore(%run_scoped3A : memref<!tpu.dma_semaphore, #tpu.memory_space<semaphore_mem>>)
      %dma_wait3A_227 = arith.constant 0 : i32
      %dma_wait3A_228 = tpu.memref_slice %arg7[%add3A_222, %dma_wait3A_227] : memref<20480x128xf32, #tpu.memory_space<hbm>> -> memref<640x128xf32, #tpu.memory_space<hbm>>
      %dma_wait3A_229 = arith.constant 0 : i32
      %dma_wait3A_230 = tpu.memref_slice %arg18[%mul3A_217, %dma_wait3A_229] : memref<10240x128xf32, #tpu.memory_space<vmem_shared>> -> memref<640x128xf32, #tpu.memory_space<vmem_shared>>
      tpu.wait_dma2 semaphore(%run_scoped3A : memref<!tpu.dma_semaphore, #tpu.memory_space<semaphore_mem>>) src(%dma_wait3A_230 : memref<640x128xf32, #tpu.memory_space<vmem_shared>>) dst(%dma_wait3A_228 : memref<640x128xf32, #tpu.memory_space<hbm>>)
      tpu.yield
    }) : () -> ()
    return
  }
}

module attributes {stable_mosaic.version = 14 : i64} {
  func.func @_combine_body(%arg0: i32, %arg1: memref<2x1000x128xf32, #tpu.memory_space<vmem>>, %arg2: memref<1000x128xf32, #tpu.memory_space<vmem>>) attributes {dimension_semantics = [#tpu.dimension_semantics<arbitrary>], iteration_bounds = array<i64: 10>, scalar_prefetch = 0 : i64, scratch_operands = 0 : i64, tpu.core_type = #tpu.core_type<tc>, window_params = [{transform_indices = @transform_0, window_bounds = array<i64: 2, 1000, 128>}, {transform_indices = @transform_1, window_bounds = array<i64: 1000, 128>}]} {
    %get3A = arith.constant 0 : index
    %get3A_0 = arith.constant 0 : index
    %get3A_1 = arith.constant 0 : index
    %get3A_2 = vector.load %arg1[%get3A, %get3A_0, %get3A_1] : memref<2x1000x128xf32, #tpu.memory_space<vmem>>, vector<1x1000x128xf32>
    %get3A_3 = vector.shape_cast %get3A_2 : vector<1x1000x128xf32> to vector<1000x128xf32>
    %get3A_4 = arith.constant 1 : index
    %get3A_5 = arith.constant 0 : index
    %get3A_6 = arith.constant 0 : index
    %get3A_7 = vector.load %arg1[%get3A_4, %get3A_5, %get3A_6] : memref<2x1000x128xf32, #tpu.memory_space<vmem>>, vector<1x1000x128xf32>
    %get3A_8 = vector.shape_cast %get3A_7 : vector<1x1000x128xf32> to vector<1000x128xf32>
    %add3A = arith.addf %get3A_3, %get3A_8 : vector<1000x128xf32>
    %swap3A = arith.constant 0 : index
    %swap3A_9 = arith.constant 0 : index
    %swap3A_10 = vector.load %arg2[%swap3A, %swap3A_9] : memref<1000x128xf32, #tpu.memory_space<vmem>>, vector<1000x128xf32>
    tpu.vector_store %arg2[%swap3A, %swap3A_9], %add3A {strides = array<i32>} : memref<1000x128xf32, #tpu.memory_space<vmem>>, vector<1000x128xf32>,
    return
  }
  func.func @transform_0(%arg0: i32) -> (i32, i32, i32) {
    %c0_i32 = arith.constant 0 : i32
    %c0_i32_0 = arith.constant 0 : i32
    %c0_i32_1 = arith.constant 0 : i32
    return %c0_i32, %arg0, %c0_i32_0 : i32, i32, i32
  }
  func.func @transform_1(%arg0: i32) -> (i32, i32) {
    %c0_i32 = arith.constant 0 : i32
    %c0_i32_0 = arith.constant 0 : i32
    return %arg0, %c0_i32 : i32, i32
  }
}

module attributes {stable_mosaic.version = 14 : i64} {
  func.func @_mm_stats_body(%arg0: i32, %arg1: memref<12800x128xf32, #tpu.memory_space<vmem>>, %arg2: memref<128x128xf32, #tpu.memory_space<vmem>>, %arg3: memref<1x128xf32, #tpu.memory_space<vmem>>, %arg4: memref<1x128xf32, #tpu.memory_space<vmem>>, %arg5: memref<12800x128xf32, #tpu.memory_space<vmem>>, %arg6: memref<1x128xf32, #tpu.memory_space<vmem>>, %arg7: memref<1x128xf32, #tpu.memory_space<vmem>>, %arg8: memref<1x128xf32, #tpu.memory_space<vmem>>, %arg9: memref<1x128xf32, #tpu.memory_space<vmem>>) attributes {dimension_semantics = [#tpu.dimension_semantics<arbitrary>], iteration_bounds = array<i64: 25>, scalar_prefetch = 0 : i64, scratch_operands = 2 : i64, tpu.core_type = #tpu.core_type<tc>, window_params = [{transform_indices = @transform_0, window_bounds = array<i64: 12800, 128>}, {pipeline_mode = #tpu.pipeline_mode<synchronous>, transform_indices = @transform_1, window_bounds = array<i64: 128, 128>}, {pipeline_mode = #tpu.pipeline_mode<synchronous>, transform_indices = @transform_2, window_bounds = array<i64: 1, 128>}, {pipeline_mode = #tpu.pipeline_mode<synchronous>, transform_indices = @transform_3, window_bounds = array<i64: 1, 128>}, {transform_indices = @transform_4, window_bounds = array<i64: 12800, 128>}, {pipeline_mode = #tpu.pipeline_mode<synchronous>, transform_indices = @transform_5, window_bounds = array<i64: 1, 128>}, {pipeline_mode = #tpu.pipeline_mode<synchronous>, transform_indices = @transform_6, window_bounds = array<i64: 1, 128>}]} {
    %eq3A = arith.constant 0 : i32
    %eq3A_0 = arith.cmpi eq, %arg0, %eq3A : i32
    %convert_element_type3A = arith.extui %eq3A_0 : i1 to i32
    %cond3A = arith.constant 0 : i32
    %cond3A_1 = arith.cmpi ne, %convert_element_type3A, %cond3A : i32
    scf.if %cond3A_1 {
      %broadcast_in_dim3A_32 = arith.constant 0.000000e+00 : f32
      %broadcast_in_dim3A_33 = vector.broadcast %broadcast_in_dim3A_32 : f32 to vector<1x128xf32>
      %swap3A_34 = arith.constant 0 : index
      %swap3A_35 = arith.constant 0 : index
      %swap3A_36 = vector.load %arg8[%swap3A_34, %swap3A_35] : memref<1x128xf32, #tpu.memory_space<vmem>>, vector<1x128xf32>
      tpu.vector_store %arg8[%swap3A_34, %swap3A_35], %broadcast_in_dim3A_33 {strides = array<i32>} : memref<1x128xf32, #tpu.memory_space<vmem>>, vector<1x128xf32>,
      %broadcast_in_dim3A_37 = arith.constant 0.000000e+00 : f32
      %broadcast_in_dim3A_38 = vector.broadcast %broadcast_in_dim3A_37 : f32 to vector<1x128xf32>
      %swap3A_39 = arith.constant 0 : index
      %swap3A_40 = arith.constant 0 : index
      %swap3A_41 = vector.load %arg9[%swap3A_39, %swap3A_40] : memref<1x128xf32, #tpu.memory_space<vmem>>, vector<1x128xf32>
      tpu.vector_store %arg9[%swap3A_39, %swap3A_40], %broadcast_in_dim3A_38 {strides = array<i32>} : memref<1x128xf32, #tpu.memory_space<vmem>>, vector<1x128xf32>,
    } else {
    }
    %get3A = arith.constant 0 : index
    %get3A_2 = arith.constant 0 : index
    %get3A_3 = vector.load %arg1[%get3A, %get3A_2] : memref<12800x128xf32, #tpu.memory_space<vmem>>, vector<12800x128xf32>
    %get3A_4 = arith.constant 0 : index
    %get3A_5 = arith.constant 0 : index
    %get3A_6 = vector.load %arg2[%get3A_4, %get3A_5] : memref<128x128xf32, #tpu.memory_space<vmem>>, vector<128x128xf32>
    %dot_general3A = arith.constant dense<0.000000e+00> : vector<12800x128xf32>
    %dot_general3A_7 = tpu.matmul %get3A_3, %get3A_6, %dot_general3A {dimension_numbers = #tpu.dot_dimension_numbers<[1], [1], [0], [0], [0, 0, 1, 0], [], []>, transpose_lhs_hint = false} : vector<12800x128xf32>, vector<128x128xf32>, vector<12800x128xf32> -> vector<12800x128xf32>
    %swap3A = arith.constant 0 : index
    %swap3A_8 = arith.constant 0 : index
    %swap3A_9 = vector.load %arg5[%swap3A, %swap3A_8] : memref<12800x128xf32, #tpu.memory_space<vmem>>, vector<12800x128xf32>
    tpu.vector_store %arg5[%swap3A, %swap3A_8], %dot_general3A_7 {strides = array<i32>} : memref<12800x128xf32, #tpu.memory_space<vmem>>, vector<12800x128xf32>,
    %get3A_10 = arith.constant 0 : index
    %get3A_11 = arith.constant 0 : index
    %get3A_12 = vector.load %arg8[%get3A_10, %get3A_11] : memref<1x128xf32, #tpu.memory_space<vmem>>, vector<1x128xf32>
    %reduce_sum3A = arith.constant dense<0.000000e+00> : vector<128xf32>
    %reduce_sum3A_13 = vector.multi_reduction <add>, %dot_general3A_7, %reduce_sum3A [0] : vector<12800x128xf32> to vector<128xf32>
    %broadcast_in_dim3A = vector.shape_cast %reduce_sum3A_13 : vector<128xf32> to vector<1x128xf32>
    %add3A = arith.addf %get3A_12, %broadcast_in_dim3A : vector<1x128xf32>
    %swap3A_14 = arith.constant 0 : index
    %swap3A_15 = arith.constant 0 : index
    %swap3A_16 = vector.load %arg8[%swap3A_14, %swap3A_15] : memref<1x128xf32, #tpu.memory_space<vmem>>, vector<1x128xf32>
    tpu.vector_store %arg8[%swap3A_14, %swap3A_15], %add3A {strides = array<i32>} : memref<1x128xf32, #tpu.memory_space<vmem>>, vector<1x128xf32>,
    %get3A_17 = arith.constant 0 : index
    %get3A_18 = arith.constant 0 : index
    %get3A_19 = vector.load %arg9[%get3A_17, %get3A_18] : memref<1x128xf32, #tpu.memory_space<vmem>>, vector<1x128xf32>
    %mul3A = arith.mulf %dot_general3A_7, %dot_general3A_7 : vector<12800x128xf32>
    %reduce_sum3A_20 = arith.constant dense<0.000000e+00> : vector<128xf32>
    %reduce_sum3A_21 = vector.multi_reduction <add>, %mul3A, %reduce_sum3A_20 [0] : vector<12800x128xf32> to vector<128xf32>
    %broadcast_in_dim3A_22 = vector.shape_cast %reduce_sum3A_21 : vector<128xf32> to vector<1x128xf32>
    %add3A_23 = arith.addf %get3A_19, %broadcast_in_dim3A_22 : vector<1x128xf32>
    %swap3A_24 = arith.constant 0 : index
    %swap3A_25 = arith.constant 0 : index
    %swap3A_26 = vector.load %arg9[%swap3A_24, %swap3A_25] : memref<1x128xf32, #tpu.memory_space<vmem>>, vector<1x128xf32>
    tpu.vector_store %arg9[%swap3A_24, %swap3A_25], %add3A_23 {strides = array<i32>} : memref<1x128xf32, #tpu.memory_space<vmem>>, vector<1x128xf32>,
    %eq3A_27 = arith.constant 24 : i32
    %eq3A_28 = arith.cmpi eq, %arg0, %eq3A_27 : i32
    %convert_element_type3A_29 = arith.extui %eq3A_28 : i1 to i32
    %cond3A_30 = arith.constant 0 : i32
    %cond3A_31 = arith.cmpi ne, %convert_element_type3A_29, %cond3A_30 : i32
    scf.if %cond3A_31 {
      %get3A_32 = arith.constant 0 : index
      %get3A_33 = arith.constant 0 : index
      %get3A_34 = vector.load %arg8[%get3A_32, %get3A_33] : memref<1x128xf32, #tpu.memory_space<vmem>>, vector<1x128xf32>
      %div3A = arith.constant 3.200000e+05 : f32
      %div3A_35 = vector.broadcast %div3A : f32 to vector<1x128xf32>
      %div3A_36 = arith.divf %get3A_34, %div3A_35 : vector<1x128xf32>
      %get3A_37 = arith.constant 0 : index
      %get3A_38 = arith.constant 0 : index
      %get3A_39 = vector.load %arg9[%get3A_37, %get3A_38] : memref<1x128xf32, #tpu.memory_space<vmem>>, vector<1x128xf32>
      %div3A_40 = arith.constant 3.200000e+05 : f32
      %div3A_41 = vector.broadcast %div3A_40 : f32 to vector<1x128xf32>
      %div3A_42 = arith.divf %get3A_39, %div3A_41 : vector<1x128xf32>
      %mul3A_43 = arith.mulf %div3A_36, %div3A_36 : vector<1x128xf32>
      %sub3A = arith.subf %div3A_42, %mul3A_43 : vector<1x128xf32>
      %get3A_44 = arith.constant 0 : index
      %get3A_45 = arith.constant 0 : index
      %get3A_46 = vector.load %arg3[%get3A_44, %get3A_45] : memref<1x128xf32, #tpu.memory_space<vmem>>, vector<1x128xf32>
      %add3A_47 = arith.constant 1.000000e-03 : f32
      %add3A_48 = vector.broadcast %add3A_47 : f32 to vector<1x128xf32>
      %add3A_49 = arith.addf %sub3A, %add3A_48 : vector<1x128xf32>
      %sqrt3A = math.sqrt %add3A_49 : vector<1x128xf32>
      %div3A_50 = arith.divf %get3A_46, %sqrt3A : vector<1x128xf32>
      %swap3A_51 = arith.constant 0 : index
      %swap3A_52 = arith.constant 0 : index
      %swap3A_53 = vector.load %arg6[%swap3A_51, %swap3A_52] : memref<1x128xf32, #tpu.memory_space<vmem>>, vector<1x128xf32>
      tpu.vector_store %arg6[%swap3A_51, %swap3A_52], %div3A_50 {strides = array<i32>} : memref<1x128xf32, #tpu.memory_space<vmem>>, vector<1x128xf32>,
      %get3A_54 = arith.constant 0 : index
      %get3A_55 = arith.constant 0 : index
      %get3A_56 = vector.load %arg4[%get3A_54, %get3A_55] : memref<1x128xf32, #tpu.memory_space<vmem>>, vector<1x128xf32>
      %mul3A_57 = arith.mulf %div3A_36, %div3A_50 : vector<1x128xf32>
      %sub3A_58 = arith.subf %get3A_56, %mul3A_57 : vector<1x128xf32>
      %swap3A_59 = arith.constant 0 : index
      %swap3A_60 = arith.constant 0 : index
      %swap3A_61 = vector.load %arg7[%swap3A_59, %swap3A_60] : memref<1x128xf32, #tpu.memory_space<vmem>>, vector<1x128xf32>
      tpu.vector_store %arg7[%swap3A_59, %swap3A_60], %sub3A_58 {strides = array<i32>} : memref<1x128xf32, #tpu.memory_space<vmem>>, vector<1x128xf32>,
    } else {
    }
    return
  }
  func.func @transform_0(%arg0: i32) -> (i32, i32) {
    %c0_i32 = arith.constant 0 : i32
    %c0_i32_0 = arith.constant 0 : i32
    return %arg0, %c0_i32 : i32, i32
  }
  func.func @transform_1(%arg0: i32) -> (i32, i32) {
    %c0_i32 = arith.constant 0 : i32
    %c0_i32_0 = arith.constant 0 : i32
    %c0_i32_1 = arith.constant 0 : i32
    return %c0_i32, %c0_i32_0 : i32, i32
  }
  func.func @transform_2(%arg0: i32) -> (i32, i32) {
    %c0_i32 = arith.constant 0 : i32
    %c0_i32_0 = arith.constant 0 : i32
    %c0_i32_1 = arith.constant 0 : i32
    return %c0_i32, %c0_i32_0 : i32, i32
  }
  func.func @transform_3(%arg0: i32) -> (i32, i32) {
    %c0_i32 = arith.constant 0 : i32
    %c0_i32_0 = arith.constant 0 : i32
    %c0_i32_1 = arith.constant 0 : i32
    return %c0_i32, %c0_i32_0 : i32, i32
  }
  func.func @transform_4(%arg0: i32) -> (i32, i32) {
    %c0_i32 = arith.constant 0 : i32
    %c0_i32_0 = arith.constant 0 : i32
    return %arg0, %c0_i32 : i32, i32
  }
  func.func @transform_5(%arg0: i32) -> (i32, i32) {
    %c0_i32 = arith.constant 0 : i32
    %c0_i32_0 = arith.constant 0 : i32
    %c0_i32_1 = arith.constant 0 : i32
    return %c0_i32, %c0_i32_0 : i32, i32
  }
  func.func @transform_6(%arg0: i32) -> (i32, i32) {
    %c0_i32 = arith.constant 0 : i32
    %c0_i32_0 = arith.constant 0 : i32
    %c0_i32_1 = arith.constant 0 : i32
    return %c0_i32, %c0_i32_0 : i32, i32
  }
}

</mosaic_0001>

<sc_bundles>
// kernel: kernel.5.cloned.1.call-start
scs
__scs_entry_jumppad:
0x0: {  	(pc) =	sbr.rel $0x88, $3  }
0x1: {  	(tag) =	ssettag $0x0;
	lr =	simm.s32 $0x1  }
0x2: {  	[smem:$0x3F9C] =	sst lr;
	_ =	strace $0xD0000000  }
0x3: {  	_ = 	snop  }
0x4: {  	_ = 	snop  }
0x5: {  	_ = 	snop  }
0x6: {  	_ = 	snop  }
0x7: {  	_ = 	snop  }
__scs_overlays_trampoline_lowered:
0x8: {  	[smem:$0x3FAB] =	sst s0  }
0x9: {  	[smem:$0x3FAC] =	sst s1  }
0xa: {  	[smem:$0x3FAD] =	sst s2  }
0xb: {  	[smem:$0x3FAE] =	sst s3  }
0xc: {  	[smem:$0x3FAF] =	sst s4  }
0xd: {  	[smem:$0x3FB0] =	sst s5  }
0xe: {  	[smem:$0x3FB1] =	sst s6  }
0xf: {  	[smem:$0x3FB2] =	sst s7  }
0x10: {  	[smem:$0x3FB3] =	sst s8  }
0x11: {  	[smem:$0x3FB4] =	sst s9;
	s0 =	simm.s32 @!p0 $0x0  }
0x12: {  	s1 =	sld [smem:$0x3F9A];
	s0 =	simm.s32 @p0 $0x1  }
0x13: {  	[smem:$0x3FB5] =	sst s0;
	s0 =	simm.s32 @!p1 $0x0  }
0x14: {  	s2 =	sld [smem:$0x3F99];
	s0 =	simm.s32 @p1 $0x1  }
0x15: {  	[smem:$0x3FB6] =	sst s0;
	s0 =	simm.s32 @!p2 $0x0  }
0x16: {  	s3 =	sld [smem:$0x3FDB];
	s0 =	simm.s32 @p2 $0x1  }
0x17: {  	s4 =	simm.s32 $0x1BF5;
	[smem:$0x3FB8] =	sst s0  }
0x18: {  	s0 =	sld [smem:$0x3F9B];
	_ =	swait.ge [sflag:s4], $0x0  }
0x19: {  	s7 =	sld [smem:$0x3F9C]  }
0x1a: {  	s8 =	sadd.s32 $0xFFFFE003, lr  }
0x1b: {  	s9 =	sadd.s32 $0xFFFFFEF7, lr;
	s5 =	simm.s32 $0xFFFFFFFF;
	p2 =	slt.u32 s8, $0xFFFFF086  }
0x1c: {  	p1 =	slt.u32 s9, $0xF7A;
	s5 =	simm.s32 @!p2 $0x0  }
0x1d: {  	s5 =	simm.s32 @p1 $0x1;
	p0 =	seq.s32 s7, s2  }
0x1e: {  	s7 =	smul.u32 @!p0 $0xF7A, s2;
	p2 =	seq.s32 @!p0 s5, $0x0  }
0x1f: {  	s9 =	smul.u32 $0xF7A, s1;
	s8 =	simm.s32 @!p0 $0x1BF5;
	p2 =	por !p2, p0  }
0x20: {  	[sflag:s8] =	ssyncset.s32 @!p0 $0xFFFFF086;
	s6 =	sadd.s32 @!p0 s3, s7;
	s7 =	simm.s32 @!p0 $0x108  }
0x21: {  	s3 =	sadd.s32 s3, s9;
	s6 =	sadd.s32 @!p0 $0x88, s6;
	s7 =	simm.s32 @p2 $0x1082  }
0x22: {  	[simem:s7], [sflag:s8] =	dma.local @!p0 [hbm:s6], $0xF7A  }
0x23: {  	s9 =	sor.u32 $0xD0000000, s2;
	s6 =	simm.s32 $0x108;
	_ =	swait.ge @!p0 [sflag:s8], $0x0  }
0x24: {  	s3 =	sadd.s32 $0x88, s3;
	s6 =	simm.s32 @!p1 $0x1082;
	[sflag:s4] =	ssyncset.s32 $0xFFFFF086  }
0x25: {  	[simem:s6], [sflag:s4] =	dma.local [hbm:s3], $0xF7A  }
0x26: {  	[smem:$0x3F9C] =	sst s1;
	(tag) =	ssettag s2;
	_ =	strace s9  }
0x27: {  	s1 =	sld [smem:$0x3FAC]  }
0x28: {  	s2 =	sld [smem:$0x3FAD]  }
0x29: {  	s4 =	sld [smem:$0x3FAF]  }
0x2a: {  	p0 =	seq.s32 s5, $0x0;
	s5 =	sld [smem:$0x3FB0]  }
0x2b: {  	s6 =	sld [smem:$0x3FB1]  }
0x2c: {  	s7 =	sld [smem:$0x3FB2]  }
0x2d: {  	s3 =	simm.s32 $0x108;
	s8 =	sld [smem:$0x3FB3]  }
0x2e: {  	s3 =	simm.s32 @!p0 $0x1082;
	s9 =	sld [smem:$0x3FB4]  }
0x2f: {  	lr =	sadd.s32 s0, s3;
	s0 =	sld [smem:$0x3FAB]  }
0x30: {  	s3 =	sld [smem:$0x3FAE]  }
0x31: {  	[smem:$0x3FB7] =	sst s10  }
0x32: {  	s10 =	sld [smem:$0x3FB5];
	_ =	sdelay $0x3  }
0x33: {  	p0 =	seq.s32 s10, $0x1;
	s10 =	sld [smem:$0x3FB7];
	_ =	sdelay $0x3  }
0x34: {  	[smem:$0x3FB7] =	sst s10  }
0x35: {  	s10 =	sld [smem:$0x3FB6];
	_ =	sdelay $0x3  }
0x36: {  	p1 =	seq.s32 s10, $0x1;
	s10 =	sld [smem:$0x3FB7];
	_ =	sdelay $0x3  }
0x37: {  	[smem:$0x3FB7] =	sst s10  }
0x38: {  	s10 =	sld [smem:$0x3FB8]  }
0x39: {  	_ = 	snop;
	(pc) =	sbr.ind lr, $3  }
0x3a: {  	_ = 	snop  }
0x3b: {  	_ = 	snop  }
0x3c: {  	p2 =	seq.s32 s10, $0x1;
	s10 =	sld [smem:$0x3FB7]  }
0x3d: {  	_ =	shalt  }
0x3e: {  	_ =	shalt  }
0x3f: {  	_ =	shalt  }
0x40: {  	_ =	shalt  }
0x41: {  	_ =	shalt  }
0x42: {  	_ =	shalt  }
0x43: {  	_ =	shalt  }
0x44: {  	_ =	shalt  }
0x45: {  	_ =	shalt  }
0x46: {  	_ =	shalt  }
0x47: {  	_ =	shalt  }
0x48: {  	_ =	shalt  }
0x49: {  	_ =	shalt  }
0x4a: {  	_ =	shalt  }
0x4b: {  	_ =	shalt  }
0x4c: {  	_ =	shalt  }
0x4d: {  	_ =	shalt  }
0x4e: {  	_ =	shalt  }
0x4f: {  	_ =	shalt  }
0x50: {  	_ =	shalt  }
0x51: {  	_ =	shalt  }
0x52: {  	_ =	shalt  }
0x53: {  	_ =	shalt  }
0x54: {  	_ =	shalt  }
0x55: {  	_ =	shalt  }
0x56: {  	_ =	shalt  }
0x57: {  	_ =	shalt  }
0x58: {  	_ =	shalt  }
0x59: {  	_ =	shalt  }
0x5a: {  	_ =	shalt  }
0x5b: {  	_ =	shalt  }
0x5c: {  	_ =	shalt  }
0x5d: {  	_ =	shalt  }
0x5e: {  	_ =	shalt  }
0x5f: {  	_ =	shalt  }
0x60: {  	_ =	shalt  }
0x61: {  	_ =	shalt  }
0x62: {  	_ =	shalt  }
0x63: {  	_ =	shalt  }
0x64: {  	_ =	shalt  }
0x65: {  	_ =	shalt  }
0x66: {  	_ =	shalt  }
0x67: {  	_ =	shalt  }
0x68: {  	_ =	shalt  }
0x69: {  	_ =	shalt  }
0x6a: {  	_ =	shalt  }
0x6b: {  	_ =	shalt  }
0x6c: {  	_ =	shalt  }
0x6d: {  	_ =	shalt  }
0x6e: {  	_ =	shalt  }
0x6f: {  	_ =	shalt  }
0x70: {  	_ =	shalt  }
0x71: {  	_ =	shalt  }
0x72: {  	_ =	shalt  }
0x73: {  	_ =	shalt  }
0x74: {  	_ =	shalt  }
0x75: {  	_ =	shalt  }
0x76: {  	_ =	shalt  }
0x77: {  	_ =	shalt  }
0x78: {  	_ =	shalt  }
0x79: {  	_ =	shalt  }
0x7a: {  	_ =	shalt  }
0x7b: {  	_ =	shalt  }
0x7c: {  	_ =	shalt  }
0x7d: {  	_ =	shalt  }
0x7e: {  	_ =	shalt  }
0x7f: {  	_ =	shalt  }
0x80: {  	_ =	shalt  }
0x81: {  	_ =	shalt  }
0x82: {  	_ =	shalt  }
0x83: {  	_ =	shalt  }
0x84: {  	_ =	shalt  }
0x85: {  	_ =	shalt  }
0x86: {  	_ =	shalt  }
0x87: {  	_ =	shalt  }
.Lfunc_end0:
.L_simem_size_0:
called_computation_lowered:
.L_overlay_start_0:
0x88: {  	s2 =	sld [smem:$0x3FD9]  }
0x89: {  	s3 =	sld [smem:$0x3FFE];
	_ =	sdelay $0x1  }
0x8a: {  	s1 =	srdreg.scid  }
0x8b: {  	s0 =	sand.u32 $0x1, s1  }
0x8c: {  	s17 =	sshll.u32 s0, $0xA;
	s2 =	sadd.s32 s3, s2  }
0x8d: {  	s2 =	sadd.s32 s2, s17  }
0x8e: {  	[smem:$0x3FC3] =	sst s2  }
0x8f: {  	_ = 	snop  }
0x90: {  	s2 =	sld [smem:$0x3FC8]  }
0x91: {  	s18 =	sld [smem:$0x3FD0];
	(tm) =	ssettm $0x1  }
0x92: {  	s4 =	sld [smem:$0x3FFB];
	_ =	sdelay $0x3  }
0x93: {  	_ =	strace s4  }
0x94: {  	s4 =	sld [smem:$0x3FFC];
	_ =	sdelay $0x3  }
0x95: {  	_ =	strace s4  }
0x96: {  	s4 =	sld [smem:$0x3FFD];
	_ =	sdelay $0x3  }
0x97: {  	_ =	strace s4  }
0x98: {  	_ =	strace $0x8FFFFFFF  }
0x99: {  	s19 =	sld [smem:$0x3FDB];
	_ =	sdelay $0x1  }
0x9a: {  	s5 =	simm.s32 $_scs_section_size  }
0x9b: {  	s6 =	simm.s32 $_size__tile_overlayer_lowered;
	s7 =	simm.s32 $_tile_overlayer_lowered  }
0x9c: {  	s22 =	simm.s32 $0x1BFF;
	s21 =	sshll.u32 s7, $0x1;
	s4 =	sadd.s32 s5, s19  }
0x9d: {  	s8 =	simm.s32 $0x0;
	s20 =	sshll.u32 s6, $0x1;
	s6 =	sadd.s32 s21, s4  }
0x9e: {  	[timem:s8], [sflag:s22] =	dma.local [hbm:s6], s20  }
0x9f: {  	_ =	swait.ge [sflag:s22], s20  }
0xa0: {  	s5 =	ssub.s32 $0x0, s20;
	[sflag:s22] =	ssyncset.done $0x0  }
0xa1: {  	[sflag:s22] =	ssyncadd.s32 s5;
	_ =	sdelay $0x1  }
0xa2: {  	s23 =	simm.s32 $0x1B8B  }
0xa3: {  	_ =	swait.ge [sflag:s23], $0x1  }
0xa4: {  	[sflag:s23] =	ssyncset.done $0x0  }
0xa5: {  	s25 =	simm.s32 $0x1B8E;
	s24 =	sld [smem:$0x3FFE];
	[sflag:s23] =	ssyncadd.s32 $0xFFFFFFFF  }
0xa6: {  	s26 =	simm.s32 $execute0_lowered;
	[smem:$0x3FD2] =	sst s25  }
0xa7: {  	s6 =	sshll.u32 s26, $0x1;
	_ =	strace $0x80000046;
	[dreg:$0x1] =	wrdreg $0xFFFFFFFF  }
0xa8: {  	s28 =	simm.s32 $_size_execute0_lowered;
	s4 =	sadd.s32 s4, s6;
	[dreg:$0x0] =	wrdreg $0x0  }
0xa9: {  	s6 =	sshll.u32 s28, $0x1;
	[dreg:$0x2] =	wrdreg s4  }
0xaa: {  	[dreg:$0x3] =	wrdreg s6  }
0xab: {  	[dreg:$0x4] =	wrdreg $0xC0  }
0xac: {  	_ =	task [dreg:s8], $0x5FFFF  }
0xad: {  	[dreg:$0x1] =	wrdreg $0xFFFFFFFF  }
0xae: {  	[dreg:$0x0] =	wrdreg $0x60  }
0xaf: {  	[dreg:$0x2] =	wrdreg s24  }
0xb0: {  	[dreg:$0x3] =	wrdreg s2  }
0xb1: {  	[dreg:$0x4] =	wrdreg s18  }
0xb2: {  	[dreg:$0x5] =	wrdreg $0x9B000  }
0xb3: {  	[dreg:$0x6] =	wrdreg $0x9  }
0xb4: {  	_ =	task.clear_ibuf [dreg:s8], $0x7FFFF;
	_ =	strace $0x90000046  }
0xb5: {  	s29 =	simm.s32 $0x9;
	_ =	strace $0x80000048  }
0xb6: {  	_ =	swait.ge [sflag:s29], $0x1  }
0xb7: {  	[sflag:s29] =	ssyncadd.s32 $0xFFFFFFFF  }
0xb8: {  	_ =	strace $0x90000048  }
0xb9: {  	_ =	sfence  }
0xba: {  	s30 =	sld [smem:$0x0];
	_ =	sdelay $0x2  }
0xbb: {  	s31 =	sshll.u32 s1, $0xD;
	s1 =	sshrl.u32 s1, $0x2  }
0xbc: {  	s3 =	sand.u32 $0x4000, s31;
	s1 =	sadd.s32 s1, s30  }
0xbd: {  	s0 =	sor.u32 s3, s0;
	s1 =	sshll.u32 s1, $0x11  }
0xbe: {  	s0 =	sor.u32 s1, s0  }
0xbf: {  	s0 =	sadd.s32 $0x8F2B, s0  }
0xc0: {  	[sflag:s0] =	ssyncadd.remote.s32 $0x1  }
0xc1: {  	_ =	sfence.sel $0xFFFF  }
0xc2: {  	[dreg:$0x0] =	wrdreg $0xFFFFFFFF;
	(pc) =	sbr.abs _section_cstart, $3  }
0xc3: {  	[dreg:$0x1] =	wrdreg $0xFFFFFFFF  }
0xc4: {  	_ =	task.clear_ibuf [dreg:s8], $0x2FFFF;
	_ =	strace $0x9FFFFFFF  }
0xc5: {  	(tm) =	ssettm $0x7FFFFFFF  }
tec
execute0_lowered:
.L_overlay_start_1:
0x0: {  	(tag) =	ssettag $0x1  }
0x1: {  	s0 =	rddreg [dreg:$0x0]  }
0x2: {  	s1 =	rddreg [dreg:$0x1]  }
0x3: {  	s4 =	rddreg [dreg:$0x3];
	s5 =	simm.s32 $0x0  }
0x4: {  	s10 =	stileid.u32;
	s3 =	srdreg.scid;
	s29 =	simm.s32 $0xA  }
0x5: {  	s31 =	simm.s32 $0x180;
	s28 =	simm.s32 $0x1;
	s30 =	simm.s32 $0x4  }
0x6: {  	[smem:$0x7FF] =	sst s5;
	s2 =	smul.u32 $0x2800, s10;
	s3 =	sand.u32 $0x1, s3  }
0x7: {  	s9 =	sadd.s32 $0x4E3200, s0;
	s19 =	sshll.u32 s10, $0x1;
	s10 =	smul.u32 $0x50000, s10  }
0x8: {  	s6 =	sadd.s32 $0x1200, s0;
	_ =	strace $0x80000047;
	s8 =	smul.u32 $0x28000, s3  }
0x9: {  	[dreg:$0x5] =	wrdreg s9;
	s20 =	ssub.s32 $0x2, s3;
	s3 =	sor.u32 s3, s19  }
0xa: {  	s9 =	simm.s32 $0x2;
	s7 =	sadd.s32 s2, s0;
	s11 =	smul.u32 $0x2710, s3  }
0xb: {  	s21 =	sshrl.u32 s20, $0x1;
	s10 =	sshrl.u32 s10, $0x2;
	s3 =	smul.u32 $0x27100, s3  }
0xc: {  	s2 =	sadd.s32 s2, s8;
	s22 =	sadd.s32 s10, s4;
	s7 =	sadd.s32 $0x4E3400, s7  }
0xd: {  	s0 =	sadd.s32 s2, s0;
	s2 =	ssub.s32 s20, s21;
	[dreg:$0x6] =	wrdreg s22  }
0xe: {  	s23 =	sshrl.u32 s11, $0x3;
	s24 =	sadd.s32 $0x60, s11;
	[dreg:$0x7] =	wrdreg s7  }
0xf: {  	s3 =	sadd.s32 s6, s3;
	s8 =	sadd.s32 $0xC0, s11;
	s16 =	sadd.s32 $0x120, s11  }
0x10: {  	s17 =	sadd.s32 $0x180, s11;
	s14 =	sadd.s32 $0x2640, s11;
	s18 =	sadd.s32 $0x1E0, s11  }
0x11: {  	s19 =	sadd.s32 $0x26A0, s11;
	s22 =	sadd.s32 $0x2700, s11;
	s11 =	simm.s32 $0x7  }
0x12: {  	s25 =	sadd.s32 s1, s23;
	s26 =	sshrl.u32 s24, $0x3;
	[dreg:$0x9] =	wrdreg s3  }
0x13: {  	s10 =	sshll.u32 s24, $0x4;
	s12 =	sshrl.u32 s8, $0x3;
	s3 =	sshll.u32 s8, $0x4  }
0x14: {  	s15 =	sshrl.u32 s14, $0x3;
	s20 =	sshrl.u32 s19, $0x3;
	s23 =	sshll.u32 s19, $0x4  }
0x15: {  	s24 =	sshrl.u32 s22, $0x3;
	s0 =	sadd.s32 $0x50B400, s0;
	[dreg:$0x8] =	wrdreg s25  }
0x16: {  	s8 =	simm.s32 $0x6180;
	s7 =	sadd.s32 s1, s26;
	[dreg:$0x14] =	wrdreg s0  }
0x17: {  	s13 =	sadd.s32 s1, s12;
	s3 =	sadd.s32 s6, s3;
	[dreg:$0xa] =	wrdreg s7  }
0x18: {  	s21 =	sadd.s32 s1, s20;
	s25 =	sadd.s32 s1, s24;
	[dreg:$0xc] =	wrdreg s13  }
0x19: {  	s26 =	smax.u32 s2, $0x1;
	s0 =	simm.s32 $0x80;
	[dreg:$0xd] =	wrdreg s3  }
0x1a: {  	s2 =	simm.s32 $0x3180;
	s12 =	simm.s32 $0x3;
	[dreg:$0x10] =	wrdreg s21  }
0x1b: {  	s7 =	sadd.s32 s6, s10;
	s3 =	sshll.u32 s14, $0x4;
	[dreg:$0x12] =	wrdreg s25  }
0x1c: {  	[dreg:$0x15] =	wrdreg s26;
	s10 =	simm.s32 $0x5;
	s13 =	simm.s32 $0x6  }
0x1d: {  	s14 =	simm.s32 $0x8;
	[dreg:$0xb] =	wrdreg s7;
	s7 =	sadd.s32 s1, s15  }
0x1e: {  	s21 =	simm.s32 $0x0;
	s3 =	sadd.s32 s6, s3;
	[dreg:$0xe] =	wrdreg s7  }
0x1f: {  	[dreg:$0xf] =	wrdreg s3;
	s3 =	sshll.u32 s22, $0x4;
	s7 =	sadd.s32 s6, s23  }
0x20: {  	s15 =	simm.s32 $0x9;
	[dreg:$0x11] =	wrdreg s7;
	s3 =	sadd.s32 s6, s3  }
0x21: {  	s7 =	simm.s32 $0x100;
	[dreg:$0x13] =	wrdreg s3;
	s3 =	simm.s32 $0x60  }
.LBB2_1:
0x22: {  	s19 =	rddreg [dreg:$0x2];
	s20 =	simm.s32 $0x9A00  }
0x23: {  	[tilespmem:s20], [sflag:$0xA] =	stream.linear.gather [hbm4b:s19+s5], $0x80, $0x38;
	[tilespmem:$0x1DB00] =	vst v63  }
0x24: {  	_ =	swait.ge [sflag:s29], $0x80  }
0x25: {  	[sflag:s29] =	ssyncset.done $0x0  }
0x26: {  	s23 =	simm.s32 $0x9A80;
	s22 =	rddreg [dreg:$0x5];
	[sflag:s29] =	ssyncadd.s32 $0xFFFFFF80  }
0x27: {  	[tilespmem:s23], [sflag:$0xA] =	stream.linear.gather [hbm4b:s22+s5], $0x80, $0x38;
	[tilespmem:$0x1DB00] =	vst v63  }
0x28: {  	_ =	swait.ge [sflag:s29], $0x80  }
0x29: {  	[sflag:s29] =	ssyncset.done $0x0  }
0x2a: {  	[sflag:s29] =	ssyncadd.s32 $0xFFFFFF80  }
0x2b: {  	v11 =	vld [tilespmem:$0x9A00]  }
0x2c: {  	v12 =	vld [tilespmem:$0x9A10]  }
0x2d: {  	v9 =	vld [tilespmem:$0x9A20]  }
0x2e: {  	v8 =	vld [tilespmem:$0x9A30]  }
0x2f: {  	v6 =	vld [tilespmem:$0x9A40]  }
0x30: {  	v4 =	vld [tilespmem:$0x9A50]  }
0x31: {  	v1 =	vld [tilespmem:$0x9A60]  }
0x32: {  	v0 =	vld [tilespmem:$0x9A70]  }
0x33: {  	v15 =	vld [tilespmem:$0x9A80]  }
0x34: {  	v14 =	vld [tilespmem:$0x9A90]  }
0x35: {  	v13 =	vld [tilespmem:$0x9AA0]  }
0x36: {  	v10 =	vld [tilespmem:$0x9AB0]  }
0x37: {  	s24 =	stileid.u32;
	v7 =	vld [tilespmem:$0x9AC0]  }
0x38: {  	s19 =	sshll.u32 s24, $0x6;
	s25 =	rddreg [dreg:$0x6];
	v5 =	vld [tilespmem:$0x9AD0]  }
0x39: {  	s22 =	sor.u32 $0x1C0A, s19;
	s26 =	rddreg [dreg:$0x7];
	s23 =	sshrl.u32 s25, $0x3;
	v3 =	vld [tilespmem:$0x9AE0]  }
0x3a: {  	v2 =	vld [tilespmem:$0x9AF0];
	[spmem:s23], [sflag:s22] =	dma.local [hbm:s26], $0x2800  }
0x3b: {  	_ =	swait.ge [sflag:s29], $0x2800  }
0x3c: {  	[sflag:s29] =	ssyncset.done $0x0  }
0x3d: {  	[sflag:s29] =	ssyncadd.s32 $0xFFFFD800  }
0x3e: {  	[bflag:$0x0] =	sbarrier.arrive $0xFFFF  }
0x3f: {  	s20 =	rddreg [dreg:$0x8]  }
0x40: {  	[tilespmem:s5], [sflag:$0x1] =	stream.linear.gather [hbm4b:s20+s5], $0x60, $0x38;
	[tilespmem:$0x1DB00] =	vst v63  }
0x41: {  	s24 =	rddreg [dreg:$0x9]  }
0x42: {  	[tilespmem:s31], [sflag:$0x4] =	stream.linear.gather [hbm4b:s24+s5], $0x3000, $0x38;
	[tilespmem:$0x1DB00] =	vst v63  }
0x43: {  	s25 =	rddreg [dreg:$0xa]  }
0x44: {  	[tilespmem:s0], [sflag:$0x2] =	stream.linear.gather [hbm4b:s25+s5], $0x60, $0x38;
	[tilespmem:$0x1DB00] =	vst v63  }
0x45: {  	s26 =	rddreg [dreg:$0xb]  }
0x46: {  	[tilespmem:s2], [sflag:$0x5] =	stream.linear.gather [hbm4b:s26+s5], $0x3000, $0x38;
	[tilespmem:$0x1DB00] =	vst v63  }
0x47: {  	_ =	swait.ge [sflag:s28], $0x60  }
0x48: {  	[sflag:s28] =	ssyncset.done $0x0  }
0x49: {  	[sflag:s28] =	ssyncadd.s32 $0xFFFFFFA0  }
0x4a: {  	_ =	swait.ge [sflag:s30], $0x3000  }
0x4b: {  	[sflag:s30] =	ssyncset.done $0x0  }
0x4c: {  	s24 =	simm.s32 $0x0;
	[sflag:s30] =	ssyncadd.s32 $0xFFFFD000  }
0x4d: {  	v16 =	vld [tilespmem:s24+$0x180]  }
0x4e: {  	v21 =	vld [tilespmem:s24+$0x190]  }
0x4f: {  	v20 =	vld [tilespmem:s24+$0x1A0]  }
0x50: {  	v19 =	vld [tilespmem:s24+$0x1B0]  }
0x51: {  	v18 =	vld [tilespmem:s24+$0x1C0]  }
0x52: {  	v17 =	vld [tilespmem:s24+$0x1D0];
	v22 =	vmul.f32 v16, v11  }
0x53: {  	s25 =	simm.s32 $0x200;
	v21 =	vmul.f32 v21, v12;
	v16 =	vld [tilespmem:s24+$0x1E0]  }
.LBB2_2:
0x54: {  	p0 =	sne.s32 s25, $0xBE00;
	v22 =	vadd.f32 v22, v15;
	v20 =	vmul.f32 v20, v9;
	v23 =	vld [tilespmem:s24+$0x1F0]  }
0x55: {  	v21 =	vadd.f32 v21, v14;
	v19 =	vmul.f32 v19, v8  }
0x56: {  	v22 =	vmax.f32 v22, $0.0e+00;
	v20 =	vadd.f32 v20, v13;
	v18 =	vmul.f32 v18, v6  }
0x57: {  	s19 =	sshra.s32 s25, $0x2;
	[tilespmem:s24+$0x180] =	vst v22;
	v21 =	vmax.f32 v21, $0.0e+00;
	v19 =	vadd.f32 v19, v10;
	v17 =	vmul.f32 v17, v4  }
0x58: {  	v22 =	vld [tilespmem:s19+$0x180];
	[tilespmem:s24+$0x190] =	vst v21;
	v20 =	vmax.f32 v20, $0.0e+00;
	v18 =	vadd.f32 v18, v7;
	v16 =	vmul.f32 v16, v1  }
0x59: {  	v21 =	vld [tilespmem:s19+$0x190];
	[tilespmem:s24+$0x1A0] =	vst v20;
	v19 =	vmax.f32 v19, $0.0e+00;
	v17 =	vadd.f32 v17, v5;
	v23 =	vmul.f32 v23, v0  }
.Ltmp0:
0x5a: {  	v20 =	vld [tilespmem:s19+$0x1A0];
	[tilespmem:s24+$0x1B0] =	vst v19;
	v18 =	vmax.f32 v18, $0.0e+00;
	v16 =	vadd.f32 v16, v3;
	(pc) =	sbr.rel @p0 .LBB2_2-.Ltmp0, $4  }
0x5b: {  	v19 =	vld [tilespmem:s19+$0x1B0];
	[tilespmem:s24+$0x1C0] =	vst v18;
	v17 =	vmax.f32 v17, $0.0e+00;
	v23 =	vadd.f32 v23, v2  }
0x5c: {  	v18 =	vld [tilespmem:s19+$0x1C0];
	[tilespmem:s24+$0x1D0] =	vst v17;
	v16 =	vmax.f32 v16, $0.0e+00  }
0x5d: {  	v22 =	vmul.f32 v22, v11;
	v17 =	vld [tilespmem:s19+$0x1D0];
	[tilespmem:s24+$0x1E0] =	vst v16;
	v23 =	vmax.f32 v23, $0.0e+00  }
0x5e: {  	s25 =	sadd.s32 $0x200, s25;
	v21 =	vmul.f32 v21, v12;
	v16 =	vld [tilespmem:s19+$0x1E0];
	[tilespmem:s24+$0x1F0] =	vst v23;
	s24 =	smov.u32 s19  }
0x5f: {  	v22 =	vadd.f32 v22, v15;
	v20 =	vmul.f32 v20, v9;
	v23 =	vld [tilespmem:s24+$0x1F0]  }
0x60: {  	v21 =	vadd.f32 v21, v14;
	v19 =	vmul.f32 v19, v8  }
0x61: {  	v22 =	vmax.f32 v22, $0.0e+00;
	v20 =	vadd.f32 v20, v13;
	v18 =	vmul.f32 v18, v6  }
0x62: {  	[tilespmem:s24+$0x180] =	vst v22;
	v21 =	vmax.f32 v21, $0.0e+00;
	v19 =	vadd.f32 v19, v10;
	v17 =	vmul.f32 v17, v4  }
0x63: {  	[tilespmem:s24+$0x190] =	vst v21;
	v20 =	vmax.f32 v20, $0.0e+00;
	v18 =	vadd.f32 v18, v7;
	v16 =	vmul.f32 v16, v1  }
0x64: {  	[tilespmem:s24+$0x1A0] =	vst v20;
	v19 =	vmax.f32 v19, $0.0e+00;
	v17 =	vadd.f32 v17, v5;
	v62 =	vmul.f32 v23, v0  }
0x65: {  	[tilespmem:s24+$0x1B0] =	vst v19;
	v18 =	vmax.f32 v18, $0.0e+00;
	v16 =	vadd.f32 v16, v3  }
0x66: {  	[tilespmem:s24+$0x1C0] =	vst v18;
	v17 =	vmax.f32 v17, $0.0e+00;
	v63 =	vadd.f32 v62, v2  }
0x67: {  	[tilespmem:s24+$0x1D0] =	vst v17;
	v16 =	vmax.f32 v16, $0.0e+00  }
0x68: {  	[tilespmem:s24+$0x1E0] =	vst v16;
	v16 =	vmax.f32 v63, $0.0e+00  }
0x69: {  	[tilespmem:s24+$0x1F0] =	vst v16;
	s24 =	simm.s32 $0x0  }
0x6a: {  	[spmem:s4] =	stream.indirect.scatter.add.f32 [tilespmem:s31], [sflag:$0x7], $0x80, s24, s3, $0xb8;
	[tilespmem:$0x1DB00] =	vst v63  }
0x6b: {  	s19 =	rddreg [dreg:$0xc]  }
0x6c: {  	[tilespmem:s7], [sflag:$0x3] =	stream.linear.gather [hbm4b:s19+s24], $0x60, $0x38;
	[tilespmem:$0x1DB00] =	vst v63  }
0x6d: {  	s26 =	rddreg [dreg:$0xd]  }
0x6e: {  	[tilespmem:s8], [sflag:$0x6] =	stream.linear.gather [hbm4b:s26+s24], $0x3000, $0x38;
	[tilespmem:$0x1DB00] =	vst v63  }
.LBB2_4:
0x6f: {  	_ =	swait.ge [sflag:s9], $0x60  }
0x70: {  	[sflag:s9] =	ssyncset.done $0x0  }
0x71: {  	[sflag:s9] =	ssyncadd.s32 $0xFFFFFFA0  }
0x72: {  	_ =	swait.ge [sflag:s10], $0x3000  }
0x73: {  	[sflag:s10] =	ssyncset.done $0x0  }
0x74: {  	s25 =	simm.s32 $0x0;
	[sflag:s10] =	ssyncadd.s32 $0xFFFFD000  }
0x75: {  	v16 =	vld [tilespmem:s25+$0x3180]  }
0x76: {  	v21 =	vld [tilespmem:s25+$0x3190]  }
0x77: {  	v20 =	vld [tilespmem:s25+$0x31A0]  }
0x78: {  	v19 =	vld [tilespmem:s25+$0x31B0]  }
0x79: {  	v18 =	vld [tilespmem:s25+$0x31C0]  }
0x7a: {  	v17 =	vld [tilespmem:s25+$0x31D0];
	v22 =	vmul.f32 v16, v11  }
0x7b: {  	s26 =	simm.s32 $0x200;
	v21 =	vmul.f32 v21, v12;
	v16 =	vld [tilespmem:s25+$0x31E0]  }
.LBB2_5:
0x7c: {  	p0 =	sne.s32 s26, $0xBE00;
	v22 =	vadd.f32 v22, v15;
	v20 =	vmul.f32 v20, v9;
	v23 =	vld [tilespmem:s25+$0x31F0]  }
0x7d: {  	v21 =	vadd.f32 v21, v14;
	v19 =	vmul.f32 v19, v8  }
0x7e: {  	v22 =	vmax.f32 v22, $0.0e+00;
	v20 =	vadd.f32 v20, v13;
	v18 =	vmul.f32 v18, v6  }
0x7f: {  	s19 =	sshra.s32 s26, $0x2;
	[tilespmem:s25+$0x3180] =	vst v22;
	v21 =	vmax.f32 v21, $0.0e+00;
	v19 =	vadd.f32 v19, v10;
	v17 =	vmul.f32 v17, v4  }
0x80: {  	v22 =	vld [tilespmem:s19+$0x3180];
	[tilespmem:s25+$0x3190] =	vst v21;
	v20 =	vmax.f32 v20, $0.0e+00;
	v18 =	vadd.f32 v18, v7;
	v16 =	vmul.f32 v16, v1  }
0x81: {  	v21 =	vld [tilespmem:s19+$0x3190];
	[tilespmem:s25+$0x31A0] =	vst v20;
	v19 =	vmax.f32 v19, $0.0e+00;
	v17 =	vadd.f32 v17, v5;
	v23 =	vmul.f32 v23, v0  }
.Ltmp1:
0x82: {  	v20 =	vld [tilespmem:s19+$0x31A0];
	[tilespmem:s25+$0x31B0] =	vst v19;
	v18 =	vmax.f32 v18, $0.0e+00;
	v16 =	vadd.f32 v16, v3;
	(pc) =	sbr.rel @p0 .LBB2_5-.Ltmp1, $4  }
0x83: {  	v19 =	vld [tilespmem:s19+$0x31B0];
	[tilespmem:s25+$0x31C0] =	vst v18;
	v17 =	vmax.f32 v17, $0.0e+00;
	v23 =	vadd.f32 v23, v2  }
0x84: {  	v18 =	vld [tilespmem:s19+$0x31C0];
	[tilespmem:s25+$0x31D0] =	vst v17;
	v16 =	vmax.f32 v16, $0.0e+00  }
0x85: {  	v22 =	vmul.f32 v22, v11;
	v17 =	vld [tilespmem:s19+$0x31D0];
	[tilespmem:s25+$0x31E0] =	vst v16;
	v23 =	vmax.f32 v23, $0.0e+00  }
0x86: {  	s26 =	sadd.s32 $0x200, s26;
	v21 =	vmul.f32 v21, v12;
	v16 =	vld [tilespmem:s19+$0x31E0];
	[tilespmem:s25+$0x31F0] =	vst v23;
	s25 =	smov.u32 s19  }
0x87: {  	v22 =	vadd.f32 v22, v15;
	v20 =	vmul.f32 v20, v9;
	v23 =	vld [tilespmem:s25+$0x31F0]  }
0x88: {  	v21 =	vadd.f32 v21, v14;
	v19 =	vmul.f32 v19, v8  }
0x89: {  	v22 =	vmax.f32 v22, $0.0e+00;
	v20 =	vadd.f32 v20, v13;
	v18 =	vmul.f32 v18, v6  }
0x8a: {  	[tilespmem:s25+$0x3180] =	vst v22;
	v21 =	vmax.f32 v21, $0.0e+00;
	v19 =	vadd.f32 v19, v10;
	v17 =	vmul.f32 v17, v4  }
0x8b: {  	[tilespmem:s25+$0x3190] =	vst v21;
	v20 =	vmax.f32 v20, $0.0e+00;
	v18 =	vadd.f32 v18, v7;
	v16 =	vmul.f32 v16, v1  }
0x8c: {  	[tilespmem:s25+$0x31A0] =	vst v20;
	v19 =	vmax.f32 v19, $0.0e+00;
	v17 =	vadd.f32 v17, v5;
	v20 =	vmul.f32 v23, v0  }
0x8d: {  	[tilespmem:s25+$0x31B0] =	vst v19;
	v18 =	vmax.f32 v18, $0.0e+00;
	v16 =	vadd.f32 v16, v3  }
0x8e: {  	[tilespmem:s25+$0x31C0] =	vst v18;
	v17 =	vmax.f32 v17, $0.0e+00;
	v18 =	vadd.f32 v20, v2  }
0x8f: {  	[tilespmem:s25+$0x31D0] =	vst v17;
	v16 =	vmax.f32 v16, $0.0e+00  }
0x90: {  	[tilespmem:s25+$0x31E0] =	vst v16;
	v16 =	vmax.f32 v18, $0.0e+00  }
0x91: {  	[tilespmem:s25+$0x31F0] =	vst v16;
	s25 =	smul.u32 $0x120, s24  }
0x92: {  	[spmem:s4] =	stream.indirect.scatter.add.f32 [tilespmem:s2], [sflag:$0x8], $0x80, s0, s3, $0xb8;
	[tilespmem:$0x1DB00] =	vst v63  }
0x93: {  	_ =	swait.ge [sflag:s11], $0x3000;
	s19 =	sadd.s32 s25, s16  }
0x94: {  	s20 =	simm.s32 $0x0;
	[sflag:s11] =	ssyncset.done $0x0;
	s26 =	sshrl.u32 s19, $0x3  }
0x95: {  	s19 =	sshll.u32 s19, $0x4;
	[sflag:s11] =	ssyncadd.s32 $0xFFFFD000;
	s26 =	sadd.s32 s1, s26  }
0x96: {  	[tilespmem:s20], [sflag:$0x1] =	stream.linear.gather [hbm4b:s26+s20], $0x60, $0x38;
	[tilespmem:$0x1DB00] =	vst v63  }
0x97: {  	s19 =	sadd.s32 s6, s19  }
0x98: {  	[tilespmem:s31], [sflag:$0x4] =	stream.linear.gather [hbm4b:s19+s20], $0x3000, $0x38;
	[tilespmem:$0x1DB00] =	vst v63  }
0x99: {  	_ =	swait.ge [sflag:s12], $0x60  }
0x9a: {  	[sflag:s12] =	ssyncset.done $0x0  }
0x9b: {  	[sflag:s12] =	ssyncadd.s32 $0xFFFFFFA0  }
0x9c: {  	_ =	swait.ge [sflag:s13], $0x3000  }
0x9d: {  	[sflag:s13] =	ssyncset.done $0x0  }
0x9e: {  	s26 =	simm.s32 $0x0;
	[sflag:s13] =	ssyncadd.s32 $0xFFFFD000  }
0x9f: {  	v16 =	vld [tilespmem:s26+$0x6180]  }
0xa0: {  	v21 =	vld [tilespmem:s26+$0x6190]  }
0xa1: {  	v20 =	vld [tilespmem:s26+$0x61A0]  }
0xa2: {  	v19 =	vld [tilespmem:s26+$0x61B0]  }
0xa3: {  	v18 =	vld [tilespmem:s26+$0x61C0]  }
0xa4: {  	v17 =	vld [tilespmem:s26+$0x61D0];
	v22 =	vmul.f32 v16, v11  }
0xa5: {  	s19 =	simm.s32 $0x200;
	v21 =	vmul.f32 v21, v12;
	v16 =	vld [tilespmem:s26+$0x61E0]  }
.LBB2_7:
0xa6: {  	p0 =	sne.s32 s19, $0xBE00;
	v22 =	vadd.f32 v22, v15;
	v20 =	vmul.f32 v20, v9;
	v23 =	vld [tilespmem:s26+$0x61F0]  }
0xa7: {  	v21 =	vadd.f32 v21, v14;
	v19 =	vmul.f32 v19, v8  }
0xa8: {  	v22 =	vmax.f32 v22, $0.0e+00;
	v20 =	vadd.f32 v20, v13;
	v18 =	vmul.f32 v18, v6  }
0xa9: {  	s20 =	sshra.s32 s19, $0x2;
	[tilespmem:s26+$0x6180] =	vst v22;
	v21 =	vmax.f32 v21, $0.0e+00;
	v19 =	vadd.f32 v19, v10;
	v17 =	vmul.f32 v17, v4  }
0xaa: {  	v22 =	vld [tilespmem:s20+$0x6180];
	[tilespmem:s26+$0x6190] =	vst v21;
	v20 =	vmax.f32 v20, $0.0e+00;
	v18 =	vadd.f32 v18, v7;
	v16 =	vmul.f32 v16, v1  }
0xab: {  	v21 =	vld [tilespmem:s20+$0x6190];
	[tilespmem:s26+$0x61A0] =	vst v20;
	v19 =	vmax.f32 v19, $0.0e+00;
	v17 =	vadd.f32 v17, v5;
	v23 =	vmul.f32 v23, v0  }
.Ltmp2:
0xac: {  	v20 =	vld [tilespmem:s20+$0x61A0];
	[tilespmem:s26+$0x61B0] =	vst v19;
	v18 =	vmax.f32 v18, $0.0e+00;
	v16 =	vadd.f32 v16, v3;
	(pc) =	sbr.rel @p0 .LBB2_7-.Ltmp2, $4  }
0xad: {  	v19 =	vld [tilespmem:s20+$0x61B0];
	[tilespmem:s26+$0x61C0] =	vst v18;
	v17 =	vmax.f32 v17, $0.0e+00;
	v23 =	vadd.f32 v23, v2  }
0xae: {  	v18 =	vld [tilespmem:s20+$0x61C0];
	[tilespmem:s26+$0x61D0] =	vst v17;
	v16 =	vmax.f32 v16, $0.0e+00  }
0xaf: {  	v22 =	vmul.f32 v22, v11;
	v17 =	vld [tilespmem:s20+$0x61D0];
	[tilespmem:s26+$0x61E0] =	vst v16;
	v23 =	vmax.f32 v23, $0.0e+00  }
0xb0: {  	s19 =	sadd.s32 $0x200, s19;
	v21 =	vmul.f32 v21, v12;
	v16 =	vld [tilespmem:s20+$0x61E0];
	[tilespmem:s26+$0x61F0] =	vst v23;
	s26 =	smov.u32 s20  }
0xb1: {  	v22 =	vadd.f32 v22, v15;
	v20 =	vmul.f32 v20, v9;
	v23 =	vld [tilespmem:s26+$0x61F0]  }
0xb2: {  	v21 =	vadd.f32 v21, v14;
	v19 =	vmul.f32 v19, v8  }
0xb3: {  	v22 =	vmax.f32 v22, $0.0e+00;
	v20 =	vadd.f32 v20, v13;
	v18 =	vmul.f32 v18, v6  }
0xb4: {  	[tilespmem:s26+$0x6180] =	vst v22;
	v21 =	vmax.f32 v21, $0.0e+00;
	v19 =	vadd.f32 v19, v10;
	v17 =	vmul.f32 v17, v4  }
0xb5: {  	[tilespmem:s26+$0x6190] =	vst v21;
	v20 =	vmax.f32 v20, $0.0e+00;
	v18 =	vadd.f32 v18, v7;
	v16 =	vmul.f32 v16, v1  }
0xb6: {  	[tilespmem:s26+$0x61A0] =	vst v20;
	v19 =	vmax.f32 v19, $0.0e+00;
	v17 =	vadd.f32 v17, v5;
	v20 =	vmul.f32 v23, v0  }
0xb7: {  	[tilespmem:s26+$0x61B0] =	vst v19;
	v18 =	vmax.f32 v18, $0.0e+00;
	v16 =	vadd.f32 v16, v3  }
0xb8: {  	[tilespmem:s26+$0x61C0] =	vst v18;
	v17 =	vmax.f32 v17, $0.0e+00;
	v18 =	vadd.f32 v20, v2  }
0xb9: {  	[tilespmem:s26+$0x61D0] =	vst v17;
	v16 =	vmax.f32 v16, $0.0e+00  }
0xba: {  	[tilespmem:s26+$0x61E0] =	vst v16;
	v16 =	vmax.f32 v18, $0.0e+00  }
0xbb: {  	[tilespmem:s26+$0x61F0] =	vst v16  }
0xbc: {  	[spmem:s4] =	stream.indirect.scatter.add.f32 [tilespmem:s8], [sflag:$0x9], $0x80, s7, s3, $0xb8;
	[tilespmem:$0x1DB00] =	vst v63  }
0xbd: {  	s19 =	sadd.s32 s25, s17;
	_ =	swait.ge [sflag:s14], $0x3000  }
0xbe: {  	s20 =	sshrl.u32 s19, $0x3;
	s19 =	sshll.u32 s19, $0x4;
	[sflag:s14] =	ssyncset.done $0x0  }
0xbf: {  	s20 =	sadd.s32 s1, s20;
	s26 =	simm.s32 $0x0;
	[sflag:s14] =	ssyncadd.s32 $0xFFFFD000  }
0xc0: {  	[tilespmem:s0], [sflag:$0x2] =	stream.linear.gather [hbm4b:s20+s26], $0x60, $0x38;
	[tilespmem:$0x1DB00] =	vst v63  }
0xc1: {  	s19 =	sadd.s32 s6, s19  }
0xc2: {  	[tilespmem:s2], [sflag:$0x5] =	stream.linear.gather [hbm4b:s19+s26], $0x3000, $0x38;
	[tilespmem:$0x1DB00] =	vst v63  }
0xc3: {  	_ =	swait.ge [sflag:s28], $0x60  }
0xc4: {  	[sflag:s28] =	ssyncset.done $0x0  }
0xc5: {  	[sflag:s28] =	ssyncadd.s32 $0xFFFFFFA0  }
0xc6: {  	_ =	swait.ge [sflag:s30], $0x3000  }
0xc7: {  	[sflag:s30] =	ssyncset.done $0x0  }
0xc8: {  	s26 =	simm.s32 $0x0;
	[sflag:s30] =	ssyncadd.s32 $0xFFFFD000  }
0xc9: {  	v16 =	vld [tilespmem:s26+$0x180]  }
0xca: {  	v21 =	vld [tilespmem:s26+$0x190]  }
0xcb: {  	v20 =	vld [tilespmem:s26+$0x1A0]  }
0xcc: {  	v19 =	vld [tilespmem:s26+$0x1B0]  }
0xcd: {  	v18 =	vld [tilespmem:s26+$0x1C0]  }
0xce: {  	v17 =	vld [tilespmem:s26+$0x1D0];
	v22 =	vmul.f32 v16, v11  }
0xcf: {  	s19 =	simm.s32 $0x200;
	v21 =	vmul.f32 v21, v12;
	v16 =	vld [tilespmem:s26+$0x1E0]  }
.LBB2_9:
0xd0: {  	p0 =	sne.s32 s19, $0xBE00;
	v22 =	vadd.f32 v22, v15;
	v20 =	vmul.f32 v20, v9;
	v23 =	vld [tilespmem:s26+$0x1F0]  }
0xd1: {  	v21 =	vadd.f32 v21, v14;
	v19 =	vmul.f32 v19, v8  }
0xd2: {  	v22 =	vmax.f32 v22, $0.0e+00;
	v20 =	vadd.f32 v20, v13;
	v18 =	vmul.f32 v18, v6  }
0xd3: {  	s20 =	sshra.s32 s19, $0x2;
	[tilespmem:s26+$0x180] =	vst v22;
	v21 =	vmax.f32 v21, $0.0e+00;
	v19 =	vadd.f32 v19, v10;
	v17 =	vmul.f32 v17, v4  }
0xd4: {  	v22 =	vld [tilespmem:s20+$0x180];
	[tilespmem:s26+$0x190] =	vst v21;
	v20 =	vmax.f32 v20, $0.0e+00;
	v18 =	vadd.f32 v18, v7;
	v16 =	vmul.f32 v16, v1  }
0xd5: {  	v21 =	vld [tilespmem:s20+$0x190];
	[tilespmem:s26+$0x1A0] =	vst v20;
	v19 =	vmax.f32 v19, $0.0e+00;
	v17 =	vadd.f32 v17, v5;
	v23 =	vmul.f32 v23, v0  }
.Ltmp3:
0xd6: {  	v20 =	vld [tilespmem:s20+$0x1A0];
	[tilespmem:s26+$0x1B0] =	vst v19;
	v18 =	vmax.f32 v18, $0.0e+00;
	v16 =	vadd.f32 v16, v3;
	(pc) =	sbr.rel @p0 .LBB2_9-.Ltmp3, $4  }
0xd7: {  	v19 =	vld [tilespmem:s20+$0x1B0];
	[tilespmem:s26+$0x1C0] =	vst v18;
	v17 =	vmax.f32 v17, $0.0e+00;
	v23 =	vadd.f32 v23, v2  }
0xd8: {  	v18 =	vld [tilespmem:s20+$0x1C0];
	[tilespmem:s26+$0x1D0] =	vst v17;
	v16 =	vmax.f32 v16, $0.0e+00  }
0xd9: {  	v22 =	vmul.f32 v22, v11;
	v17 =	vld [tilespmem:s20+$0x1D0];
	[tilespmem:s26+$0x1E0] =	vst v16;
	v23 =	vmax.f32 v23, $0.0e+00  }
0xda: {  	s19 =	sadd.s32 $0x200, s19;
	v21 =	vmul.f32 v21, v12;
	v16 =	vld [tilespmem:s20+$0x1E0];
	[tilespmem:s26+$0x1F0] =	vst v23;
	s26 =	smov.u32 s20  }
0xdb: {  	v22 =	vadd.f32 v22, v15;
	v20 =	vmul.f32 v20, v9;
	v23 =	vld [tilespmem:s26+$0x1F0]  }
0xdc: {  	v21 =	vadd.f32 v21, v14;
	v19 =	vmul.f32 v19, v8  }
0xdd: {  	v22 =	vmax.f32 v22, $0.0e+00;
	v20 =	vadd.f32 v20, v13;
	v18 =	vmul.f32 v18, v6  }
0xde: {  	[tilespmem:s26+$0x180] =	vst v22;
	v21 =	vmax.f32 v21, $0.0e+00;
	v19 =	vadd.f32 v19, v10;
	v17 =	vmul.f32 v17, v4  }
0xdf: {  	[tilespmem:s26+$0x190] =	vst v21;
	v20 =	vmax.f32 v20, $0.0e+00;
	v18 =	vadd.f32 v18, v7;
	v16 =	vmul.f32 v16, v1  }
0xe0: {  	[tilespmem:s26+$0x1A0] =	vst v20;
	v19 =	vmax.f32 v19, $0.0e+00;
	v17 =	vadd.f32 v17, v5;
	v62 =	vmul.f32 v23, v0  }
0xe1: {  	[tilespmem:s26+$0x1B0] =	vst v19;
	v18 =	vmax.f32 v18, $0.0e+00;
	v16 =	vadd.f32 v16, v3  }
0xe2: {  	[tilespmem:s26+$0x1C0] =	vst v18;
	v17 =	vmax.f32 v17, $0.0e+00;
	v63 =	vadd.f32 v62, v2  }
0xe3: {  	[tilespmem:s26+$0x1D0] =	vst v17;
	v16 =	vmax.f32 v16, $0.0e+00  }
0xe4: {  	[tilespmem:s26+$0x1E0] =	vst v16;
	v16 =	vmax.f32 v63, $0.0e+00  }
0xe5: {  	s24 =	sadd.s32 $0x1, s24;
	[tilespmem:s26+$0x1F0] =	vst v16  }
0xe6: {  	[spmem:s4] =	stream.indirect.scatter.add.f32 [tilespmem:s31], [sflag:$0x7], $0x80, s5, s3, $0xb8;
	[tilespmem:$0x1DB00] =	vst v63  }
0xe7: {  	s19 =	sadd.s32 s25, s18;
	p0 =	sne.s32 s24, $0x21;
	_ =	swait.ge [sflag:s15], $0x3000  }
.Ltmp4:
0xe8: {  	s20 =	sshrl.u32 s19, $0x3;
	[sflag:s15] =	ssyncset.done $0x0;
	(pc) =	sbr.rel @p0 .LBB2_4-.Ltmp4, $4  }
0xe9: {  	s19 =	sshll.u32 s19, $0x4;
	s20 =	sadd.s32 s1, s20;
	[sflag:s15] =	ssyncadd.s32 $0xFFFFD000  }
0xea: {  	[tilespmem:s7], [sflag:$0x3] =	stream.linear.gather [hbm4b:s20+s5], $0x60, $0x38;
	[tilespmem:$0x1DB00] =	vst v63  }
0xeb: {  	s19 =	sadd.s32 s6, s19  }
0xec: {  	[tilespmem:s8], [sflag:$0x6] =	stream.linear.gather [hbm4b:s19+s5], $0x3000, $0x38;
	[tilespmem:$0x1DB00] =	vst v63  }
0xed: {  	_ =	swait.ge [sflag:s9], $0x60  }
0xee: {  	[sflag:s9] =	ssyncset.done $0x0  }
0xef: {  	[sflag:s9] =	ssyncadd.s32 $0xFFFFFFA0  }
0xf0: {  	_ =	swait.ge [sflag:s10], $0x3000  }
0xf1: {  	[sflag:s10] =	ssyncset.done $0x0  }
0xf2: {  	s24 =	simm.s32 $0x0;
	[sflag:s10] =	ssyncadd.s32 $0xFFFFD000  }
0xf3: {  	v16 =	vld [tilespmem:s24+$0x3180]  }
0xf4: {  	v21 =	vld [tilespmem:s24+$0x3190]  }
0xf5: {  	v20 =	vld [tilespmem:s24+$0x31A0]  }
0xf6: {  	v19 =	vld [tilespmem:s24+$0x31B0]  }
0xf7: {  	v18 =	vld [tilespmem:s24+$0x31C0]  }
0xf8: {  	v17 =	vld [tilespmem:s24+$0x31D0];
	v22 =	vmul.f32 v16, v11  }
0xf9: {  	s19 =	simm.s32 $0x200;
	v21 =	vmul.f32 v21, v12;
	v16 =	vld [tilespmem:s24+$0x31E0]  }
.LBB2_12:
0xfa: {  	p0 =	sne.s32 s19, $0xBE00;
	v22 =	vadd.f32 v22, v15;
	v20 =	vmul.f32 v20, v9;
	v23 =	vld [tilespmem:s24+$0x31F0]  }
0xfb: {  	v21 =	vadd.f32 v21, v14;
	v19 =	vmul.f32 v19, v8  }
0xfc: {  	v22 =	vmax.f32 v22, $0.0e+00;
	v20 =	vadd.f32 v20, v13;
	v18 =	vmul.f32 v18, v6  }
0xfd: {  	s20 =	sshra.s32 s19, $0x2;
	[tilespmem:s24+$0x3180] =	vst v22;
	v21 =	vmax.f32 v21, $0.0e+00;
	v19 =	vadd.f32 v19, v10;
	v17 =	vmul.f32 v17, v4  }
0xfe: {  	v22 =	vld [tilespmem:s20+$0x3180];
	[tilespmem:s24+$0x3190] =	vst v21;
	v20 =	vmax.f32 v20, $0.0e+00;
	v18 =	vadd.f32 v18, v7;
	v16 =	vmul.f32 v16, v1  }
0xff: {  	v21 =	vld [tilespmem:s20+$0x3190];
	[tilespmem:s24+$0x31A0] =	vst v20;
	v19 =	vmax.f32 v19, $0.0e+00;
	v17 =	vadd.f32 v17, v5;
	v23 =	vmul.f32 v23, v0  }
.Ltmp5:
0x100: {  	v20 =	vld [tilespmem:s20+$0x31A0];
	[tilespmem:s24+$0x31B0] =	vst v19;
	v18 =	vmax.f32 v18, $0.0e+00;
	v16 =	vadd.f32 v16, v3;
	(pc) =	sbr.rel @p0 .LBB2_12-.Ltmp5, $4  }
0x101: {  	v19 =	vld [tilespmem:s20+$0x31B0];
	[tilespmem:s24+$0x31C0] =	vst v18;
	v17 =	vmax.f32 v17, $0.0e+00;
	v23 =	vadd.f32 v23, v2  }
0x102: {  	v18 =	vld [tilespmem:s20+$0x31C0];
	[tilespmem:s24+$0x31D0] =	vst v17;
	v16 =	vmax.f32 v16, $0.0e+00  }
0x103: {  	v22 =	vmul.f32 v22, v11;
	v17 =	vld [tilespmem:s20+$0x31D0];
	[tilespmem:s24+$0x31E0] =	vst v16;
	v23 =	vmax.f32 v23, $0.0e+00  }
0x104: {  	s19 =	sadd.s32 $0x200, s19;
	v21 =	vmul.f32 v21, v12;
	v16 =	vld [tilespmem:s20+$0x31E0];
	[tilespmem:s24+$0x31F0] =	vst v23;
	s24 =	smov.u32 s20  }
0x105: {  	v22 =	vadd.f32 v22, v15;
	v20 =	vmul.f32 v20, v9;
	v23 =	vld [tilespmem:s24+$0x31F0]  }
0x106: {  	v21 =	vadd.f32 v21, v14;
	v19 =	vmul.f32 v19, v8  }
0x107: {  	v22 =	vmax.f32 v22, $0.0e+00;
	v20 =	vadd.f32 v20, v13;
	v18 =	vmul.f32 v18, v6  }
0x108: {  	[tilespmem:s24+$0x3180] =	vst v22;
	v21 =	vmax.f32 v21, $0.0e+00;
	v19 =	vadd.f32 v19, v10;
	v17 =	vmul.f32 v17, v4  }
0x109: {  	[tilespmem:s24+$0x3190] =	vst v21;
	v20 =	vmax.f32 v20, $0.0e+00;
	v18 =	vadd.f32 v18, v7;
	v16 =	vmul.f32 v16, v1  }
0x10a: {  	[tilespmem:s24+$0x31A0] =	vst v20;
	v19 =	vmax.f32 v19, $0.0e+00;
	v17 =	vadd.f32 v17, v5;
	v20 =	vmul.f32 v23, v0  }
0x10b: {  	[tilespmem:s24+$0x31B0] =	vst v19;
	v18 =	vmax.f32 v18, $0.0e+00;
	v16 =	vadd.f32 v16, v3  }
0x10c: {  	[tilespmem:s24+$0x31C0] =	vst v18;
	v17 =	vmax.f32 v17, $0.0e+00;
	v18 =	vadd.f32 v20, v2  }
0x10d: {  	[tilespmem:s24+$0x31D0] =	vst v17;
	v16 =	vmax.f32 v16, $0.0e+00  }
0x10e: {  	[tilespmem:s24+$0x31E0] =	vst v16;
	v16 =	vmax.f32 v18, $0.0e+00  }
0x10f: {  	[tilespmem:s24+$0x31F0] =	vst v16  }
0x110: {  	[spmem:s4] =	stream.indirect.scatter.add.f32 [tilespmem:s2], [sflag:$0x8], $0x80, s0, s3, $0xb8;
	[tilespmem:$0x1DB00] =	vst v63  }
0x111: {  	_ =	swait.ge [sflag:s11], $0x3000  }
0x112: {  	[sflag:s11] =	ssyncset.done $0x0  }
0x113: {  	s19 =	simm.s32 $0x0;
	s20 =	rddreg [dreg:$0xe];
	[sflag:s11] =	ssyncadd.s32 $0xFFFFD000  }
0x114: {  	[tilespmem:s19], [sflag:$0x1] =	stream.linear.gather [hbm4b:s20+s19], $0x60, $0x38;
	[tilespmem:$0x1DB00] =	vst v63  }
0x115: {  	s26 =	rddreg [dreg:$0xf]  }
0x116: {  	[tilespmem:s31], [sflag:$0x4] =	stream.linear.gather [hbm4b:s26+s19], $0x3000, $0x38;
	[tilespmem:$0x1DB00] =	vst v63  }
0x117: {  	_ =	swait.ge [sflag:s12], $0x60  }
0x118: {  	[sflag:s12] =	ssyncset.done $0x0  }
0x119: {  	[sflag:s12] =	ssyncadd.s32 $0xFFFFFFA0  }
0x11a: {  	_ =	swait.ge [sflag:s13], $0x3000  }
0x11b: {  	[sflag:s13] =	ssyncset.done $0x0  }
0x11c: {  	s24 =	simm.s32 $0x0;
	[sflag:s13] =	ssyncadd.s32 $0xFFFFD000  }
0x11d: {  	v16 =	vld [tilespmem:s24+$0x6180]  }
0x11e: {  	v21 =	vld [tilespmem:s24+$0x6190]  }
0x11f: {  	v20 =	vld [tilespmem:s24+$0x61A0]  }
0x120: {  	v19 =	vld [tilespmem:s24+$0x61B0]  }
0x121: {  	v18 =	vld [tilespmem:s24+$0x61C0]  }
0x122: {  	v17 =	vld [tilespmem:s24+$0x61D0];
	v22 =	vmul.f32 v16, v11  }
0x123: {  	s25 =	simm.s32 $0x9180;
	s19 =	simm.s32 $0x200;
	s26 =	simm.s32 $0x9200;
	v21 =	vmul.f32 v21, v12;
	v16 =	vld [tilespmem:s24+$0x61E0]  }
.LBB2_14:
0x124: {  	p0 =	sne.s32 s19, $0xBE00;
	v22 =	vadd.f32 v22, v15;
	v20 =	vmul.f32 v20, v9;
	v23 =	vld [tilespmem:s24+$0x61F0]  }
0x125: {  	v21 =	vadd.f32 v21, v14;
	v19 =	vmul.f32 v19, v8  }
0x126: {  	v22 =	vmax.f32 v22, $0.0e+00;
	v20 =	vadd.f32 v20, v13;
	v18 =	vmul.f32 v18, v6  }
0x127: {  	s20 =	sshra.s32 s19, $0x2;
	[tilespmem:s24+$0x6180] =	vst v22;
	v21 =	vmax.f32 v21, $0.0e+00;
	v19 =	vadd.f32 v19, v10;
	v17 =	vmul.f32 v17, v4  }
0x128: {  	v22 =	vld [tilespmem:s20+$0x6180];
	[tilespmem:s24+$0x6190] =	vst v21;
	v20 =	vmax.f32 v20, $0.0e+00;
	v18 =	vadd.f32 v18, v7;
	v16 =	vmul.f32 v16, v1  }
0x129: {  	v21 =	vld [tilespmem:s20+$0x6190];
	[tilespmem:s24+$0x61A0] =	vst v20;
	v19 =	vmax.f32 v19, $0.0e+00;
	v17 =	vadd.f32 v17, v5;
	v23 =	vmul.f32 v23, v0  }
.Ltmp6:
0x12a: {  	v20 =	vld [tilespmem:s20+$0x61A0];
	[tilespmem:s24+$0x61B0] =	vst v19;
	v18 =	vmax.f32 v18, $0.0e+00;
	v16 =	vadd.f32 v16, v3;
	(pc) =	sbr.rel @p0 .LBB2_14-.Ltmp6, $4  }
0x12b: {  	v19 =	vld [tilespmem:s20+$0x61B0];
	[tilespmem:s24+$0x61C0] =	vst v18;
	v17 =	vmax.f32 v17, $0.0e+00;
	v23 =	vadd.f32 v23, v2  }
0x12c: {  	v18 =	vld [tilespmem:s20+$0x61C0];
	[tilespmem:s24+$0x61D0] =	vst v17;
	v16 =	vmax.f32 v16, $0.0e+00  }
0x12d: {  	v22 =	vmul.f32 v22, v11;
	v17 =	vld [tilespmem:s20+$0x61D0];
	[tilespmem:s24+$0x61E0] =	vst v16;
	v23 =	vmax.f32 v23, $0.0e+00  }
0x12e: {  	s19 =	sadd.s32 $0x200, s19;
	v21 =	vmul.f32 v21, v12;
	v16 =	vld [tilespmem:s20+$0x61E0];
	[tilespmem:s24+$0x61F0] =	vst v23;
	s24 =	smov.u32 s20  }
0x12f: {  	v22 =	vadd.f32 v22, v15;
	v20 =	vmul.f32 v20, v9;
	v23 =	vld [tilespmem:s24+$0x61F0]  }
0x130: {  	v21 =	vadd.f32 v21, v14;
	v19 =	vmul.f32 v19, v8  }
0x131: {  	v22 =	vmax.f32 v22, $0.0e+00;
	v20 =	vadd.f32 v20, v13;
	v18 =	vmul.f32 v18, v6  }
0x132: {  	[tilespmem:s24+$0x6180] =	vst v22;
	v21 =	vmax.f32 v21, $0.0e+00;
	v19 =	vadd.f32 v19, v10;
	v17 =	vmul.f32 v17, v4  }
0x133: {  	[tilespmem:s24+$0x6190] =	vst v21;
	v20 =	vmax.f32 v20, $0.0e+00;
	v18 =	vadd.f32 v18, v7;
	v16 =	vmul.f32 v16, v1  }
0x134: {  	[tilespmem:s24+$0x61A0] =	vst v20;
	v19 =	vmax.f32 v19, $0.0e+00;
	v17 =	vadd.f32 v17, v5;
	v20 =	vmul.f32 v23, v0  }
0x135: {  	[tilespmem:s24+$0x61B0] =	vst v19;
	v18 =	vmax.f32 v18, $0.0e+00;
	v16 =	vadd.f32 v16, v3  }
0x136: {  	[tilespmem:s24+$0x61C0] =	vst v18;
	v17 =	vmax.f32 v17, $0.0e+00;
	v18 =	vadd.f32 v20, v2  }
0x137: {  	[tilespmem:s24+$0x61D0] =	vst v17;
	v16 =	vmax.f32 v16, $0.0e+00  }
0x138: {  	[tilespmem:s24+$0x61E0] =	vst v16;
	v16 =	vmax.f32 v18, $0.0e+00  }
0x139: {  	[tilespmem:s24+$0x61F0] =	vst v16  }
0x13a: {  	[spmem:s4] =	stream.indirect.scatter.add.f32 [tilespmem:s8], [sflag:$0x9], $0x80, s7, s3, $0xb8;
	[tilespmem:$0x1DB00] =	vst v63  }
0x13b: {  	_ =	swait.ge [sflag:s14], $0x3000  }
0x13c: {  	[sflag:s14] =	ssyncset.done $0x0  }
0x13d: {  	s19 =	simm.s32 $0x0;
	s20 =	rddreg [dreg:$0x10];
	[sflag:s14] =	ssyncadd.s32 $0xFFFFD000  }
0x13e: {  	[tilespmem:s0], [sflag:$0x2] =	stream.linear.gather [hbm4b:s20+s19], $0x60, $0x38;
	[tilespmem:$0x1DB00] =	vst v63  }
0x13f: {  	s24 =	rddreg [dreg:$0x11]  }
0x140: {  	[tilespmem:s2], [sflag:$0x5] =	stream.linear.gather [hbm4b:s24+s19], $0x3000, $0x38;
	[tilespmem:$0x1DB00] =	vst v63  }
0x141: {  	_ =	swait.ge [sflag:s28], $0x60  }
0x142: {  	[sflag:s28] =	ssyncset.done $0x0  }
0x143: {  	[sflag:s28] =	ssyncadd.s32 $0xFFFFFFA0  }
0x144: {  	_ =	swait.ge [sflag:s30], $0x3000  }
0x145: {  	[sflag:s30] =	ssyncset.done $0x0  }
0x146: {  	s24 =	simm.s32 $0x0;
	[sflag:s30] =	ssyncadd.s32 $0xFFFFD000  }
0x147: {  	v16 =	vld [tilespmem:s24+$0x180]  }
0x148: {  	v21 =	vld [tilespmem:s24+$0x190]  }
0x149: {  	v20 =	vld [tilespmem:s24+$0x1A0]  }
0x14a: {  	v19 =	vld [tilespmem:s24+$0x1B0]  }
0x14b: {  	v18 =	vld [tilespmem:s24+$0x1C0]  }
0x14c: {  	v17 =	vld [tilespmem:s24+$0x1D0];
	v22 =	vmul.f32 v16, v11  }
0x14d: {  	s19 =	simm.s32 $0x200;
	v21 =	vmul.f32 v21, v12;
	v16 =	vld [tilespmem:s24+$0x1E0]  }
.LBB2_16:
0x14e: {  	p0 =	sne.s32 s19, $0xBE00;
	v22 =	vadd.f32 v22, v15;
	v20 =	vmul.f32 v20, v9;
	v23 =	vld [tilespmem:s24+$0x1F0]  }
0x14f: {  	v21 =	vadd.f32 v21, v14;
	v19 =	vmul.f32 v19, v8  }
0x150: {  	v22 =	vmax.f32 v22, $0.0e+00;
	v20 =	vadd.f32 v20, v13;
	v18 =	vmul.f32 v18, v6  }
0x151: {  	s20 =	sshra.s32 s19, $0x2;
	[tilespmem:s24+$0x180] =	vst v22;
	v21 =	vmax.f32 v21, $0.0e+00;
	v19 =	vadd.f32 v19, v10;
	v17 =	vmul.f32 v17, v4  }
0x152: {  	v22 =	vld [tilespmem:s20+$0x180];
	[tilespmem:s24+$0x190] =	vst v21;
	v20 =	vmax.f32 v20, $0.0e+00;
	v18 =	vadd.f32 v18, v7;
	v16 =	vmul.f32 v16, v1  }
0x153: {  	v21 =	vld [tilespmem:s20+$0x190];
	[tilespmem:s24+$0x1A0] =	vst v20;
	v19 =	vmax.f32 v19, $0.0e+00;
	v17 =	vadd.f32 v17, v5;
	v23 =	vmul.f32 v23, v0  }
.Ltmp7:
0x154: {  	v20 =	vld [tilespmem:s20+$0x1A0];
	[tilespmem:s24+$0x1B0] =	vst v19;
	v18 =	vmax.f32 v18, $0.0e+00;
	v16 =	vadd.f32 v16, v3;
	(pc) =	sbr.rel @p0 .LBB2_16-.Ltmp7, $4  }
0x155: {  	v19 =	vld [tilespmem:s20+$0x1B0];
	[tilespmem:s24+$0x1C0] =	vst v18;
	v17 =	vmax.f32 v17, $0.0e+00;
	v23 =	vadd.f32 v23, v2  }
0x156: {  	v18 =	vld [tilespmem:s20+$0x1C0];
	[tilespmem:s24+$0x1D0] =	vst v17;
	v16 =	vmax.f32 v16, $0.0e+00  }
0x157: {  	v22 =	vmul.f32 v22, v11;
	v17 =	vld [tilespmem:s20+$0x1D0];
	[tilespmem:s24+$0x1E0] =	vst v16;
	v23 =	vmax.f32 v23, $0.0e+00  }
0x158: {  	s19 =	sadd.s32 $0x200, s19;
	v21 =	vmul.f32 v21, v12;
	v16 =	vld [tilespmem:s20+$0x1E0];
	[tilespmem:s24+$0x1F0] =	vst v23;
	s24 =	smov.u32 s20  }
0x159: {  	v22 =	vadd.f32 v22, v15;
	v20 =	vmul.f32 v20, v9;
	v23 =	vld [tilespmem:s24+$0x1F0]  }
0x15a: {  	v21 =	vadd.f32 v21, v14;
	v19 =	vmul.f32 v19, v8  }
0x15b: {  	v22 =	vmax.f32 v22, $0.0e+00;
	v20 =	vadd.f32 v20, v13;
	v18 =	vmul.f32 v18, v6  }
0x15c: {  	[tilespmem:s24+$0x180] =	vst v22;
	v21 =	vmax.f32 v21, $0.0e+00;
	v19 =	vadd.f32 v19, v10;
	v17 =	vmul.f32 v17, v4  }
0x15d: {  	[tilespmem:s24+$0x190] =	vst v21;
	v20 =	vmax.f32 v20, $0.0e+00;
	v18 =	vadd.f32 v18, v7;
	v16 =	vmul.f32 v16, v1  }
0x15e: {  	[tilespmem:s24+$0x1A0] =	vst v20;
	v19 =	vmax.f32 v19, $0.0e+00;
	v17 =	vadd.f32 v17, v5;
	v20 =	vmul.f32 v23, v0  }
0x15f: {  	[tilespmem:s24+$0x1B0] =	vst v19;
	v18 =	vmax.f32 v18, $0.0e+00;
	v16 =	vadd.f32 v16, v3  }
0x160: {  	[tilespmem:s24+$0x1C0] =	vst v18;
	v17 =	vmax.f32 v17, $0.0e+00;
	v18 =	vadd.f32 v20, v2  }
0x161: {  	[tilespmem:s24+$0x1D0] =	vst v17;
	v16 =	vmax.f32 v16, $0.0e+00  }
0x162: {  	[tilespmem:s24+$0x1E0] =	vst v16;
	v16 =	vmax.f32 v18, $0.0e+00  }
0x163: {  	s19 =	simm.s32 $0x0;
	[tilespmem:s24+$0x1F0] =	vst v16  }
0x164: {  	[spmem:s4] =	stream.indirect.scatter.add.f32 [tilespmem:s31], [sflag:$0x7], $0x80, s19, s3, $0xb8;
	[tilespmem:$0x1DB00] =	vst v63  }
0x165: {  	_ =	swait.ge [sflag:s9], $0x60  }
0x166: {  	[sflag:s9] =	ssyncset.done $0x0  }
0x167: {  	[sflag:s9] =	ssyncadd.s32 $0xFFFFFFA0  }
0x168: {  	_ =	swait.ge [sflag:s10], $0x3000  }
0x169: {  	[sflag:s10] =	ssyncset.done $0x0  }
0x16a: {  	s24 =	simm.s32 $0x0;
	[sflag:s10] =	ssyncadd.s32 $0xFFFFD000  }
0x16b: {  	v16 =	vld [tilespmem:s24+$0x3180]  }
0x16c: {  	v21 =	vld [tilespmem:s24+$0x3190]  }
0x16d: {  	v20 =	vld [tilespmem:s24+$0x31A0]  }
0x16e: {  	v19 =	vld [tilespmem:s24+$0x31B0]  }
0x16f: {  	v18 =	vld [tilespmem:s24+$0x31C0]  }
0x170: {  	v17 =	vld [tilespmem:s24+$0x31D0];
	v22 =	vmul.f32 v16, v11  }
0x171: {  	s19 =	simm.s32 $0x200;
	v21 =	vmul.f32 v21, v12;
	v16 =	vld [tilespmem:s24+$0x31E0]  }
.LBB2_18:
0x172: {  	p0 =	sne.s32 s19, $0xBE00;
	v22 =	vadd.f32 v22, v15;
	v20 =	vmul.f32 v20, v9;
	v23 =	vld [tilespmem:s24+$0x31F0]  }
0x173: {  	v21 =	vadd.f32 v21, v14;
	v19 =	vmul.f32 v19, v8  }
0x174: {  	v22 =	vmax.f32 v22, $0.0e+00;
	v20 =	vadd.f32 v20, v13;
	v18 =	vmul.f32 v18, v6  }
0x175: {  	s20 =	sshra.s32 s19, $0x2;
	[tilespmem:s24+$0x3180] =	vst v22;
	v21 =	vmax.f32 v21, $0.0e+00;
	v19 =	vadd.f32 v19, v10;
	v17 =	vmul.f32 v17, v4  }
0x176: {  	v22 =	vld [tilespmem:s20+$0x3180];
	[tilespmem:s24+$0x3190] =	vst v21;
	v20 =	vmax.f32 v20, $0.0e+00;
	v18 =	vadd.f32 v18, v7;
	v16 =	vmul.f32 v16, v1  }
0x177: {  	v21 =	vld [tilespmem:s20+$0x3190];
	[tilespmem:s24+$0x31A0] =	vst v20;
	v19 =	vmax.f32 v19, $0.0e+00;
	v17 =	vadd.f32 v17, v5;
	v23 =	vmul.f32 v23, v0  }
.Ltmp8:
0x178: {  	v20 =	vld [tilespmem:s20+$0x31A0];
	[tilespmem:s24+$0x31B0] =	vst v19;
	v18 =	vmax.f32 v18, $0.0e+00;
	v16 =	vadd.f32 v16, v3;
	(pc) =	sbr.rel @p0 .LBB2_18-.Ltmp8, $4  }
0x179: {  	v19 =	vld [tilespmem:s20+$0x31B0];
	[tilespmem:s24+$0x31C0] =	vst v18;
	v17 =	vmax.f32 v17, $0.0e+00;
	v23 =	vadd.f32 v23, v2  }
0x17a: {  	v18 =	vld [tilespmem:s20+$0x31C0];
	[tilespmem:s24+$0x31D0] =	vst v17;
	v16 =	vmax.f32 v16, $0.0e+00  }
0x17b: {  	v22 =	vmul.f32 v22, v11;
	v17 =	vld [tilespmem:s20+$0x31D0];
	[tilespmem:s24+$0x31E0] =	vst v16;
	v23 =	vmax.f32 v23, $0.0e+00  }
0x17c: {  	s19 =	sadd.s32 $0x200, s19;
	v21 =	vmul.f32 v21, v12;
	v16 =	vld [tilespmem:s20+$0x31E0];
	[tilespmem:s24+$0x31F0] =	vst v23;
	s24 =	smov.u32 s20  }
0x17d: {  	v22 =	vadd.f32 v22, v15;
	v20 =	vmul.f32 v20, v9;
	v23 =	vld [tilespmem:s24+$0x31F0]  }
0x17e: {  	v21 =	vadd.f32 v21, v14;
	v19 =	vmul.f32 v19, v8  }
0x17f: {  	v22 =	vmax.f32 v22, $0.0e+00;
	v20 =	vadd.f32 v20, v13;
	v18 =	vmul.f32 v18, v6  }
0x180: {  	[tilespmem:s24+$0x3180] =	vst v22;
	v21 =	vmax.f32 v21, $0.0e+00;
	v19 =	vadd.f32 v19, v10;
	v17 =	vmul.f32 v17, v4  }
0x181: {  	[tilespmem:s24+$0x3190] =	vst v21;
	v20 =	vmax.f32 v20, $0.0e+00;
	v18 =	vadd.f32 v18, v7;
	v16 =	vmul.f32 v16, v1  }
0x182: {  	[tilespmem:s24+$0x31A0] =	vst v20;
	v19 =	vmax.f32 v19, $0.0e+00;
	v17 =	vadd.f32 v17, v5;
	v20 =	vmul.f32 v23, v0  }
0x183: {  	[tilespmem:s24+$0x31B0] =	vst v19;
	v18 =	vmax.f32 v18, $0.0e+00;
	v16 =	vadd.f32 v16, v3  }
0x184: {  	[tilespmem:s24+$0x31C0] =	vst v18;
	v17 =	vmax.f32 v17, $0.0e+00;
	v18 =	vadd.f32 v20, v2  }
0x185: {  	[tilespmem:s24+$0x31D0] =	vst v17;
	v16 =	vmax.f32 v16, $0.0e+00  }
0x186: {  	[tilespmem:s24+$0x31E0] =	vst v16;
	v16 =	vmax.f32 v18, $0.0e+00  }
0x187: {  	[tilespmem:s24+$0x31F0] =	vst v16  }
0x188: {  	[spmem:s4] =	stream.indirect.scatter.add.f32 [tilespmem:s2], [sflag:$0x8], $0x80, s0, s3, $0xb8;
	[tilespmem:$0x1DB00] =	vst v63  }
0x189: {  	s19 =	simm.s32 $0x0;
	s20 =	rddreg [dreg:$0x12]  }
0x18a: {  	[tilespmem:s25], [sflag:$0xA] =	stream.linear.gather [hbm4b:s20+s19], $0x10, $0x38;
	[tilespmem:$0x1DB00] =	vst v63  }
0x18b: {  	_ =	swait.ge [sflag:s29], $0x10  }
0x18c: {  	[sflag:s29] =	ssyncset.done $0x0  }
0x18d: {  	s24 =	rddreg [dreg:$0x13];
	[sflag:s29] =	ssyncadd.s32 $0xFFFFFFF0  }
0x18e: {  	[tilespmem:s26], [sflag:$0xA] =	stream.linear.gather [hbm4b:s24+s19], $0x800, $0x38;
	[tilespmem:$0x1DB00] =	vst v63  }
0x18f: {  	_ =	swait.ge [sflag:s29], $0x800  }
0x190: {  	[sflag:s29] =	ssyncset.done $0x0  }
0x191: {  	s24 =	simm.s32 $0x0;
	[sflag:s29] =	ssyncadd.s32 $0xFFFFF800  }
0x192: {  	v16 =	vld [tilespmem:s24+$0x9200]  }
0x193: {  	v21 =	vld [tilespmem:s24+$0x9210]  }
0x194: {  	v20 =	vld [tilespmem:s24+$0x9220]  }
0x195: {  	v19 =	vld [tilespmem:s24+$0x9230]  }
0x196: {  	v18 =	vld [tilespmem:s24+$0x9240]  }
0x197: {  	v17 =	vld [tilespmem:s24+$0x9250];
	v22 =	vmul.f32 v16, v11  }
0x198: {  	s19 =	simm.s32 $0x200;
	v21 =	vmul.f32 v21, v12;
	v16 =	vld [tilespmem:s24+$0x9260]  }
.LBB2_20:
0x199: {  	p0 =	sne.s32 s19, $0x1E00;
	v22 =	vadd.f32 v22, v15;
	v20 =	vmul.f32 v20, v9;
	v23 =	vld [tilespmem:s24+$0x9270]  }
0x19a: {  	v21 =	vadd.f32 v21, v14;
	v19 =	vmul.f32 v19, v8  }
0x19b: {  	v22 =	vmax.f32 v22, $0.0e+00;
	v20 =	vadd.f32 v20, v13;
	v18 =	vmul.f32 v18, v6  }
0x19c: {  	s20 =	sshra.s32 s19, $0x2;
	[tilespmem:s24+$0x9200] =	vst v22;
	v21 =	vmax.f32 v21, $0.0e+00;
	v19 =	vadd.f32 v19, v10;
	v17 =	vmul.f32 v17, v4  }
0x19d: {  	v22 =	vld [tilespmem:s20+$0x9200];
	[tilespmem:s24+$0x9210] =	vst v21;
	v20 =	vmax.f32 v20, $0.0e+00;
	v18 =	vadd.f32 v18, v7;
	v16 =	vmul.f32 v16, v1  }
0x19e: {  	v21 =	vld [tilespmem:s20+$0x9210];
	[tilespmem:s24+$0x9220] =	vst v20;
	v19 =	vmax.f32 v19, $0.0e+00;
	v17 =	vadd.f32 v17, v5;
	v23 =	vmul.f32 v23, v0  }
.Ltmp9:
0x19f: {  	v20 =	vld [tilespmem:s20+$0x9220];
	[tilespmem:s24+$0x9230] =	vst v19;
	v18 =	vmax.f32 v18, $0.0e+00;
	v16 =	vadd.f32 v16, v3;
	(pc) =	sbr.rel @p0 .LBB2_20-.Ltmp9, $4  }
0x1a0: {  	v19 =	vld [tilespmem:s20+$0x9230];
	[tilespmem:s24+$0x9240] =	vst v18;
	v17 =	vmax.f32 v17, $0.0e+00;
	v23 =	vadd.f32 v23, v2  }
0x1a1: {  	v18 =	vld [tilespmem:s20+$0x9240];
	[tilespmem:s24+$0x9250] =	vst v17;
	v16 =	vmax.f32 v16, $0.0e+00  }
0x1a2: {  	v22 =	vmul.f32 v22, v11;
	v17 =	vld [tilespmem:s20+$0x9250];
	[tilespmem:s24+$0x9260] =	vst v16;
	v23 =	vmax.f32 v23, $0.0e+00  }
0x1a3: {  	s19 =	sadd.s32 $0x200, s19;
	v21 =	vmul.f32 v21, v12;
	v16 =	vld [tilespmem:s20+$0x9260];
	[tilespmem:s24+$0x9270] =	vst v23;
	s24 =	smov.u32 s20  }
0x1a4: {  	v11 =	vadd.f32 v22, v15;
	v9 =	vmul.f32 v20, v9;
	v12 =	vld [tilespmem:s24+$0x9270]  }
0x1a5: {  	v14 =	vadd.f32 v21, v14;
	v8 =	vmul.f32 v19, v8  }
0x1a6: {  	v11 =	vmax.f32 v11, $0.0e+00;
	v9 =	vadd.f32 v9, v13;
	v6 =	vmul.f32 v18, v6  }
0x1a7: {  	[tilespmem:s24+$0x9200] =	vst v11;
	v60 =	vmax.f32 v14, $0.0e+00;
	v8 =	vadd.f32 v8, v10;
	v4 =	vmul.f32 v17, v4  }
0x1a8: {  	[tilespmem:s24+$0x9210] =	vst v60;
	v9 =	vmax.f32 v9, $0.0e+00;
	v6 =	vadd.f32 v6, v7;
	v1 =	vmul.f32 v16, v1  }
0x1a9: {  	[tilespmem:s24+$0x9220] =	vst v9;
	v61 =	vmax.f32 v8, $0.0e+00;
	v4 =	vadd.f32 v4, v5;
	v0 =	vmul.f32 v12, v0  }
0x1aa: {  	[tilespmem:s24+$0x9230] =	vst v61;
	v62 =	vmax.f32 v6, $0.0e+00;
	v1 =	vadd.f32 v1, v3  }
0x1ab: {  	[tilespmem:s24+$0x9240] =	vst v62;
	v63 =	vmax.f32 v4, $0.0e+00;
	v0 =	vadd.f32 v0, v2  }
0x1ac: {  	[tilespmem:s24+$0x9250] =	vst v63;
	v1 =	vmax.f32 v1, $0.0e+00  }
0x1ad: {  	[tilespmem:s24+$0x9260] =	vst v1;
	v0 =	vmax.f32 v0, $0.0e+00  }
0x1ae: {  	s19 =	simm.s32 $0x10;
	[tilespmem:s24+$0x9270] =	vst v0  }
0x1af: {  	[spmem:s4] =	stream.indirect.scatter.add.f32 [tilespmem:s26], [sflag:$0xA], $0x80, s25, s19, $0xb8;
	[tilespmem:$0x1DB00] =	vst v63  }
0x1b0: {  	_ =	swait.ge [sflag:s29], $0x800  }
0x1b1: {  	[sflag:s29] =	ssyncset.done $0x0  }
0x1b2: {  	[sflag:s29] =	ssyncadd.s32 $0xFFFFF800  }
0x1b3: {  	_ =	swait.ge [sflag:s11], $0x3000  }
0x1b4: {  	[sflag:s11] =	ssyncset.done $0x0  }
0x1b5: {  	[sflag:s11] =	ssyncadd.s32 $0xFFFFD000  }
0x1b6: {  	_ =	swait.ge [sflag:s14], $0x3000  }
0x1b7: {  	[sflag:s14] =	ssyncset.done $0x0  }
0x1b8: {  	[sflag:s14] =	ssyncadd.s32 $0xFFFFD000  }
0x1b9: {  	_ =	swait.ge [sflag:s15], $0x3000  }
0x1ba: {  	[sflag:s15] =	ssyncset.done $0x0  }
0x1bb: {  	[sflag:s15] =	ssyncadd.s32 $0xFFFFD000  }
0x1bc: {  	[bflag:$0x0] =	sbarrier.arrive $0xFFFF  }
0x1bd: {  	s25 =	rddreg [dreg:$0x14]  }
0x1be: {  	[hbm:s25], [sflag:s22] =	dma.local [spmem:s23], $0x2800  }
0x1bf: {  	_ =	swait.ge [sflag:s29], $0x2800  }
0x1c0: {  	s21 =	sadd.s32 $0x1, s21;
	s26 =	rddreg [dreg:$0x15]  }
0x1c1: {  	p0 =	sne.s32 s21, s26  }
.Ltmp10:
0x1c2: {  	_ = 	snop;
	(pc) =	sbr.rel @p0 .LBB2_1-.Ltmp10, $3  }
0x1c3: {  	_ =	sdelay $0x1  }
0x1c4: {  	[sflag:s29] =	ssyncset.done $0x0  }
0x1c5: {  	[sflag:s29] =	ssyncadd.s32 $0xFFFFD800  }
0x1c6: {  	_ =	sfence.sel $0x180000  }
0x1c7: {  	[bflag:$0x0] =	sbarrier.arrive $0xFFFF  }
0x1c8: {  	_ =	strace $0x90000047  }
0x1c9: {  	s0 =	stileid.u32;
	[bflag:$0x2] =	sbarrier.arrive $0xFFFF  }
0x1ca: {  	p0 =	sne.s32 s0, $0x0;
	s0 =	rddreg [dreg:$0x4]  }
0x1cb: {  	s0 =	sadd.s32 @!p0 $0x100000, s0  }
0x1cc: {  	[sflag:s0] =	ssyncadd.tile.s32 @!p0 $0x1;
	_ =	shalt  }
.Lfunc_end2:
_tile_overlayer_lowered:
.L_overlay_start_2:
0x1cd: {  	(tag) =	ssettag $0x2  }
0x1ce: {  	s0 =	rddreg [dreg:$0x0];
	s2 =	stileid.u32  }
0x1cf: {  	s1 =	rddreg [dreg:$0x1];
	p0 =	sne.s32 s2, $0x0  }
0x1d0: {  	s3 =	rddreg [dreg:$0x2];
	[bflag:$0x3] =	sbarrier.arrive $0xFFFF;
	s2 =	simm.s32 @!p0 $0x1C0A  }
0x1d1: {  	[timem:s3], [sflag:s2] =	dma.local @!p0 [hbm:s0], s1  }
0x1d2: {  	s0 =	simm.s32 @!p0 $0xA  }
0x1d3: {  	_ =	swait.ge @!p0 [sflag:s0], s1  }
0x1d4: {  	s1 =	ssub.s32 @!p0 $0x0, s1;
	[sflag:s0] =	ssyncset.done @!p0 $0x0  }
0x1d5: {  	[sflag:s0] =	ssyncadd.s32 @!p0 s1  }
0x1d6: {  	[bflag:$0x3] =	sbarrier.arrive $0xFFFF  }
0x1d7: {  	_ =	shalt  }

</sc_bundles>
